<compile_context>
chip_gen: v7x
topology: tpu7x:2x2x1
jax: 0.10.2.dev20260603
libtpu: 0.0.44.dev20260713+nightly
codegen_flags: <defaults>
</compile_context>

<pallas_src>
import functools

import jax
import jax.numpy as jnp
from jax import lax
from jax.experimental import pallas as pl
from jax.experimental.pallas import tpu as pltpu
from jax.experimental.pallas import tpu_sc as plsc

_N = 10000
_D = 128
_NPAD = 10240
_NC = 2
_NS = 16
_NW = _NC * _NS
_C = 128
_TOT = 2560
_P0 = 144
_P1 = 16
_SEG = 40
_SEGS0 = (40, 40, 40, 24)
_SEGS1 = (16,)
_NBUF = 2
_EPAD = _TOT * _C
_RPT = _NPAD // _NS
_PD0 = 96
_PD1 = 64


def _deg_body(src_hbm, dst_hbm, deg_hbm, idx_v, hist_v):
    cid = lax.axis_index("c")
    sid = lax.axis_index("s")
    wid = cid * _NS + sid
    ones = jnp.ones((16,), jnp.float32)
    zeros = jnp.zeros((16,), jnp.float32)

    def rbody(r, _):
        for k in range(_C // 16):
            idx = idx_v[r, pl.ds(k * 16, 16)]
            plsc.addupdate_scatter(hist_v, [idx], ones)
        return 0

    for which, ind_hbm in ((0, src_hbm), (1, dst_hbm)):
        def zbody(i, _):
            for k in range(8):
                hist_v[pl.ds(i * 128 + k * 16, 16)] = zeros
            return 0
        lax.fori_loop(0, _NPAD // 128, zbody, 0)

        @pl.when(cid == 0)
        def _():
            pltpu.sync_copy(ind_hbm.at[pl.ds(sid * _PD0, _PD0)], idx_v)
            lax.fori_loop(0, _PD0, rbody, 0)

        @pl.when(cid == 1)
        def _():
            pltpu.sync_copy(ind_hbm.at[pl.ds(_NS * _PD0 + sid * _PD1, _PD1)],
                            idx_v.at[pl.ds(0, _PD1)])
            lax.fori_loop(0, _PD1, rbody, 0)

        pltpu.sync_copy(hist_v, deg_hbm.at[which, wid])


_deg = functools.partial(
    pl.kernel,
    out_type=jax.ShapeDtypeStruct((2, _NW, _NPAD), jnp.float32),
    mesh=plsc.VectorSubcoreMesh(core_axis_name="c", subcore_axis_name="s"),
    compiler_params=pltpu.CompilerParams(needs_layout_passes=False),
    scratch_types=[
        pltpu.VMEM((_PD0, _C), jnp.int32),
        pltpu.VMEM((_NPAD,), jnp.float32),
    ],
)(_deg_body)


def _agg_body(h_hbm, src_hbm, dst_hbm, out_hbm, src_v, dst_v, rows_v, accum,
              *sems):
    cid = lax.axis_index("c")
    sid = lax.axis_index("s")
    zeros = jnp.zeros((16,), jnp.float32)

    def zr(r, _):
        for k in range(_D // 16):
            rows_v[0, r, pl.ds(k * 16, 16)] = zeros
        return 0
    lax.fori_loop(0, _C, zr, 0)
    for t in range(_RPT // _C):
        pltpu.sync_copy(rows_v.at[0], accum.at[pl.ds(sid * _RPT + t * _C, _C)])
    plsc.subcore_barrier()

    bufs = tuple((rows_v.at[i], sems[i]) for i in range(_NBUF))

    def run(start, seg_lens):
        off = 0
        for seg_len in seg_lens:
            base = start + off
            pltpu.sync_copy(src_hbm.at[pl.ds(base, seg_len)],
                            src_v.at[pl.ds(0, seg_len)])
            pltpu.sync_copy(dst_hbm.at[pl.ds(base, seg_len)],
                            dst_v.at[pl.ds(0, seg_len)])
            for i, (buf, sem) in enumerate(bufs):
                pltpu.async_copy(h_hbm.at[src_v.at[i]], buf, sem)

            def step(jj, _):
                for par, (buf, sem) in enumerate(bufs):
                    j = jj * _NBUF + par
                    pltpu.make_async_copy(h_hbm.at[pl.ds(0, _C)], buf, sem).wait()
                    pltpu.sync_copy(buf, accum.at[dst_v.at[j]], add=True)
                    pltpu.async_copy(h_hbm.at[src_v.at[j + _NBUF]], buf, sem)
                return 0
            lax.fori_loop(0, seg_len // _NBUF - 1, step, 0)
            for par, (buf, sem) in enumerate(bufs):
                j = seg_len - _NBUF + par
                pltpu.make_async_copy(h_hbm.at[pl.ds(0, _C)], buf, sem).wait()
                pltpu.sync_copy(buf, accum.at[dst_v.at[j]], add=True)
            off += seg_len

    @pl.when(cid == 0)
    def _():
        run(sid * _P0, _SEGS0)

    @pl.when(cid == 1)
    def _():
        run(_NS * _P0 + sid * _P1, _SEGS1)

    plsc.subcore_barrier()
    pltpu.sync_copy(accum.at[pl.ds(sid * _RPT, _RPT)],
                    out_hbm.at[cid, pl.ds(sid * _RPT, _RPT)])


_agg = functools.partial(
    pl.kernel,
    out_type=jax.ShapeDtypeStruct((_NC, _NPAD, _D), jnp.float32),
    mesh=plsc.VectorSubcoreMesh(core_axis_name="c", subcore_axis_name="s"),
    compiler_params=pltpu.CompilerParams(needs_layout_passes=False),
    scratch_types=[
        pltpu.VMEM((_SEG, _C), jnp.int32),
        pltpu.VMEM((_SEG, _C), jnp.int32),
        pltpu.VMEM((_NBUF, _C, _D), jnp.float32),
        pltpu.VMEM_SHARED((_NPAD, _D), jnp.float32),
    ] + [pltpu.SemaphoreType.DMA] * _NBUF,
)(_agg_body)


def _norm_body(deg_ref, out_ref):
    d = deg_ref[...]
    s_src = jnp.sum(d[0:_NW, :], axis=0, keepdims=True)
    s_dst = jnp.sum(d[_NW:, :], axis=0, keepdims=True)
    s = jnp.concatenate([s_src, s_dst], axis=0) + 1.0
    out_ref[...] = lax.rsqrt(jnp.maximum(s, 1.0))


def _scale_body(x_ref, n_ref, h_ref):
    h_ref[...] = x_ref[...] * n_ref[...]


def _final_body(p0_ref, p1_ref, h_ref, nd_ref, w_ref, b_ref, o_ref):
    s = (p0_ref[...] + p1_ref[...] + h_ref[...]) * nd_ref[...]
    o_ref[...] = jnp.dot(s, w_ref[...],
                         preferred_element_type=jnp.float32) + b_ref[...]


_BR = 1024
_NB = _NPAD // _BR


def kernel(x, edge_index, W, b, use_weighted_edge):
    src = edge_index[0]
    dst = edge_index[1]
    pad = _EPAD - src.shape[0]
    fill = jnp.full((pad,), _N, jnp.int32)
    src_p = jnp.concatenate([src, fill]).reshape(_TOT, _C)
    dst_p = jnp.concatenate([dst, fill]).reshape(_TOT, _C)

    deg = _deg(src_p, dst_p)

    norms = pl.pallas_call(
        _norm_body,
        grid=(_NB,),
        in_specs=[pl.BlockSpec((2 * _NW, _BR), lambda j: (0, j))],
        out_specs=pl.BlockSpec((2, _BR), lambda j: (0, j)),
        out_shape=jax.ShapeDtypeStruct((2, _NPAD), jnp.float32),
    )(deg.reshape(2 * _NW, _NPAD))
    nsrc = norms[0].reshape(_NPAD, 1)
    ndst = norms[1].reshape(_NPAD, 1)

    h = pl.pallas_call(
        _scale_body,
        grid=(_NB,),
        in_specs=[pl.BlockSpec((_BR, _D), lambda j: (j, 0)),
                  pl.BlockSpec((_BR, 1), lambda j: (j, 0))],
        out_specs=pl.BlockSpec((_BR, _D), lambda j: (j, 0)),
        out_shape=jax.ShapeDtypeStruct((_NPAD, _D), jnp.float32),
    )(x, nsrc)

    parts = _agg(h, src_p, dst_p).reshape(_NC * _NPAD, _D)

    out = pl.pallas_call(
        _final_body,
        grid=(_NB,),
        in_specs=[pl.BlockSpec((_BR, _D), lambda j: (j, 0)),
                  pl.BlockSpec((_BR, _D), lambda j: (j + _NB, 0)),
                  pl.BlockSpec((_BR, _D), lambda j: (j, 0)),
                  pl.BlockSpec((_BR, 1), lambda j: (j, 0)),
                  pl.BlockSpec((_D, _D), lambda j: (0, 0)),
                  pl.BlockSpec((1, _D), lambda j: (0, 0))],
        out_specs=pl.BlockSpec((_BR, _D), lambda j: (j, 0)),
        out_shape=jax.ShapeDtypeStruct((_N, _D), jnp.float32),
    )(parts, parts, h, ndst, W, b.reshape(1, _D))
    return out

# --- scband reference (transcript-rebuilt; emitter-appended) ---
"""Pipeline reference for scband-gcn-87926570484536 (READ-ONLY COPY).

The authoritative reference and input builder live on the scoring server;
editing this copy changes nothing except your own understanding.
"""

import jax, jax.numpy as jnp
import numpy as np

N = 10000
E = 320000
D_IN = 128
D_OUT = 128


def setup_inputs(seed: int = 0) -> dict:
    key = jax.random.key(seed)
    k1, k2, k3 = jax.random.split(key, 3)
    x = jax.random.normal(k1, (N, D_IN), dtype=jnp.float32)
    edge_index = jax.random.randint(k2, (2, E), 0, N, dtype=jnp.int32)
    W = jax.random.normal(k3, (D_IN, D_OUT), dtype=jnp.float32) * 0.05
    b = jnp.zeros((D_OUT,), dtype=jnp.float32)
    return {"x": x, "edge_index": edge_index, "W": W, "b": b, "use_weighted_edge": 0}


def reference(x, edge_index, W, b, use_weighted_edge):
    # GCN with layer_num=1: single GraphConv(in_feats, out_feat), no activation.
    # DGL semantics: add self-loops, symmetric 'both' normalization,
    # out = D_in^{-1/2} * A * D_out^{-1/2} * X * W + b.
    n = x.shape[0]
    loop = jnp.arange(n, dtype=edge_index.dtype)
    src = jnp.concatenate([edge_index[0], loop])
    dst = jnp.concatenate([edge_index[1], loop])
    ones = jnp.ones(src.shape[0], dtype=x.dtype)
    deg_out = jax.ops.segment_sum(ones, src, num_segments=n)
    deg_in = jax.ops.segment_sum(ones, dst, num_segments=n)
    norm_src = jax.lax.rsqrt(jnp.maximum(deg_out, 1.0))
    norm_dst = jax.lax.rsqrt(jnp.maximum(deg_in, 1.0))
    # use_weighted_edge is 0 (False): no edge weights applied.
    h = x * norm_src[:, None]
    msgs = jnp.take(h, src, axis=0)
    agg = jax.ops.segment_sum(msgs, dst, num_segments=n)
    agg = agg * norm_dst[:, None]
    out = agg @ W + b
    return out

if __name__ == "__main__":
    import jax
    _d = setup_inputs()
    print(jax.jit(kernel)(*tuple(_d.values())))

</pallas_src>

<mosaic_0001>
#map = affine_map<(d0, d1) -> (0, 0)>
#map1 = affine_map<(d0, d1) -> (0, 0, 0)>
module attributes {stable_mosaic.version = 14 : i64} {
  func.func @_agg_body(%arg0: i32, %arg1: i32, %arg2: memref<10240x128xf32, #tpu.memory_space<hbm>>, %arg3: memref<2560x128xi32, #tpu.memory_space<hbm>>, %arg4: memref<2560x128xi32, #tpu.memory_space<hbm>>, %arg5: memref<2x10240x128xf32, #tpu.memory_space<hbm>>, %arg6: memref<40x128xi32, #tpu.memory_space<vmem>>, %arg7: memref<40x128xi32, #tpu.memory_space<vmem>>, %arg8: memref<2x128x128xf32, #tpu.memory_space<vmem>>, %arg9: memref<10240x128xf32, #tpu.memory_space<vmem_shared>>, %arg10: memref<!tpu.dma_semaphore, #tpu.memory_space<semaphore_mem>>, %arg11: memref<!tpu.dma_semaphore, #tpu.memory_space<semaphore_mem>>) attributes {dimension_semantics = [#tpu.dimension_semantics<core_parallel>, #tpu.dimension_semantics<subcore_parallel>], iteration_bounds = array<i64: 2, 16>, scalar_prefetch = 0 : i64, scratch_operands = 6 : i64, tpu.core_type = #tpu.core_type<sc_vector_subcore>, window_params = [{transform_indices = #map}, {transform_indices = #map}, {transform_indices = #map}, {transform_indices = #map1}]} {
    %broadcast_in_dim3A = arith.constant 0.000000e+00 : f32
    %broadcast_in_dim3A_0 = vector.broadcast %broadcast_in_dim3A : f32 to vector<16xf32>
    %scan3A = arith.constant 0 : i32
    %scan3A_1 = arith.constant 0 : i32
    %scan3A_2 = arith.constant 128 : i32
    %scan3A_3 = arith.addi %scan3A_1, %scan3A_2 : i32
    %scan3A_4 = arith.constant 1 : i32
    %scan3A_5 = scf.for %scan3A_45 = %scan3A_1 to %scan3A_3 step %scan3A_4 iter_args(%scan3A_46 = %scan3A) -> (i32)  : i32 {
      %swap3A = arith.constant 0 : i32
      %swap3A_47 = arith.index_cast %swap3A : i32 to index
      %swap3A_48 = arith.index_cast %scan3A_45 : i32 to index
      %swap3A_49 = arith.constant 0 : index
      %swap3A_50 = tpu.vector_load %arg8[%swap3A_47, %swap3A_48, %swap3A_49] {strides = array<i32>} : memref<2x128x128xf32, #tpu.memory_space<vmem>>, vector<16xf32>,
      tpu.vector_store %arg8[%swap3A_47, %swap3A_48, %swap3A_49], %broadcast_in_dim3A_0 {strides = array<i32>} : memref<2x128x128xf32, #tpu.memory_space<vmem>>, vector<16xf32>,
      %swap3A_51 = arith.constant 0 : i32
      %swap3A_52 = arith.index_cast %swap3A_51 : i32 to index
      %swap3A_53 = arith.index_cast %scan3A_45 : i32 to index
      %swap3A_54 = arith.constant 16 : index
      %swap3A_55 = tpu.vector_load %arg8[%swap3A_52, %swap3A_53, %swap3A_54] {strides = array<i32>} : memref<2x128x128xf32, #tpu.memory_space<vmem>>, vector<16xf32>,
      tpu.vector_store %arg8[%swap3A_52, %swap3A_53, %swap3A_54], %broadcast_in_dim3A_0 {strides = array<i32>} : memref<2x128x128xf32, #tpu.memory_space<vmem>>, vector<16xf32>,
      %swap3A_56 = arith.constant 0 : i32
      %swap3A_57 = arith.index_cast %swap3A_56 : i32 to index
      %swap3A_58 = arith.index_cast %scan3A_45 : i32 to index
      %swap3A_59 = arith.constant 32 : index
      %swap3A_60 = tpu.vector_load %arg8[%swap3A_57, %swap3A_58, %swap3A_59] {strides = array<i32>} : memref<2x128x128xf32, #tpu.memory_space<vmem>>, vector<16xf32>,
      tpu.vector_store %arg8[%swap3A_57, %swap3A_58, %swap3A_59], %broadcast_in_dim3A_0 {strides = array<i32>} : memref<2x128x128xf32, #tpu.memory_space<vmem>>, vector<16xf32>,
      %swap3A_61 = arith.constant 0 : i32
      %swap3A_62 = arith.index_cast %swap3A_61 : i32 to index
      %swap3A_63 = arith.index_cast %scan3A_45 : i32 to index
      %swap3A_64 = arith.constant 48 : index
      %swap3A_65 = tpu.vector_load %arg8[%swap3A_62, %swap3A_63, %swap3A_64] {strides = array<i32>} : memref<2x128x128xf32, #tpu.memory_space<vmem>>, vector<16xf32>,
      tpu.vector_store %arg8[%swap3A_62, %swap3A_63, %swap3A_64], %broadcast_in_dim3A_0 {strides = array<i32>} : memref<2x128x128xf32, #tpu.memory_space<vmem>>, vector<16xf32>,
      %swap3A_66 = arith.constant 0 : i32
      %swap3A_67 = arith.index_cast %swap3A_66 : i32 to index
      %swap3A_68 = arith.index_cast %scan3A_45 : i32 to index
      %swap3A_69 = arith.constant 64 : index
      %swap3A_70 = tpu.vector_load %arg8[%swap3A_67, %swap3A_68, %swap3A_69] {strides = array<i32>} : memref<2x128x128xf32, #tpu.memory_space<vmem>>, vector<16xf32>,
      tpu.vector_store %arg8[%swap3A_67, %swap3A_68, %swap3A_69], %broadcast_in_dim3A_0 {strides = array<i32>} : memref<2x128x128xf32, #tpu.memory_space<vmem>>, vector<16xf32>,
      %swap3A_71 = arith.constant 0 : i32
      %swap3A_72 = arith.index_cast %swap3A_71 : i32 to index
      %swap3A_73 = arith.index_cast %scan3A_45 : i32 to index
      %swap3A_74 = arith.constant 80 : index
      %swap3A_75 = tpu.vector_load %arg8[%swap3A_72, %swap3A_73, %swap3A_74] {strides = array<i32>} : memref<2x128x128xf32, #tpu.memory_space<vmem>>, vector<16xf32>,
      tpu.vector_store %arg8[%swap3A_72, %swap3A_73, %swap3A_74], %broadcast_in_dim3A_0 {strides = array<i32>} : memref<2x128x128xf32, #tpu.memory_space<vmem>>, vector<16xf32>,
      %swap3A_76 = arith.constant 0 : i32
      %swap3A_77 = arith.index_cast %swap3A_76 : i32 to index
      %swap3A_78 = arith.index_cast %scan3A_45 : i32 to index
      %swap3A_79 = arith.constant 96 : index
      %swap3A_80 = tpu.vector_load %arg8[%swap3A_77, %swap3A_78, %swap3A_79] {strides = array<i32>} : memref<2x128x128xf32, #tpu.memory_space<vmem>>, vector<16xf32>,
      tpu.vector_store %arg8[%swap3A_77, %swap3A_78, %swap3A_79], %broadcast_in_dim3A_0 {strides = array<i32>} : memref<2x128x128xf32, #tpu.memory_space<vmem>>, vector<16xf32>,
      %swap3A_81 = arith.constant 0 : i32
      %swap3A_82 = arith.index_cast %swap3A_81 : i32 to index
      %swap3A_83 = arith.index_cast %scan3A_45 : i32 to index
      %swap3A_84 = arith.constant 112 : index
      %swap3A_85 = tpu.vector_load %arg8[%swap3A_82, %swap3A_83, %swap3A_84] {strides = array<i32>} : memref<2x128x128xf32, #tpu.memory_space<vmem>>, vector<16xf32>,
      tpu.vector_store %arg8[%swap3A_82, %swap3A_83, %swap3A_84], %broadcast_in_dim3A_0 {strides = array<i32>} : memref<2x128x128xf32, #tpu.memory_space<vmem>>, vector<16xf32>,
      %scan3A_86 = arith.constant 0 : i32
      scf.yield %scan3A_86 : i32
    }
    %scan3A_6 = arith.constant 128 : i32
    %mul3A = arith.constant 640 : i32
    %mul3A_7 = arith.muli %arg1, %mul3A : i32
    %add3A = arith.constant 0 : i32
    %add3A_8 = arith.addi %mul3A_7, %add3A : i32
    %run_scoped3A = arith.constant 0 : i32
    "tpu.region"() ({
      %run_scoped3A_45 = tpu.sem_alloc : memref<!tpu.dma_semaphore, #tpu.memory_space<semaphore_mem>>
      %dma_start3A = arith.constant 0 : i32
      %dma_start3A_46 = arith.constant 0 : i32
      %dma_start3A_47 = tpu.memref_slice %arg8[%run_scoped3A, %dma_start3A, %dma_start3A_46] : memref<2x128x128xf32, #tpu.memory_space<vmem>> -> memref<1x128x128xf32, #tpu.memory_space<vmem>>
      %dma_start3A_48 = tpu.memref_squeeze %dma_start3A_47 : memref<1x128x128xf32, #tpu.memory_space<vmem>> -> memref<128x128xf32, #tpu.memory_space<vmem>>
      %dma_start3A_49 = arith.constant 0 : i32
      %dma_start3A_50 = tpu.memref_slice %arg9[%add3A_8, %dma_start3A_49] : memref<10240x128xf32, #tpu.memory_space<vmem_shared>> -> memref<128x128xf32, #tpu.memory_space<vmem_shared>>
      %dma_start3A_51 = arith.constant 0 : i32
      %dma_start3A_52 = tpu.memref_slice %arg9[%add3A_8, %dma_start3A_51] : memref<10240x128xf32, #tpu.memory_space<vmem_shared>> -> memref<128x128xf32, #tpu.memory_space<vmem_shared>>
      %dma_start3A_53 = arith.constant 0 : i32
      %dma_start3A_54 = arith.constant 0 : i32
      %dma_start3A_55 = tpu.memref_slice %arg8[%run_scoped3A, %dma_start3A_53, %dma_start3A_54] : memref<2x128x128xf32, #tpu.memory_space<vmem>> -> memref<1x128x128xf32, #tpu.memory_space<vmem>>
      %dma_start3A_56 = tpu.memref_squeeze %dma_start3A_55 : memref<1x128x128xf32, #tpu.memory_space<vmem>> -> memref<128x128xf32, #tpu.memory_space<vmem>>
      tpu.enqueue_dma source(%dma_start3A_56 : memref<128x128xf32, #tpu.memory_space<vmem>>) target(%dma_start3A_52 : memref<128x128xf32, #tpu.memory_space<vmem_shared>>) target_semaphore(%run_scoped3A_45 : memref<!tpu.dma_semaphore, #tpu.memory_space<semaphore_mem>>)
      %dma_wait3A = arith.constant 0 : i32
      %dma_wait3A_57 = arith.constant 0 : i32
      %dma_wait3A_58 = tpu.memref_slice %arg8[%run_scoped3A, %dma_wait3A, %dma_wait3A_57] : memref<2x128x128xf32, #tpu.memory_space<vmem>> -> memref<1x128x128xf32, #tpu.memory_space<vmem>>
      %dma_wait3A_59 = tpu.memref_squeeze %dma_wait3A_58 : memref<1x128x128xf32, #tpu.memory_space<vmem>> -> memref<128x128xf32, #tpu.memory_space<vmem>>
      %dma_wait3A_60 = arith.constant 0 : i32
      %dma_wait3A_61 = tpu.memref_slice %arg9[%add3A_8, %dma_wait3A_60] : memref<10240x128xf32, #tpu.memory_space<vmem_shared>> -> memref<128x128xf32, #tpu.memory_space<vmem_shared>>
      %dma_wait3A_62 = arith.constant 0 : i32
      %dma_wait3A_63 = tpu.memref_slice %arg9[%add3A_8, %dma_wait3A_62] : memref<10240x128xf32, #tpu.memory_space<vmem_shared>> -> memref<128x128xf32, #tpu.memory_space<vmem_shared>>
      %dma_wait3A_64 = arith.constant 0 : i32
      %dma_wait3A_65 = arith.constant 0 : i32
      %dma_wait3A_66 = tpu.memref_slice %arg8[%run_scoped3A, %dma_wait3A_64, %dma_wait3A_65] : memref<2x128x128xf32, #tpu.memory_space<vmem>> -> memref<1x128x128xf32, #tpu.memory_space<vmem>>
      %dma_wait3A_67 = tpu.memref_squeeze %dma_wait3A_66 : memref<1x128x128xf32, #tpu.memory_space<vmem>> -> memref<128x128xf32, #tpu.memory_space<vmem>>
      tpu.wait_dma2 semaphore(%run_scoped3A_45 : memref<!tpu.dma_semaphore, #tpu.memory_space<semaphore_mem>>) src(%dma_wait3A_67 : memref<128x128xf32, #tpu.memory_space<vmem>>) dst(%dma_wait3A_63 : memref<128x128xf32, #tpu.memory_space<vmem_shared>>)
      tpu.yield
    }) : () -> ()
    %mul3A_9 = arith.constant 640 : i32
    %mul3A_10 = arith.muli %arg1, %mul3A_9 : i32
    %add3A_11 = arith.constant 128 : i32
    %add3A_12 = arith.addi %mul3A_10, %add3A_11 : i32
    %run_scoped3A_13 = arith.constant 0 : i32
    "tpu.region"() ({
      %run_scoped3A_45 = tpu.sem_alloc : memref<!tpu.dma_semaphore, #tpu.memory_space<semaphore_mem>>
      %dma_start3A = arith.constant 0 : i32
      %dma_start3A_46 = arith.constant 0 : i32
      %dma_start3A_47 = tpu.memref_slice %arg8[%run_scoped3A_13, %dma_start3A, %dma_start3A_46] : memref<2x128x128xf32, #tpu.memory_space<vmem>> -> memref<1x128x128xf32, #tpu.memory_space<vmem>>
      %dma_start3A_48 = tpu.memref_squeeze %dma_start3A_47 : memref<1x128x128xf32, #tpu.memory_space<vmem>> -> memref<128x128xf32, #tpu.memory_space<vmem>>
      %dma_start3A_49 = arith.constant 0 : i32
      %dma_start3A_50 = tpu.memref_slice %arg9[%add3A_12, %dma_start3A_49] : memref<10240x128xf32, #tpu.memory_space<vmem_shared>> -> memref<128x128xf32, #tpu.memory_space<vmem_shared>>
      %dma_start3A_51 = arith.constant 0 : i32
      %dma_start3A_52 = tpu.memref_slice %arg9[%add3A_12, %dma_start3A_51] : memref<10240x128xf32, #tpu.memory_space<vmem_shared>> -> memref<128x128xf32, #tpu.memory_space<vmem_shared>>
      %dma_start3A_53 = arith.constant 0 : i32
      %dma_start3A_54 = arith.constant 0 : i32
      %dma_start3A_55 = tpu.memref_slice %arg8[%run_scoped3A_13, %dma_start3A_53, %dma_start3A_54] : memref<2x128x128xf32, #tpu.memory_space<vmem>> -> memref<1x128x128xf32, #tpu.memory_space<vmem>>
      %dma_start3A_56 = tpu.memref_squeeze %dma_start3A_55 : memref<1x128x128xf32, #tpu.memory_space<vmem>> -> memref<128x128xf32, #tpu.memory_space<vmem>>
      tpu.enqueue_dma source(%dma_start3A_56 : memref<128x128xf32, #tpu.memory_space<vmem>>) target(%dma_start3A_52 : memref<128x128xf32, #tpu.memory_space<vmem_shared>>) target_semaphore(%run_scoped3A_45 : memref<!tpu.dma_semaphore, #tpu.memory_space<semaphore_mem>>)
      %dma_wait3A = arith.constant 0 : i32
      %dma_wait3A_57 = arith.constant 0 : i32
      %dma_wait3A_58 = tpu.memref_slice %arg8[%run_scoped3A_13, %dma_wait3A, %dma_wait3A_57] : memref<2x128x128xf32, #tpu.memory_space<vmem>> -> memref<1x128x128xf32, #tpu.memory_space<vmem>>
      %dma_wait3A_59 = tpu.memref_squeeze %dma_wait3A_58 : memref<1x128x128xf32, #tpu.memory_space<vmem>> -> memref<128x128xf32, #tpu.memory_space<vmem>>
      %dma_wait3A_60 = arith.constant 0 : i32
      %dma_wait3A_61 = tpu.memref_slice %arg9[%add3A_12, %dma_wait3A_60] : memref<10240x128xf32, #tpu.memory_space<vmem_shared>> -> memref<128x128xf32, #tpu.memory_space<vmem_shared>>
      %dma_wait3A_62 = arith.constant 0 : i32
      %dma_wait3A_63 = tpu.memref_slice %arg9[%add3A_12, %dma_wait3A_62] : memref<10240x128xf32, #tpu.memory_space<vmem_shared>> -> memref<128x128xf32, #tpu.memory_space<vmem_shared>>
      %dma_wait3A_64 = arith.constant 0 : i32
      %dma_wait3A_65 = arith.constant 0 : i32
      %dma_wait3A_66 = tpu.memref_slice %arg8[%run_scoped3A_13, %dma_wait3A_64, %dma_wait3A_65] : memref<2x128x128xf32, #tpu.memory_space<vmem>> -> memref<1x128x128xf32, #tpu.memory_space<vmem>>
      %dma_wait3A_67 = tpu.memref_squeeze %dma_wait3A_66 : memref<1x128x128xf32, #tpu.memory_space<vmem>> -> memref<128x128xf32, #tpu.memory_space<vmem>>
      tpu.wait_dma2 semaphore(%run_scoped3A_45 : memref<!tpu.dma_semaphore, #tpu.memory_space<semaphore_mem>>) src(%dma_wait3A_67 : memref<128x128xf32, #tpu.memory_space<vmem>>) dst(%dma_wait3A_63 : memref<128x128xf32, #tpu.memory_space<vmem_shared>>)
      tpu.yield
    }) : () -> ()
    %mul3A_14 = arith.constant 640 : i32
    %mul3A_15 = arith.muli %arg1, %mul3A_14 : i32
    %add3A_16 = arith.constant 256 : i32
    %add3A_17 = arith.addi %mul3A_15, %add3A_16 : i32
    %run_scoped3A_18 = arith.constant 0 : i32
    "tpu.region"() ({
      %run_scoped3A_45 = tpu.sem_alloc : memref<!tpu.dma_semaphore, #tpu.memory_space<semaphore_mem>>
      %dma_start3A = arith.constant 0 : i32
      %dma_start3A_46 = arith.constant 0 : i32
      %dma_start3A_47 = tpu.memref_slice %arg8[%run_scoped3A_18, %dma_start3A, %dma_start3A_46] : memref<2x128x128xf32, #tpu.memory_space<vmem>> -> memref<1x128x128xf32, #tpu.memory_space<vmem>>
      %dma_start3A_48 = tpu.memref_squeeze %dma_start3A_47 : memref<1x128x128xf32, #tpu.memory_space<vmem>> -> memref<128x128xf32, #tpu.memory_space<vmem>>
      %dma_start3A_49 = arith.constant 0 : i32
      %dma_start3A_50 = tpu.memref_slice %arg9[%add3A_17, %dma_start3A_49] : memref<10240x128xf32, #tpu.memory_space<vmem_shared>> -> memref<128x128xf32, #tpu.memory_space<vmem_shared>>
      %dma_start3A_51 = arith.constant 0 : i32
      %dma_start3A_52 = tpu.memref_slice %arg9[%add3A_17, %dma_start3A_51] : memref<10240x128xf32, #tpu.memory_space<vmem_shared>> -> memref<128x128xf32, #tpu.memory_space<vmem_shared>>
      %dma_start3A_53 = arith.constant 0 : i32
      %dma_start3A_54 = arith.constant 0 : i32
      %dma_start3A_55 = tpu.memref_slice %arg8[%run_scoped3A_18, %dma_start3A_53, %dma_start3A_54] : memref<2x128x128xf32, #tpu.memory_space<vmem>> -> memref<1x128x128xf32, #tpu.memory_space<vmem>>
      %dma_start3A_56 = tpu.memref_squeeze %dma_start3A_55 : memref<1x128x128xf32, #tpu.memory_space<vmem>> -> memref<128x128xf32, #tpu.memory_space<vmem>>
      tpu.enqueue_dma source(%dma_start3A_56 : memref<128x128xf32, #tpu.memory_space<vmem>>) target(%dma_start3A_52 : memref<128x128xf32, #tpu.memory_space<vmem_shared>>) target_semaphore(%run_scoped3A_45 : memref<!tpu.dma_semaphore, #tpu.memory_space<semaphore_mem>>)
      %dma_wait3A = arith.constant 0 : i32
      %dma_wait3A_57 = arith.constant 0 : i32
      %dma_wait3A_58 = tpu.memref_slice %arg8[%run_scoped3A_18, %dma_wait3A, %dma_wait3A_57] : memref<2x128x128xf32, #tpu.memory_space<vmem>> -> memref<1x128x128xf32, #tpu.memory_space<vmem>>
      %dma_wait3A_59 = tpu.memref_squeeze %dma_wait3A_58 : memref<1x128x128xf32, #tpu.memory_space<vmem>> -> memref<128x128xf32, #tpu.memory_space<vmem>>
      %dma_wait3A_60 = arith.constant 0 : i32
      %dma_wait3A_61 = tpu.memref_slice %arg9[%add3A_17, %dma_wait3A_60] : memref<10240x128xf32, #tpu.memory_space<vmem_shared>> -> memref<128x128xf32, #tpu.memory_space<vmem_shared>>
      %dma_wait3A_62 = arith.constant 0 : i32
      %dma_wait3A_63 = tpu.memref_slice %arg9[%add3A_17, %dma_wait3A_62] : memref<10240x128xf32, #tpu.memory_space<vmem_shared>> -> memref<128x128xf32, #tpu.memory_space<vmem_shared>>
      %dma_wait3A_64 = arith.constant 0 : i32
      %dma_wait3A_65 = arith.constant 0 : i32
      %dma_wait3A_66 = tpu.memref_slice %arg8[%run_scoped3A_18, %dma_wait3A_64, %dma_wait3A_65] : memref<2x128x128xf32, #tpu.memory_space<vmem>> -> memref<1x128x128xf32, #tpu.memory_space<vmem>>
      %dma_wait3A_67 = tpu.memref_squeeze %dma_wait3A_66 : memref<1x128x128xf32, #tpu.memory_space<vmem>> -> memref<128x128xf32, #tpu.memory_space<vmem>>
      tpu.wait_dma2 semaphore(%run_scoped3A_45 : memref<!tpu.dma_semaphore, #tpu.memory_space<semaphore_mem>>) src(%dma_wait3A_67 : memref<128x128xf32, #tpu.memory_space<vmem>>) dst(%dma_wait3A_63 : memref<128x128xf32, #tpu.memory_space<vmem_shared>>)
      tpu.yield
    }) : () -> ()
    %mul3A_19 = arith.constant 640 : i32
    %mul3A_20 = arith.muli %arg1, %mul3A_19 : i32
    %add3A_21 = arith.constant 384 : i32
    %add3A_22 = arith.addi %mul3A_20, %add3A_21 : i32
    %run_scoped3A_23 = arith.constant 0 : i32
    "tpu.region"() ({
      %run_scoped3A_45 = tpu.sem_alloc : memref<!tpu.dma_semaphore, #tpu.memory_space<semaphore_mem>>
      %dma_start3A = arith.constant 0 : i32
      %dma_start3A_46 = arith.constant 0 : i32
      %dma_start3A_47 = tpu.memref_slice %arg8[%run_scoped3A_23, %dma_start3A, %dma_start3A_46] : memref<2x128x128xf32, #tpu.memory_space<vmem>> -> memref<1x128x128xf32, #tpu.memory_space<vmem>>
      %dma_start3A_48 = tpu.memref_squeeze %dma_start3A_47 : memref<1x128x128xf32, #tpu.memory_space<vmem>> -> memref<128x128xf32, #tpu.memory_space<vmem>>
      %dma_start3A_49 = arith.constant 0 : i32
      %dma_start3A_50 = tpu.memref_slice %arg9[%add3A_22, %dma_start3A_49] : memref<10240x128xf32, #tpu.memory_space<vmem_shared>> -> memref<128x128xf32, #tpu.memory_space<vmem_shared>>
      %dma_start3A_51 = arith.constant 0 : i32
      %dma_start3A_52 = tpu.memref_slice %arg9[%add3A_22, %dma_start3A_51] : memref<10240x128xf32, #tpu.memory_space<vmem_shared>> -> memref<128x128xf32, #tpu.memory_space<vmem_shared>>
      %dma_start3A_53 = arith.constant 0 : i32
      %dma_start3A_54 = arith.constant 0 : i32
      %dma_start3A_55 = tpu.memref_slice %arg8[%run_scoped3A_23, %dma_start3A_53, %dma_start3A_54] : memref<2x128x128xf32, #tpu.memory_space<vmem>> -> memref<1x128x128xf32, #tpu.memory_space<vmem>>
      %dma_start3A_56 = tpu.memref_squeeze %dma_start3A_55 : memref<1x128x128xf32, #tpu.memory_space<vmem>> -> memref<128x128xf32, #tpu.memory_space<vmem>>
      tpu.enqueue_dma source(%dma_start3A_56 : memref<128x128xf32, #tpu.memory_space<vmem>>) target(%dma_start3A_52 : memref<128x128xf32, #tpu.memory_space<vmem_shared>>) target_semaphore(%run_scoped3A_45 : memref<!tpu.dma_semaphore, #tpu.memory_space<semaphore_mem>>)
      %dma_wait3A = arith.constant 0 : i32
      %dma_wait3A_57 = arith.constant 0 : i32
      %dma_wait3A_58 = tpu.memref_slice %arg8[%run_scoped3A_23, %dma_wait3A, %dma_wait3A_57] : memref<2x128x128xf32, #tpu.memory_space<vmem>> -> memref<1x128x128xf32, #tpu.memory_space<vmem>>
      %dma_wait3A_59 = tpu.memref_squeeze %dma_wait3A_58 : memref<1x128x128xf32, #tpu.memory_space<vmem>> -> memref<128x128xf32, #tpu.memory_space<vmem>>
      %dma_wait3A_60 = arith.constant 0 : i32
      %dma_wait3A_61 = tpu.memref_slice %arg9[%add3A_22, %dma_wait3A_60] : memref<10240x128xf32, #tpu.memory_space<vmem_shared>> -> memref<128x128xf32, #tpu.memory_space<vmem_shared>>
      %dma_wait3A_62 = arith.constant 0 : i32
      %dma_wait3A_63 = tpu.memref_slice %arg9[%add3A_22, %dma_wait3A_62] : memref<10240x128xf32, #tpu.memory_space<vmem_shared>> -> memref<128x128xf32, #tpu.memory_space<vmem_shared>>
      %dma_wait3A_64 = arith.constant 0 : i32
      %dma_wait3A_65 = arith.constant 0 : i32
      %dma_wait3A_66 = tpu.memref_slice %arg8[%run_scoped3A_23, %dma_wait3A_64, %dma_wait3A_65] : memref<2x128x128xf32, #tpu.memory_space<vmem>> -> memref<1x128x128xf32, #tpu.memory_space<vmem>>
      %dma_wait3A_67 = tpu.memref_squeeze %dma_wait3A_66 : memref<1x128x128xf32, #tpu.memory_space<vmem>> -> memref<128x128xf32, #tpu.memory_space<vmem>>
      tpu.wait_dma2 semaphore(%run_scoped3A_45 : memref<!tpu.dma_semaphore, #tpu.memory_space<semaphore_mem>>) src(%dma_wait3A_67 : memref<128x128xf32, #tpu.memory_space<vmem>>) dst(%dma_wait3A_63 : memref<128x128xf32, #tpu.memory_space<vmem_shared>>)
      tpu.yield
    }) : () -> ()
    %mul3A_24 = arith.constant 640 : i32
    %mul3A_25 = arith.muli %arg1, %mul3A_24 : i32
    %add3A_26 = arith.constant 512 : i32
    %add3A_27 = arith.addi %mul3A_25, %add3A_26 : i32
    %run_scoped3A_28 = arith.constant 0 : i32
    "tpu.region"() ({
      %run_scoped3A_45 = tpu.sem_alloc : memref<!tpu.dma_semaphore, #tpu.memory_space<semaphore_mem>>
      %dma_start3A = arith.constant 0 : i32
      %dma_start3A_46 = arith.constant 0 : i32
      %dma_start3A_47 = tpu.memref_slice %arg8[%run_scoped3A_28, %dma_start3A, %dma_start3A_46] : memref<2x128x128xf32, #tpu.memory_space<vmem>> -> memref<1x128x128xf32, #tpu.memory_space<vmem>>
      %dma_start3A_48 = tpu.memref_squeeze %dma_start3A_47 : memref<1x128x128xf32, #tpu.memory_space<vmem>> -> memref<128x128xf32, #tpu.memory_space<vmem>>
      %dma_start3A_49 = arith.constant 0 : i32
      %dma_start3A_50 = tpu.memref_slice %arg9[%add3A_27, %dma_start3A_49] : memref<10240x128xf32, #tpu.memory_space<vmem_shared>> -> memref<128x128xf32, #tpu.memory_space<vmem_shared>>
      %dma_start3A_51 = arith.constant 0 : i32
      %dma_start3A_52 = tpu.memref_slice %arg9[%add3A_27, %dma_start3A_51] : memref<10240x128xf32, #tpu.memory_space<vmem_shared>> -> memref<128x128xf32, #tpu.memory_space<vmem_shared>>
      %dma_start3A_53 = arith.constant 0 : i32
      %dma_start3A_54 = arith.constant 0 : i32
      %dma_start3A_55 = tpu.memref_slice %arg8[%run_scoped3A_28, %dma_start3A_53, %dma_start3A_54] : memref<2x128x128xf32, #tpu.memory_space<vmem>> -> memref<1x128x128xf32, #tpu.memory_space<vmem>>
      %dma_start3A_56 = tpu.memref_squeeze %dma_start3A_55 : memref<1x128x128xf32, #tpu.memory_space<vmem>> -> memref<128x128xf32, #tpu.memory_space<vmem>>
      tpu.enqueue_dma source(%dma_start3A_56 : memref<128x128xf32, #tpu.memory_space<vmem>>) target(%dma_start3A_52 : memref<128x128xf32, #tpu.memory_space<vmem_shared>>) target_semaphore(%run_scoped3A_45 : memref<!tpu.dma_semaphore, #tpu.memory_space<semaphore_mem>>)
      %dma_wait3A = arith.constant 0 : i32
      %dma_wait3A_57 = arith.constant 0 : i32
      %dma_wait3A_58 = tpu.memref_slice %arg8[%run_scoped3A_28, %dma_wait3A, %dma_wait3A_57] : memref<2x128x128xf32, #tpu.memory_space<vmem>> -> memref<1x128x128xf32, #tpu.memory_space<vmem>>
      %dma_wait3A_59 = tpu.memref_squeeze %dma_wait3A_58 : memref<1x128x128xf32, #tpu.memory_space<vmem>> -> memref<128x128xf32, #tpu.memory_space<vmem>>
      %dma_wait3A_60 = arith.constant 0 : i32
      %dma_wait3A_61 = tpu.memref_slice %arg9[%add3A_27, %dma_wait3A_60] : memref<10240x128xf32, #tpu.memory_space<vmem_shared>> -> memref<128x128xf32, #tpu.memory_space<vmem_shared>>
      %dma_wait3A_62 = arith.constant 0 : i32
      %dma_wait3A_63 = tpu.memref_slice %arg9[%add3A_27, %dma_wait3A_62] : memref<10240x128xf32, #tpu.memory_space<vmem_shared>> -> memref<128x128xf32, #tpu.memory_space<vmem_shared>>
      %dma_wait3A_64 = arith.constant 0 : i32
      %dma_wait3A_65 = arith.constant 0 : i32
      %dma_wait3A_66 = tpu.memref_slice %arg8[%run_scoped3A_28, %dma_wait3A_64, %dma_wait3A_65] : memref<2x128x128xf32, #tpu.memory_space<vmem>> -> memref<1x128x128xf32, #tpu.memory_space<vmem>>
      %dma_wait3A_67 = tpu.memref_squeeze %dma_wait3A_66 : memref<1x128x128xf32, #tpu.memory_space<vmem>> -> memref<128x128xf32, #tpu.memory_space<vmem>>
      tpu.wait_dma2 semaphore(%run_scoped3A_45 : memref<!tpu.dma_semaphore, #tpu.memory_space<semaphore_mem>>) src(%dma_wait3A_67 : memref<128x128xf32, #tpu.memory_space<vmem>>) dst(%dma_wait3A_63 : memref<128x128xf32, #tpu.memory_space<vmem_shared>>)
      tpu.yield
    }) : () -> ()
    %barrier3A = arith.constant 0 : index
    tpu.barrier barrier_id(%barrier3A)
    %eq3A = arith.constant 0 : i32
    %eq3A_29 = arith.cmpi eq, %arg0, %eq3A : i32
    %convert_element_type3A = arith.extui %eq3A_29 : i1 to i32
    %cond3A = arith.constant 0 : i32
    %cond3A_30 = arith.constant 1 : i32
    %cond3A_31 = arith.constant 0 : i32
    %cond3A_32 = arith.cmpi ne, %convert_element_type3A, %cond3A_31 : i32
    scf.if %cond3A_32 {
      %mul3A_45 = arith.constant 144 : i32
      %mul3A_46 = arith.muli %arg1, %mul3A_45 : i32
      %add3A_47 = arith.constant 0 : i32
      %add3A_48 = arith.addi %mul3A_46, %add3A_47 : i32
      "tpu.region"() ({
        %run_scoped3A_289 = tpu.sem_alloc : memref<!tpu.dma_semaphore, #tpu.memory_space<semaphore_mem>>
        %dma_start3A_290 = arith.constant 0 : i32
        %dma_start3A_291 = arith.constant 0 : i32
        %dma_start3A_292 = tpu.memref_slice %arg6[%dma_start3A_290, %dma_start3A_291] : memref<40x128xi32, #tpu.memory_space<vmem>> -> memref<40x128xi32, #tpu.memory_space<vmem>>
        %dma_start3A_293 = arith.constant 0 : i32
        %dma_start3A_294 = tpu.memref_slice %arg3[%add3A_48, %dma_start3A_293] : memref<2560x128xi32, #tpu.memory_space<hbm>> -> memref<40x128xi32, #tpu.memory_space<hbm>>
        %dma_start3A_295 = arith.constant 0 : i32
        %dma_start3A_296 = arith.constant 0 : i32
        %dma_start3A_297 = tpu.memref_slice %arg6[%dma_start3A_295, %dma_start3A_296] : memref<40x128xi32, #tpu.memory_space<vmem>> -> memref<40x128xi32, #tpu.memory_space<vmem>>
        %dma_start3A_298 = arith.constant 0 : i32
        %dma_start3A_299 = tpu.memref_slice %arg3[%add3A_48, %dma_start3A_298] : memref<2560x128xi32, #tpu.memory_space<hbm>> -> memref<40x128xi32, #tpu.memory_space<hbm>>
        tpu.enqueue_dma source(%dma_start3A_299 : memref<40x128xi32, #tpu.memory_space<hbm>>) target(%dma_start3A_297 : memref<40x128xi32, #tpu.memory_space<vmem>>) target_semaphore(%run_scoped3A_289 : memref<!tpu.dma_semaphore, #tpu.memory_space<semaphore_mem>>)
        %dma_wait3A_300 = arith.constant 0 : i32
        %dma_wait3A_301 = arith.constant 0 : i32
        %dma_wait3A_302 = tpu.memref_slice %arg6[%dma_wait3A_300, %dma_wait3A_301] : memref<40x128xi32, #tpu.memory_space<vmem>> -> memref<40x128xi32, #tpu.memory_space<vmem>>
        %dma_wait3A_303 = arith.constant 0 : i32
        %dma_wait3A_304 = tpu.memref_slice %arg3[%add3A_48, %dma_wait3A_303] : memref<2560x128xi32, #tpu.memory_space<hbm>> -> memref<40x128xi32, #tpu.memory_space<hbm>>
        %dma_wait3A_305 = arith.constant 0 : i32
        %dma_wait3A_306 = arith.constant 0 : i32
        %dma_wait3A_307 = tpu.memref_slice %arg6[%dma_wait3A_305, %dma_wait3A_306] : memref<40x128xi32, #tpu.memory_space<vmem>> -> memref<40x128xi32, #tpu.memory_space<vmem>>
        %dma_wait3A_308 = arith.constant 0 : i32
        %dma_wait3A_309 = tpu.memref_slice %arg3[%add3A_48, %dma_wait3A_308] : memref<2560x128xi32, #tpu.memory_space<hbm>> -> memref<40x128xi32, #tpu.memory_space<hbm>>
        tpu.wait_dma2 semaphore(%run_scoped3A_289 : memref<!tpu.dma_semaphore, #tpu.memory_space<semaphore_mem>>) src(%dma_wait3A_309 : memref<40x128xi32, #tpu.memory_space<hbm>>) dst(%dma_wait3A_307 : memref<40x128xi32, #tpu.memory_space<vmem>>)
        tpu.yield
      }) : () -> ()
      "tpu.region"() ({
        %run_scoped3A_289 = tpu.sem_alloc : memref<!tpu.dma_semaphore, #tpu.memory_space<semaphore_mem>>
        %dma_start3A_290 = arith.constant 0 : i32
        %dma_start3A_291 = arith.constant 0 : i32
        %dma_start3A_292 = tpu.memref_slice %arg7[%dma_start3A_290, %dma_start3A_291] : memref<40x128xi32, #tpu.memory_space<vmem>> -> memref<40x128xi32, #tpu.memory_space<vmem>>
        %dma_start3A_293 = arith.constant 0 : i32
        %dma_start3A_294 = tpu.memref_slice %arg4[%add3A_48, %dma_start3A_293] : memref<2560x128xi32, #tpu.memory_space<hbm>> -> memref<40x128xi32, #tpu.memory_space<hbm>>
        %dma_start3A_295 = arith.constant 0 : i32
        %dma_start3A_296 = arith.constant 0 : i32
        %dma_start3A_297 = tpu.memref_slice %arg7[%dma_start3A_295, %dma_start3A_296] : memref<40x128xi32, #tpu.memory_space<vmem>> -> memref<40x128xi32, #tpu.memory_space<vmem>>
        %dma_start3A_298 = arith.constant 0 : i32
        %dma_start3A_299 = tpu.memref_slice %arg4[%add3A_48, %dma_start3A_298] : memref<2560x128xi32, #tpu.memory_space<hbm>> -> memref<40x128xi32, #tpu.memory_space<hbm>>
        tpu.enqueue_dma source(%dma_start3A_299 : memref<40x128xi32, #tpu.memory_space<hbm>>) target(%dma_start3A_297 : memref<40x128xi32, #tpu.memory_space<vmem>>) target_semaphore(%run_scoped3A_289 : memref<!tpu.dma_semaphore, #tpu.memory_space<semaphore_mem>>)
        %dma_wait3A_300 = arith.constant 0 : i32
        %dma_wait3A_301 = arith.constant 0 : i32
        %dma_wait3A_302 = tpu.memref_slice %arg7[%dma_wait3A_300, %dma_wait3A_301] : memref<40x128xi32, #tpu.memory_space<vmem>> -> memref<40x128xi32, #tpu.memory_space<vmem>>
        %dma_wait3A_303 = arith.constant 0 : i32
        %dma_wait3A_304 = tpu.memref_slice %arg4[%add3A_48, %dma_wait3A_303] : memref<2560x128xi32, #tpu.memory_space<hbm>> -> memref<40x128xi32, #tpu.memory_space<hbm>>
        %dma_wait3A_305 = arith.constant 0 : i32
        %dma_wait3A_306 = arith.constant 0 : i32
        %dma_wait3A_307 = tpu.memref_slice %arg7[%dma_wait3A_305, %dma_wait3A_306] : memref<40x128xi32, #tpu.memory_space<vmem>> -> memref<40x128xi32, #tpu.memory_space<vmem>>
        %dma_wait3A_308 = arith.constant 0 : i32
        %dma_wait3A_309 = tpu.memref_slice %arg4[%add3A_48, %dma_wait3A_308] : memref<2560x128xi32, #tpu.memory_space<hbm>> -> memref<40x128xi32, #tpu.memory_space<hbm>>
        tpu.wait_dma2 semaphore(%run_scoped3A_289 : memref<!tpu.dma_semaphore, #tpu.memory_space<semaphore_mem>>) src(%dma_wait3A_309 : memref<40x128xi32, #tpu.memory_space<hbm>>) dst(%dma_wait3A_307 : memref<40x128xi32, #tpu.memory_space<vmem>>)
        tpu.yield
      }) : () -> ()
      %dma_start3A = arith.constant 0 : i32
      %dma_start3A_49 = arith.constant 0 : i32
      %dma_start3A_50 = arith.constant 0 : i32
      %dma_start3A_51 = tpu.memref_slice %arg8[%cond3A, %dma_start3A_49, %dma_start3A_50] : memref<2x128x128xf32, #tpu.memory_space<vmem>> -> memref<1x128x128xf32, #tpu.memory_space<vmem>>
      %dma_start3A_52 = tpu.memref_squeeze %dma_start3A_51 : memref<1x128x128xf32, #tpu.memory_space<vmem>> -> memref<128x128xf32, #tpu.memory_space<vmem>>
      %dma_start3A_53 = arith.constant 0 : i32
      %dma_start3A_54 = tpu.memref_slice %arg6[%dma_start3A, %dma_start3A_53] : memref<40x128xi32, #tpu.memory_space<vmem>> -> memref<1x128xi32, #tpu.memory_space<vmem>>
      %dma_start3A_55 = tpu.memref_squeeze %dma_start3A_54 : memref<1x128xi32, #tpu.memory_space<vmem>> -> memref<128xi32, #tpu.memory_space<vmem>>
      %dma_start3A_56 = arith.constant 0 : i32
      %dma_start3A_57 = arith.constant 0 : i32
      %dma_start3A_58 = tpu.memref_slice %arg2[%dma_start3A_56, %dma_start3A_57] : memref<10240x128xf32, #tpu.memory_space<hbm>> -> memref<10240x128xf32, #tpu.memory_space<hbm>>
      tpu.enqueue_indirect_dma source(%dma_start3A_58 : memref<10240x128xf32, #tpu.memory_space<hbm>>) target(%dma_start3A_52 : memref<128x128xf32, #tpu.memory_space<vmem>>) offsets(%dma_start3A_55 : memref<128xi32, #tpu.memory_space<vmem>>) semaphore(%arg10 : memref<!tpu.dma_semaphore, #tpu.memory_space<semaphore_mem>>)
      %dma_start3A_59 = arith.constant 1 : i32
      %dma_start3A_60 = arith.constant 0 : i32
      %dma_start3A_61 = arith.constant 0 : i32
      %dma_start3A_62 = tpu.memref_slice %arg8[%cond3A_30, %dma_start3A_60, %dma_start3A_61] : memref<2x128x128xf32, #tpu.memory_space<vmem>> -> memref<1x128x128xf32, #tpu.memory_space<vmem>>
      %dma_start3A_63 = tpu.memref_squeeze %dma_start3A_62 : memref<1x128x128xf32, #tpu.memory_space<vmem>> -> memref<128x128xf32, #tpu.memory_space<vmem>>
      %dma_start3A_64 = arith.constant 0 : i32
      %dma_start3A_65 = tpu.memref_slice %arg6[%dma_start3A_59, %dma_start3A_64] : memref<40x128xi32, #tpu.memory_space<vmem>> -> memref<1x128xi32, #tpu.memory_space<vmem>>
      %dma_start3A_66 = tpu.memref_squeeze %dma_start3A_65 : memref<1x128xi32, #tpu.memory_space<vmem>> -> memref<128xi32, #tpu.memory_space<vmem>>
      %dma_start3A_67 = arith.constant 0 : i32
      %dma_start3A_68 = arith.constant 0 : i32
      %dma_start3A_69 = tpu.memref_slice %arg2[%dma_start3A_67, %dma_start3A_68] : memref<10240x128xf32, #tpu.memory_space<hbm>> -> memref<10240x128xf32, #tpu.memory_space<hbm>>
      tpu.enqueue_indirect_dma source(%dma_start3A_69 : memref<10240x128xf32, #tpu.memory_space<hbm>>) target(%dma_start3A_63 : memref<128x128xf32, #tpu.memory_space<vmem>>) offsets(%dma_start3A_66 : memref<128xi32, #tpu.memory_space<vmem>>) semaphore(%arg11 : memref<!tpu.dma_semaphore, #tpu.memory_space<semaphore_mem>>)
      %scan3A_70 = arith.constant 0 : i32
      %scan3A_71 = arith.constant 0 : i32
      %scan3A_72 = arith.constant 19 : i32
      %scan3A_73 = arith.addi %scan3A_71, %scan3A_72 : i32
      %scan3A_74 = arith.constant 1 : i32
      %scan3A_75 = scf.for %scan3A_289 = %scan3A_71 to %scan3A_73 step %scan3A_74 iter_args(%scan3A_290 = %scan3A_70) -> (i32)  : i32 {
        %mul3A_291 = arith.constant 2 : i32
        %mul3A_292 = arith.muli %scan3A_289, %mul3A_291 : i32
        %add3A_293 = arith.constant 0 : i32
        %add3A_294 = arith.addi %mul3A_292, %add3A_293 : i32
        %dma_wait3A_295 = arith.constant 0 : i32
        %dma_wait3A_296 = arith.constant 0 : i32
        %dma_wait3A_297 = tpu.memref_slice %arg8[%cond3A, %dma_wait3A_295, %dma_wait3A_296] : memref<2x128x128xf32, #tpu.memory_space<vmem>> -> memref<1x128x128xf32, #tpu.memory_space<vmem>>
        %dma_wait3A_298 = tpu.memref_squeeze %dma_wait3A_297 : memref<1x128x128xf32, #tpu.memory_space<vmem>> -> memref<128x128xf32, #tpu.memory_space<vmem>>
        %dma_wait3A_299 = arith.constant 0 : i32
        %dma_wait3A_300 = arith.constant 0 : i32
        %dma_wait3A_301 = tpu.memref_slice %arg2[%dma_wait3A_299, %dma_wait3A_300] : memref<10240x128xf32, #tpu.memory_space<hbm>> -> memref<128x128xf32, #tpu.memory_space<hbm>>
        %dma_wait3A_302 = arith.constant 0 : i32
        %dma_wait3A_303 = arith.constant 0 : i32
        %dma_wait3A_304 = tpu.memref_slice %arg8[%cond3A, %dma_wait3A_302, %dma_wait3A_303] : memref<2x128x128xf32, #tpu.memory_space<vmem>> -> memref<1x128x128xf32, #tpu.memory_space<vmem>>
        %dma_wait3A_305 = tpu.memref_squeeze %dma_wait3A_304 : memref<1x128x128xf32, #tpu.memory_space<vmem>> -> memref<128x128xf32, #tpu.memory_space<vmem>>
        %dma_wait3A_306 = arith.constant 0 : i32
        %dma_wait3A_307 = arith.constant 0 : i32
        %dma_wait3A_308 = tpu.memref_slice %arg2[%dma_wait3A_306, %dma_wait3A_307] : memref<10240x128xf32, #tpu.memory_space<hbm>> -> memref<128x128xf32, #tpu.memory_space<hbm>>
        tpu.wait_dma2 semaphore(%arg10 : memref<!tpu.dma_semaphore, #tpu.memory_space<semaphore_mem>>) src(%dma_wait3A_308 : memref<128x128xf32, #tpu.memory_space<hbm>>) dst(%dma_wait3A_305 : memref<128x128xf32, #tpu.memory_space<vmem>>)
        "tpu.region"() ({
          %run_scoped3A_352 = tpu.sem_alloc : memref<!tpu.dma_semaphore, #tpu.memory_space<semaphore_mem>>
          %dma_start3A_353 = arith.constant 0 : i32
          %dma_start3A_354 = arith.constant 0 : i32
          %dma_start3A_355 = tpu.memref_slice %arg8[%cond3A, %dma_start3A_353, %dma_start3A_354] : memref<2x128x128xf32, #tpu.memory_space<vmem>> -> memref<1x128x128xf32, #tpu.memory_space<vmem>>
          %dma_start3A_356 = tpu.memref_squeeze %dma_start3A_355 : memref<1x128x128xf32, #tpu.memory_space<vmem>> -> memref<128x128xf32, #tpu.memory_space<vmem>>
          %dma_start3A_357 = arith.constant 0 : i32
          %dma_start3A_358 = tpu.memref_slice %arg7[%add3A_294, %dma_start3A_357] : memref<40x128xi32, #tpu.memory_space<vmem>> -> memref<1x128xi32, #tpu.memory_space<vmem>>
          %dma_start3A_359 = tpu.memref_squeeze %dma_start3A_358 : memref<1x128xi32, #tpu.memory_space<vmem>> -> memref<128xi32, #tpu.memory_space<vmem>>
          %dma_start3A_360 = arith.constant 0 : i32
          %dma_start3A_361 = arith.constant 0 : i32
          %dma_start3A_362 = tpu.memref_slice %arg9[%dma_start3A_360, %dma_start3A_361] : memref<10240x128xf32, #tpu.memory_space<vmem_shared>> -> memref<10240x128xf32, #tpu.memory_space<vmem_shared>>
          tpu.enqueue_indirect_dma source(%dma_start3A_356 : memref<128x128xf32, #tpu.memory_space<vmem>>) target(%dma_start3A_362 : memref<10240x128xf32, #tpu.memory_space<vmem_shared>>) offsets(%dma_start3A_359 : memref<128xi32, #tpu.memory_space<vmem>>) semaphore(%run_scoped3A_352 : memref<!tpu.dma_semaphore, #tpu.memory_space<semaphore_mem>>) {add = true}
          %dma_wait3A_363 = arith.constant 0 : i32
          %dma_wait3A_364 = arith.constant 0 : i32
          %dma_wait3A_365 = tpu.memref_slice %arg8[%cond3A, %dma_wait3A_363, %dma_wait3A_364] : memref<2x128x128xf32, #tpu.memory_space<vmem>> -> memref<1x128x128xf32, #tpu.memory_space<vmem>>
          %dma_wait3A_366 = tpu.memref_squeeze %dma_wait3A_365 : memref<1x128x128xf32, #tpu.memory_space<vmem>> -> memref<128x128xf32, #tpu.memory_space<vmem>>
          %dma_wait3A_367 = arith.constant 0 : i32
          %dma_wait3A_368 = tpu.memref_slice %arg7[%add3A_294, %dma_wait3A_367] : memref<40x128xi32, #tpu.memory_space<vmem>> -> memref<1x128xi32, #tpu.memory_space<vmem>>
          %dma_wait3A_369 = tpu.memref_squeeze %dma_wait3A_368 : memref<1x128xi32, #tpu.memory_space<vmem>> -> memref<128xi32, #tpu.memory_space<vmem>>
          %dma_wait3A_370 = arith.constant 0 : i32
          %dma_wait3A_371 = arith.constant 0 : i32
          %dma_wait3A_372 = tpu.memref_slice %arg9[%dma_wait3A_370, %dma_wait3A_371] : memref<10240x128xf32, #tpu.memory_space<vmem_shared>> -> memref<10240x128xf32, #tpu.memory_space<vmem_shared>>
          tpu.wait_indirect_dma semaphore(%run_scoped3A_352 : memref<!tpu.dma_semaphore, #tpu.memory_space<semaphore_mem>>) src(%dma_wait3A_366 : memref<128x128xf32, #tpu.memory_space<vmem>>) dst(%dma_wait3A_372 : memref<10240x128xf32, #tpu.memory_space<vmem_shared>>)
          tpu.yield
        }) : () -> ()
        %add3A_309 = arith.constant 2 : i32
        %add3A_310 = arith.addi %add3A_294, %add3A_309 : i32
        %dma_start3A_311 = arith.constant 0 : i32
        %dma_start3A_312 = arith.constant 0 : i32
        %dma_start3A_313 = tpu.memref_slice %arg8[%cond3A, %dma_start3A_311, %dma_start3A_312] : memref<2x128x128xf32, #tpu.memory_space<vmem>> -> memref<1x128x128xf32, #tpu.memory_space<vmem>>
        %dma_start3A_314 = tpu.memref_squeeze %dma_start3A_313 : memref<1x128x128xf32, #tpu.memory_space<vmem>> -> memref<128x128xf32, #tpu.memory_space<vmem>>
        %dma_start3A_315 = arith.constant 0 : i32
        %dma_start3A_316 = tpu.memref_slice %arg6[%add3A_310, %dma_start3A_315] : memref<40x128xi32, #tpu.memory_space<vmem>> -> memref<1x128xi32, #tpu.memory_space<vmem>>
        %dma_start3A_317 = tpu.memref_squeeze %dma_start3A_316 : memref<1x128xi32, #tpu.memory_space<vmem>> -> memref<128xi32, #tpu.memory_space<vmem>>
        %dma_start3A_318 = arith.constant 0 : i32
        %dma_start3A_319 = arith.constant 0 : i32
        %dma_start3A_320 = tpu.memref_slice %arg2[%dma_start3A_318, %dma_start3A_319] : memref<10240x128xf32, #tpu.memory_space<hbm>> -> memref<10240x128xf32, #tpu.memory_space<hbm>>
        tpu.enqueue_indirect_dma source(%dma_start3A_320 : memref<10240x128xf32, #tpu.memory_space<hbm>>) target(%dma_start3A_314 : memref<128x128xf32, #tpu.memory_space<vmem>>) offsets(%dma_start3A_317 : memref<128xi32, #tpu.memory_space<vmem>>) semaphore(%arg10 : memref<!tpu.dma_semaphore, #tpu.memory_space<semaphore_mem>>)
        %mul3A_321 = arith.constant 2 : i32
        %mul3A_322 = arith.muli %scan3A_289, %mul3A_321 : i32
        %add3A_323 = arith.constant 1 : i32
        %add3A_324 = arith.addi %mul3A_322, %add3A_323 : i32
        %dma_wait3A_325 = arith.constant 0 : i32
        %dma_wait3A_326 = arith.constant 0 : i32
        %dma_wait3A_327 = tpu.memref_slice %arg8[%cond3A_30, %dma_wait3A_325, %dma_wait3A_326] : memref<2x128x128xf32, #tpu.memory_space<vmem>> -> memref<1x128x128xf32, #tpu.memory_space<vmem>>
        %dma_wait3A_328 = tpu.memref_squeeze %dma_wait3A_327 : memref<1x128x128xf32, #tpu.memory_space<vmem>> -> memref<128x128xf32, #tpu.memory_space<vmem>>
        %dma_wait3A_329 = arith.constant 0 : i32
        %dma_wait3A_330 = arith.constant 0 : i32
        %dma_wait3A_331 = tpu.memref_slice %arg2[%dma_wait3A_329, %dma_wait3A_330] : memref<10240x128xf32, #tpu.memory_space<hbm>> -> memref<128x128xf32, #tpu.memory_space<hbm>>
        %dma_wait3A_332 = arith.constant 0 : i32
        %dma_wait3A_333 = arith.constant 0 : i32
        %dma_wait3A_334 = tpu.memref_slice %arg8[%cond3A_30, %dma_wait3A_332, %dma_wait3A_333] : memref<2x128x128xf32, #tpu.memory_space<vmem>> -> memref<1x128x128xf32, #tpu.memory_space<vmem>>
        %dma_wait3A_335 = tpu.memref_squeeze %dma_wait3A_334 : memref<1x128x128xf32, #tpu.memory_space<vmem>> -> memref<128x128xf32, #tpu.memory_space<vmem>>
        %dma_wait3A_336 = arith.constant 0 : i32
        %dma_wait3A_337 = arith.constant 0 : i32
        %dma_wait3A_338 = tpu.memref_slice %arg2[%dma_wait3A_336, %dma_wait3A_337] : memref<10240x128xf32, #tpu.memory_space<hbm>> -> memref<128x128xf32, #tpu.memory_space<hbm>>
        tpu.wait_dma2 semaphore(%arg11 : memref<!tpu.dma_semaphore, #tpu.memory_space<semaphore_mem>>) src(%dma_wait3A_338 : memref<128x128xf32, #tpu.memory_space<hbm>>) dst(%dma_wait3A_335 : memref<128x128xf32, #tpu.memory_space<vmem>>)
        "tpu.region"() ({
          %run_scoped3A_352 = tpu.sem_alloc : memref<!tpu.dma_semaphore, #tpu.memory_space<semaphore_mem>>
          %dma_start3A_353 = arith.constant 0 : i32
          %dma_start3A_354 = arith.constant 0 : i32
          %dma_start3A_355 = tpu.memref_slice %arg8[%cond3A_30, %dma_start3A_353, %dma_start3A_354] : memref<2x128x128xf32, #tpu.memory_space<vmem>> -> memref<1x128x128xf32, #tpu.memory_space<vmem>>
          %dma_start3A_356 = tpu.memref_squeeze %dma_start3A_355 : memref<1x128x128xf32, #tpu.memory_space<vmem>> -> memref<128x128xf32, #tpu.memory_space<vmem>>
          %dma_start3A_357 = arith.constant 0 : i32
          %dma_start3A_358 = tpu.memref_slice %arg7[%add3A_324, %dma_start3A_357] : memref<40x128xi32, #tpu.memory_space<vmem>> -> memref<1x128xi32, #tpu.memory_space<vmem>>
          %dma_start3A_359 = tpu.memref_squeeze %dma_start3A_358 : memref<1x128xi32, #tpu.memory_space<vmem>> -> memref<128xi32, #tpu.memory_space<vmem>>
          %dma_start3A_360 = arith.constant 0 : i32
          %dma_start3A_361 = arith.constant 0 : i32
          %dma_start3A_362 = tpu.memref_slice %arg9[%dma_start3A_360, %dma_start3A_361] : memref<10240x128xf32, #tpu.memory_space<vmem_shared>> -> memref<10240x128xf32, #tpu.memory_space<vmem_shared>>
          tpu.enqueue_indirect_dma source(%dma_start3A_356 : memref<128x128xf32, #tpu.memory_space<vmem>>) target(%dma_start3A_362 : memref<10240x128xf32, #tpu.memory_space<vmem_shared>>) offsets(%dma_start3A_359 : memref<128xi32, #tpu.memory_space<vmem>>) semaphore(%run_scoped3A_352 : memref<!tpu.dma_semaphore, #tpu.memory_space<semaphore_mem>>) {add = true}
          %dma_wait3A_363 = arith.constant 0 : i32
          %dma_wait3A_364 = arith.constant 0 : i32
          %dma_wait3A_365 = tpu.memref_slice %arg8[%cond3A_30, %dma_wait3A_363, %dma_wait3A_364] : memref<2x128x128xf32, #tpu.memory_space<vmem>> -> memref<1x128x128xf32, #tpu.memory_space<vmem>>
          %dma_wait3A_366 = tpu.memref_squeeze %dma_wait3A_365 : memref<1x128x128xf32, #tpu.memory_space<vmem>> -> memref<128x128xf32, #tpu.memory_space<vmem>>
          %dma_wait3A_367 = arith.constant 0 : i32
          %dma_wait3A_368 = tpu.memref_slice %arg7[%add3A_324, %dma_wait3A_367] : memref<40x128xi32, #tpu.memory_space<vmem>> -> memref<1x128xi32, #tpu.memory_space<vmem>>
          %dma_wait3A_369 = tpu.memref_squeeze %dma_wait3A_368 : memref<1x128xi32, #tpu.memory_space<vmem>> -> memref<128xi32, #tpu.memory_space<vmem>>
          %dma_wait3A_370 = arith.constant 0 : i32
          %dma_wait3A_371 = arith.constant 0 : i32
          %dma_wait3A_372 = tpu.memref_slice %arg9[%dma_wait3A_370, %dma_wait3A_371] : memref<10240x128xf32, #tpu.memory_space<vmem_shared>> -> memref<10240x128xf32, #tpu.memory_space<vmem_shared>>
          tpu.wait_indirect_dma semaphore(%run_scoped3A_352 : memref<!tpu.dma_semaphore, #tpu.memory_space<semaphore_mem>>) src(%dma_wait3A_366 : memref<128x128xf32, #tpu.memory_space<vmem>>) dst(%dma_wait3A_372 : memref<10240x128xf32, #tpu.memory_space<vmem_shared>>)
          tpu.yield
        }) : () -> ()
        %add3A_339 = arith.constant 2 : i32
        %add3A_340 = arith.addi %add3A_324, %add3A_339 : i32
        %dma_start3A_341 = arith.constant 0 : i32
        %dma_start3A_342 = arith.constant 0 : i32
        %dma_start3A_343 = tpu.memref_slice %arg8[%cond3A_30, %dma_start3A_341, %dma_start3A_342] : memref<2x128x128xf32, #tpu.memory_space<vmem>> -> memref<1x128x128xf32, #tpu.memory_space<vmem>>
        %dma_start3A_344 = tpu.memref_squeeze %dma_start3A_343 : memref<1x128x128xf32, #tpu.memory_space<vmem>> -> memref<128x128xf32, #tpu.memory_space<vmem>>
        %dma_start3A_345 = arith.constant 0 : i32
        %dma_start3A_346 = tpu.memref_slice %arg6[%add3A_340, %dma_start3A_345] : memref<40x128xi32, #tpu.memory_space<vmem>> -> memref<1x128xi32, #tpu.memory_space<vmem>>
        %dma_start3A_347 = tpu.memref_squeeze %dma_start3A_346 : memref<1x128xi32, #tpu.memory_space<vmem>> -> memref<128xi32, #tpu.memory_space<vmem>>
        %dma_start3A_348 = arith.constant 0 : i32
        %dma_start3A_349 = arith.constant 0 : i32
        %dma_start3A_350 = tpu.memref_slice %arg2[%dma_start3A_348, %dma_start3A_349] : memref<10240x128xf32, #tpu.memory_space<hbm>> -> memref<10240x128xf32, #tpu.memory_space<hbm>>
        tpu.enqueue_indirect_dma source(%dma_start3A_350 : memref<10240x128xf32, #tpu.memory_space<hbm>>) target(%dma_start3A_344 : memref<128x128xf32, #tpu.memory_space<vmem>>) offsets(%dma_start3A_347 : memref<128xi32, #tpu.memory_space<vmem>>) semaphore(%arg11 : memref<!tpu.dma_semaphore, #tpu.memory_space<semaphore_mem>>)
        %scan3A_351 = arith.constant 0 : i32
        scf.yield %scan3A_351 : i32
      }
      %scan3A_76 = arith.constant 19 : i32
      %dma_wait3A = arith.constant 0 : i32
      %dma_wait3A_77 = arith.constant 0 : i32
      %dma_wait3A_78 = tpu.memref_slice %arg8[%cond3A, %dma_wait3A, %dma_wait3A_77] : memref<2x128x128xf32, #tpu.memory_space<vmem>> -> memref<1x128x128xf32, #tpu.memory_space<vmem>>
      %dma_wait3A_79 = tpu.memref_squeeze %dma_wait3A_78 : memref<1x128x128xf32, #tpu.memory_space<vmem>> -> memref<128x128xf32, #tpu.memory_space<vmem>>
      %dma_wait3A_80 = arith.constant 0 : i32
      %dma_wait3A_81 = arith.constant 0 : i32
      %dma_wait3A_82 = tpu.memref_slice %arg2[%dma_wait3A_80, %dma_wait3A_81] : memref<10240x128xf32, #tpu.memory_space<hbm>> -> memref<128x128xf32, #tpu.memory_space<hbm>>
      %dma_wait3A_83 = arith.constant 0 : i32
      %dma_wait3A_84 = arith.constant 0 : i32
      %dma_wait3A_85 = tpu.memref_slice %arg8[%cond3A, %dma_wait3A_83, %dma_wait3A_84] : memref<2x128x128xf32, #tpu.memory_space<vmem>> -> memref<1x128x128xf32, #tpu.memory_space<vmem>>
      %dma_wait3A_86 = tpu.memref_squeeze %dma_wait3A_85 : memref<1x128x128xf32, #tpu.memory_space<vmem>> -> memref<128x128xf32, #tpu.memory_space<vmem>>
      %dma_wait3A_87 = arith.constant 0 : i32
      %dma_wait3A_88 = arith.constant 0 : i32
      %dma_wait3A_89 = tpu.memref_slice %arg2[%dma_wait3A_87, %dma_wait3A_88] : memref<10240x128xf32, #tpu.memory_space<hbm>> -> memref<128x128xf32, #tpu.memory_space<hbm>>
      tpu.wait_dma2 semaphore(%arg10 : memref<!tpu.dma_semaphore, #tpu.memory_space<semaphore_mem>>) src(%dma_wait3A_89 : memref<128x128xf32, #tpu.memory_space<hbm>>) dst(%dma_wait3A_86 : memref<128x128xf32, #tpu.memory_space<vmem>>)
      %run_scoped3A_90 = arith.constant 38 : i32
      "tpu.region"() ({
        %run_scoped3A_289 = tpu.sem_alloc : memref<!tpu.dma_semaphore, #tpu.memory_space<semaphore_mem>>
        %dma_start3A_290 = arith.constant 0 : i32
        %dma_start3A_291 = arith.constant 0 : i32
        %dma_start3A_292 = tpu.memref_slice %arg8[%cond3A, %dma_start3A_290, %dma_start3A_291] : memref<2x128x128xf32, #tpu.memory_space<vmem>> -> memref<1x128x128xf32, #tpu.memory_space<vmem>>
        %dma_start3A_293 = tpu.memref_squeeze %dma_start3A_292 : memref<1x128x128xf32, #tpu.memory_space<vmem>> -> memref<128x128xf32, #tpu.memory_space<vmem>>
        %dma_start3A_294 = arith.constant 0 : i32
        %dma_start3A_295 = tpu.memref_slice %arg7[%run_scoped3A_90, %dma_start3A_294] : memref<40x128xi32, #tpu.memory_space<vmem>> -> memref<1x128xi32, #tpu.memory_space<vmem>>
        %dma_start3A_296 = tpu.memref_squeeze %dma_start3A_295 : memref<1x128xi32, #tpu.memory_space<vmem>> -> memref<128xi32, #tpu.memory_space<vmem>>
        %dma_start3A_297 = arith.constant 0 : i32
        %dma_start3A_298 = arith.constant 0 : i32
        %dma_start3A_299 = tpu.memref_slice %arg9[%dma_start3A_297, %dma_start3A_298] : memref<10240x128xf32, #tpu.memory_space<vmem_shared>> -> memref<10240x128xf32, #tpu.memory_space<vmem_shared>>
        tpu.enqueue_indirect_dma source(%dma_start3A_293 : memref<128x128xf32, #tpu.memory_space<vmem>>) target(%dma_start3A_299 : memref<10240x128xf32, #tpu.memory_space<vmem_shared>>) offsets(%dma_start3A_296 : memref<128xi32, #tpu.memory_space<vmem>>) semaphore(%run_scoped3A_289 : memref<!tpu.dma_semaphore, #tpu.memory_space<semaphore_mem>>) {add = true}
        %dma_wait3A_300 = arith.constant 0 : i32
        %dma_wait3A_301 = arith.constant 0 : i32
        %dma_wait3A_302 = tpu.memref_slice %arg8[%cond3A, %dma_wait3A_300, %dma_wait3A_301] : memref<2x128x128xf32, #tpu.memory_space<vmem>> -> memref<1x128x128xf32, #tpu.memory_space<vmem>>
        %dma_wait3A_303 = tpu.memref_squeeze %dma_wait3A_302 : memref<1x128x128xf32, #tpu.memory_space<vmem>> -> memref<128x128xf32, #tpu.memory_space<vmem>>
        %dma_wait3A_304 = arith.constant 0 : i32
        %dma_wait3A_305 = tpu.memref_slice %arg7[%run_scoped3A_90, %dma_wait3A_304] : memref<40x128xi32, #tpu.memory_space<vmem>> -> memref<1x128xi32, #tpu.memory_space<vmem>>
        %dma_wait3A_306 = tpu.memref_squeeze %dma_wait3A_305 : memref<1x128xi32, #tpu.memory_space<vmem>> -> memref<128xi32, #tpu.memory_space<vmem>>
        %dma_wait3A_307 = arith.constant 0 : i32
        %dma_wait3A_308 = arith.constant 0 : i32
        %dma_wait3A_309 = tpu.memref_slice %arg9[%dma_wait3A_307, %dma_wait3A_308] : memref<10240x128xf32, #tpu.memory_space<vmem_shared>> -> memref<10240x128xf32, #tpu.memory_space<vmem_shared>>
        tpu.wait_indirect_dma semaphore(%run_scoped3A_289 : memref<!tpu.dma_semaphore, #tpu.memory_space<semaphore_mem>>) src(%dma_wait3A_303 : memref<128x128xf32, #tpu.memory_space<vmem>>) dst(%dma_wait3A_309 : memref<10240x128xf32, #tpu.memory_space<vmem_shared>>)
        tpu.yield
      }) : () -> ()
      %dma_wait3A_91 = arith.constant 0 : i32
      %dma_wait3A_92 = arith.constant 0 : i32
      %dma_wait3A_93 = tpu.memref_slice %arg8[%cond3A_30, %dma_wait3A_91, %dma_wait3A_92] : memref<2x128x128xf32, #tpu.memory_space<vmem>> -> memref<1x128x128xf32, #tpu.memory_space<vmem>>
      %dma_wait3A_94 = tpu.memref_squeeze %dma_wait3A_93 : memref<1x128x128xf32, #tpu.memory_space<vmem>> -> memref<128x128xf32, #tpu.memory_space<vmem>>
      %dma_wait3A_95 = arith.constant 0 : i32
      %dma_wait3A_96 = arith.constant 0 : i32
      %dma_wait3A_97 = tpu.memref_slice %arg2[%dma_wait3A_95, %dma_wait3A_96] : memref<10240x128xf32, #tpu.memory_space<hbm>> -> memref<128x128xf32, #tpu.memory_space<hbm>>
      %dma_wait3A_98 = arith.constant 0 : i32
      %dma_wait3A_99 = arith.constant 0 : i32
      %dma_wait3A_100 = tpu.memref_slice %arg8[%cond3A_30, %dma_wait3A_98, %dma_wait3A_99] : memref<2x128x128xf32, #tpu.memory_space<vmem>> -> memref<1x128x128xf32, #tpu.memory_space<vmem>>
      %dma_wait3A_101 = tpu.memref_squeeze %dma_wait3A_100 : memref<1x128x128xf32, #tpu.memory_space<vmem>> -> memref<128x128xf32, #tpu.memory_space<vmem>>
      %dma_wait3A_102 = arith.constant 0 : i32
      %dma_wait3A_103 = arith.constant 0 : i32
      %dma_wait3A_104 = tpu.memref_slice %arg2[%dma_wait3A_102, %dma_wait3A_103] : memref<10240x128xf32, #tpu.memory_space<hbm>> -> memref<128x128xf32, #tpu.memory_space<hbm>>
      tpu.wait_dma2 semaphore(%arg11 : memref<!tpu.dma_semaphore, #tpu.memory_space<semaphore_mem>>) src(%dma_wait3A_104 : memref<128x128xf32, #tpu.memory_space<hbm>>) dst(%dma_wait3A_101 : memref<128x128xf32, #tpu.memory_space<vmem>>)
      %run_scoped3A_105 = arith.constant 39 : i32
      "tpu.region"() ({
        %run_scoped3A_289 = tpu.sem_alloc : memref<!tpu.dma_semaphore, #tpu.memory_space<semaphore_mem>>
        %dma_start3A_290 = arith.constant 0 : i32
        %dma_start3A_291 = arith.constant 0 : i32
        %dma_start3A_292 = tpu.memref_slice %arg8[%cond3A_30, %dma_start3A_290, %dma_start3A_291] : memref<2x128x128xf32, #tpu.memory_space<vmem>> -> memref<1x128x128xf32, #tpu.memory_space<vmem>>
        %dma_start3A_293 = tpu.memref_squeeze %dma_start3A_292 : memref<1x128x128xf32, #tpu.memory_space<vmem>> -> memref<128x128xf32, #tpu.memory_space<vmem>>
        %dma_start3A_294 = arith.constant 0 : i32
        %dma_start3A_295 = tpu.memref_slice %arg7[%run_scoped3A_105, %dma_start3A_294] : memref<40x128xi32, #tpu.memory_space<vmem>> -> memref<1x128xi32, #tpu.memory_space<vmem>>
        %dma_start3A_296 = tpu.memref_squeeze %dma_start3A_295 : memref<1x128xi32, #tpu.memory_space<vmem>> -> memref<128xi32, #tpu.memory_space<vmem>>
        %dma_start3A_297 = arith.constant 0 : i32
        %dma_start3A_298 = arith.constant 0 : i32
        %dma_start3A_299 = tpu.memref_slice %arg9[%dma_start3A_297, %dma_start3A_298] : memref<10240x128xf32, #tpu.memory_space<vmem_shared>> -> memref<10240x128xf32, #tpu.memory_space<vmem_shared>>
        tpu.enqueue_indirect_dma source(%dma_start3A_293 : memref<128x128xf32, #tpu.memory_space<vmem>>) target(%dma_start3A_299 : memref<10240x128xf32, #tpu.memory_space<vmem_shared>>) offsets(%dma_start3A_296 : memref<128xi32, #tpu.memory_space<vmem>>) semaphore(%run_scoped3A_289 : memref<!tpu.dma_semaphore, #tpu.memory_space<semaphore_mem>>) {add = true}
        %dma_wait3A_300 = arith.constant 0 : i32
        %dma_wait3A_301 = arith.constant 0 : i32
        %dma_wait3A_302 = tpu.memref_slice %arg8[%cond3A_30, %dma_wait3A_300, %dma_wait3A_301] : memref<2x128x128xf32, #tpu.memory_space<vmem>> -> memref<1x128x128xf32, #tpu.memory_space<vmem>>
        %dma_wait3A_303 = tpu.memref_squeeze %dma_wait3A_302 : memref<1x128x128xf32, #tpu.memory_space<vmem>> -> memref<128x128xf32, #tpu.memory_space<vmem>>
        %dma_wait3A_304 = arith.constant 0 : i32
        %dma_wait3A_305 = tpu.memref_slice %arg7[%run_scoped3A_105, %dma_wait3A_304] : memref<40x128xi32, #tpu.memory_space<vmem>> -> memref<1x128xi32, #tpu.memory_space<vmem>>
        %dma_wait3A_306 = tpu.memref_squeeze %dma_wait3A_305 : memref<1x128xi32, #tpu.memory_space<vmem>> -> memref<128xi32, #tpu.memory_space<vmem>>
        %dma_wait3A_307 = arith.constant 0 : i32
        %dma_wait3A_308 = arith.constant 0 : i32
        %dma_wait3A_309 = tpu.memref_slice %arg9[%dma_wait3A_307, %dma_wait3A_308] : memref<10240x128xf32, #tpu.memory_space<vmem_shared>> -> memref<10240x128xf32, #tpu.memory_space<vmem_shared>>
        tpu.wait_indirect_dma semaphore(%run_scoped3A_289 : memref<!tpu.dma_semaphore, #tpu.memory_space<semaphore_mem>>) src(%dma_wait3A_303 : memref<128x128xf32, #tpu.memory_space<vmem>>) dst(%dma_wait3A_309 : memref<10240x128xf32, #tpu.memory_space<vmem_shared>>)
        tpu.yield
      }) : () -> ()
      %add3A_106 = arith.constant 40 : i32
      %add3A_107 = arith.addi %mul3A_46, %add3A_106 : i32
      "tpu.region"() ({
        %run_scoped3A_289 = tpu.sem_alloc : memref<!tpu.dma_semaphore, #tpu.memory_space<semaphore_mem>>
        %dma_start3A_290 = arith.constant 0 : i32
        %dma_start3A_291 = arith.constant 0 : i32
        %dma_start3A_292 = tpu.memref_slice %arg6[%dma_start3A_290, %dma_start3A_291] : memref<40x128xi32, #tpu.memory_space<vmem>> -> memref<40x128xi32, #tpu.memory_space<vmem>>
        %dma_start3A_293 = arith.constant 0 : i32
        %dma_start3A_294 = tpu.memref_slice %arg3[%add3A_107, %dma_start3A_293] : memref<2560x128xi32, #tpu.memory_space<hbm>> -> memref<40x128xi32, #tpu.memory_space<hbm>>
        %dma_start3A_295 = arith.constant 0 : i32
        %dma_start3A_296 = arith.constant 0 : i32
        %dma_start3A_297 = tpu.memref_slice %arg6[%dma_start3A_295, %dma_start3A_296] : memref<40x128xi32, #tpu.memory_space<vmem>> -> memref<40x128xi32, #tpu.memory_space<vmem>>
        %dma_start3A_298 = arith.constant 0 : i32
        %dma_start3A_299 = tpu.memref_slice %arg3[%add3A_107, %dma_start3A_298] : memref<2560x128xi32, #tpu.memory_space<hbm>> -> memref<40x128xi32, #tpu.memory_space<hbm>>
        tpu.enqueue_dma source(%dma_start3A_299 : memref<40x128xi32, #tpu.memory_space<hbm>>) target(%dma_start3A_297 : memref<40x128xi32, #tpu.memory_space<vmem>>) target_semaphore(%run_scoped3A_289 : memref<!tpu.dma_semaphore, #tpu.memory_space<semaphore_mem>>)
        %dma_wait3A_300 = arith.constant 0 : i32
        %dma_wait3A_301 = arith.constant 0 : i32
        %dma_wait3A_302 = tpu.memref_slice %arg6[%dma_wait3A_300, %dma_wait3A_301] : memref<40x128xi32, #tpu.memory_space<vmem>> -> memref<40x128xi32, #tpu.memory_space<vmem>>
        %dma_wait3A_303 = arith.constant 0 : i32
        %dma_wait3A_304 = tpu.memref_slice %arg3[%add3A_107, %dma_wait3A_303] : memref<2560x128xi32, #tpu.memory_space<hbm>> -> memref<40x128xi32, #tpu.memory_space<hbm>>
        %dma_wait3A_305 = arith.constant 0 : i32
        %dma_wait3A_306 = arith.constant 0 : i32
        %dma_wait3A_307 = tpu.memref_slice %arg6[%dma_wait3A_305, %dma_wait3A_306] : memref<40x128xi32, #tpu.memory_space<vmem>> -> memref<40x128xi32, #tpu.memory_space<vmem>>
        %dma_wait3A_308 = arith.constant 0 : i32
        %dma_wait3A_309 = tpu.memref_slice %arg3[%add3A_107, %dma_wait3A_308] : memref<2560x128xi32, #tpu.memory_space<hbm>> -> memref<40x128xi32, #tpu.memory_space<hbm>>
        tpu.wait_dma2 semaphore(%run_scoped3A_289 : memref<!tpu.dma_semaphore, #tpu.memory_space<semaphore_mem>>) src(%dma_wait3A_309 : memref<40x128xi32, #tpu.memory_space<hbm>>) dst(%dma_wait3A_307 : memref<40x128xi32, #tpu.memory_space<vmem>>)
        tpu.yield
      }) : () -> ()
      "tpu.region"() ({
        %run_scoped3A_289 = tpu.sem_alloc : memref<!tpu.dma_semaphore, #tpu.memory_space<semaphore_mem>>
        %dma_start3A_290 = arith.constant 0 : i32
        %dma_start3A_291 = arith.constant 0 : i32
        %dma_start3A_292 = tpu.memref_slice %arg7[%dma_start3A_290, %dma_start3A_291] : memref<40x128xi32, #tpu.memory_space<vmem>> -> memref<40x128xi32, #tpu.memory_space<vmem>>
        %dma_start3A_293 = arith.constant 0 : i32
        %dma_start3A_294 = tpu.memref_slice %arg4[%add3A_107, %dma_start3A_293] : memref<2560x128xi32, #tpu.memory_space<hbm>> -> memref<40x128xi32, #tpu.memory_space<hbm>>
        %dma_start3A_295 = arith.constant 0 : i32
        %dma_start3A_296 = arith.constant 0 : i32
        %dma_start3A_297 = tpu.memref_slice %arg7[%dma_start3A_295, %dma_start3A_296] : memref<40x128xi32, #tpu.memory_space<vmem>> -> memref<40x128xi32, #tpu.memory_space<vmem>>
        %dma_start3A_298 = arith.constant 0 : i32
        %dma_start3A_299 = tpu.memref_slice %arg4[%add3A_107, %dma_start3A_298] : memref<2560x128xi32, #tpu.memory_space<hbm>> -> memref<40x128xi32, #tpu.memory_space<hbm>>
        tpu.enqueue_dma source(%dma_start3A_299 : memref<40x128xi32, #tpu.memory_space<hbm>>) target(%dma_start3A_297 : memref<40x128xi32, #tpu.memory_space<vmem>>) target_semaphore(%run_scoped3A_289 : memref<!tpu.dma_semaphore, #tpu.memory_space<semaphore_mem>>)
        %dma_wait3A_300 = arith.constant 0 : i32
        %dma_wait3A_301 = arith.constant 0 : i32
        %dma_wait3A_302 = tpu.memref_slice %arg7[%dma_wait3A_300, %dma_wait3A_301] : memref<40x128xi32, #tpu.memory_space<vmem>> -> memref<40x128xi32, #tpu.memory_space<vmem>>
        %dma_wait3A_303 = arith.constant 0 : i32
        %dma_wait3A_304 = tpu.memref_slice %arg4[%add3A_107, %dma_wait3A_303] : memref<2560x128xi32, #tpu.memory_space<hbm>> -> memref<40x128xi32, #tpu.memory_space<hbm>>
        %dma_wait3A_305 = arith.constant 0 : i32
        %dma_wait3A_306 = arith.constant 0 : i32
        %dma_wait3A_307 = tpu.memref_slice %arg7[%dma_wait3A_305, %dma_wait3A_306] : memref<40x128xi32, #tpu.memory_space<vmem>> -> memref<40x128xi32, #tpu.memory_space<vmem>>
        %dma_wait3A_308 = arith.constant 0 : i32
        %dma_wait3A_309 = tpu.memref_slice %arg4[%add3A_107, %dma_wait3A_308] : memref<2560x128xi32, #tpu.memory_space<hbm>> -> memref<40x128xi32, #tpu.memory_space<hbm>>
        tpu.wait_dma2 semaphore(%run_scoped3A_289 : memref<!tpu.dma_semaphore, #tpu.memory_space<semaphore_mem>>) src(%dma_wait3A_309 : memref<40x128xi32, #tpu.memory_space<hbm>>) dst(%dma_wait3A_307 : memref<40x128xi32, #tpu.memory_space<vmem>>)
        tpu.yield
      }) : () -> ()
      %dma_start3A_108 = arith.constant 0 : i32
      %dma_start3A_109 = arith.constant 0 : i32
      %dma_start3A_110 = arith.constant 0 : i32
      %dma_start3A_111 = tpu.memref_slice %arg8[%cond3A, %dma_start3A_109, %dma_start3A_110] : memref<2x128x128xf32, #tpu.memory_space<vmem>> -> memref<1x128x128xf32, #tpu.memory_space<vmem>>
      %dma_start3A_112 = tpu.memref_squeeze %dma_start3A_111 : memref<1x128x128xf32, #tpu.memory_space<vmem>> -> memref<128x128xf32, #tpu.memory_space<vmem>>
      %dma_start3A_113 = arith.constant 0 : i32
      %dma_start3A_114 = tpu.memref_slice %arg6[%dma_start3A_108, %dma_start3A_113] : memref<40x128xi32, #tpu.memory_space<vmem>> -> memref<1x128xi32, #tpu.memory_space<vmem>>
      %dma_start3A_115 = tpu.memref_squeeze %dma_start3A_114 : memref<1x128xi32, #tpu.memory_space<vmem>> -> memref<128xi32, #tpu.memory_space<vmem>>
      %dma_start3A_116 = arith.constant 0 : i32
      %dma_start3A_117 = arith.constant 0 : i32
      %dma_start3A_118 = tpu.memref_slice %arg2[%dma_start3A_116, %dma_start3A_117] : memref<10240x128xf32, #tpu.memory_space<hbm>> -> memref<10240x128xf32, #tpu.memory_space<hbm>>
      tpu.enqueue_indirect_dma source(%dma_start3A_118 : memref<10240x128xf32, #tpu.memory_space<hbm>>) target(%dma_start3A_112 : memref<128x128xf32, #tpu.memory_space<vmem>>) offsets(%dma_start3A_115 : memref<128xi32, #tpu.memory_space<vmem>>) semaphore(%arg10 : memref<!tpu.dma_semaphore, #tpu.memory_space<semaphore_mem>>)
      %dma_start3A_119 = arith.constant 1 : i32
      %dma_start3A_120 = arith.constant 0 : i32
      %dma_start3A_121 = arith.constant 0 : i32
      %dma_start3A_122 = tpu.memref_slice %arg8[%cond3A_30, %dma_start3A_120, %dma_start3A_121] : memref<2x128x128xf32, #tpu.memory_space<vmem>> -> memref<1x128x128xf32, #tpu.memory_space<vmem>>
      %dma_start3A_123 = tpu.memref_squeeze %dma_start3A_122 : memref<1x128x128xf32, #tpu.memory_space<vmem>> -> memref<128x128xf32, #tpu.memory_space<vmem>>
      %dma_start3A_124 = arith.constant 0 : i32
      %dma_start3A_125 = tpu.memref_slice %arg6[%dma_start3A_119, %dma_start3A_124] : memref<40x128xi32, #tpu.memory_space<vmem>> -> memref<1x128xi32, #tpu.memory_space<vmem>>
      %dma_start3A_126 = tpu.memref_squeeze %dma_start3A_125 : memref<1x128xi32, #tpu.memory_space<vmem>> -> memref<128xi32, #tpu.memory_space<vmem>>
      %dma_start3A_127 = arith.constant 0 : i32
      %dma_start3A_128 = arith.constant 0 : i32
      %dma_start3A_129 = tpu.memref_slice %arg2[%dma_start3A_127, %dma_start3A_128] : memref<10240x128xf32, #tpu.memory_space<hbm>> -> memref<10240x128xf32, #tpu.memory_space<hbm>>
      tpu.enqueue_indirect_dma source(%dma_start3A_129 : memref<10240x128xf32, #tpu.memory_space<hbm>>) target(%dma_start3A_123 : memref<128x128xf32, #tpu.memory_space<vmem>>) offsets(%dma_start3A_126 : memref<128xi32, #tpu.memory_space<vmem>>) semaphore(%arg11 : memref<!tpu.dma_semaphore, #tpu.memory_space<semaphore_mem>>)
      %scan3A_130 = arith.constant 0 : i32
      %scan3A_131 = arith.constant 0 : i32
      %scan3A_132 = arith.constant 19 : i32
      %scan3A_133 = arith.addi %scan3A_131, %scan3A_132 : i32
      %scan3A_134 = arith.constant 1 : i32
      %scan3A_135 = scf.for %scan3A_289 = %scan3A_131 to %scan3A_133 step %scan3A_134 iter_args(%scan3A_290 = %scan3A_130) -> (i32)  : i32 {
        %mul3A_291 = arith.constant 2 : i32
        %mul3A_292 = arith.muli %scan3A_289, %mul3A_291 : i32
        %add3A_293 = arith.constant 0 : i32
        %add3A_294 = arith.addi %mul3A_292, %add3A_293 : i32
        %dma_wait3A_295 = arith.constant 0 : i32
        %dma_wait3A_296 = arith.constant 0 : i32
        %dma_wait3A_297 = tpu.memref_slice %arg8[%cond3A, %dma_wait3A_295, %dma_wait3A_296] : memref<2x128x128xf32, #tpu.memory_space<vmem>> -> memref<1x128x128xf32, #tpu.memory_space<vmem>>
        %dma_wait3A_298 = tpu.memref_squeeze %dma_wait3A_297 : memref<1x128x128xf32, #tpu.memory_space<vmem>> -> memref<128x128xf32, #tpu.memory_space<vmem>>
        %dma_wait3A_299 = arith.constant 0 : i32
        %dma_wait3A_300 = arith.constant 0 : i32
        %dma_wait3A_301 = tpu.memref_slice %arg2[%dma_wait3A_299, %dma_wait3A_300] : memref<10240x128xf32, #tpu.memory_space<hbm>> -> memref<128x128xf32, #tpu.memory_space<hbm>>
        %dma_wait3A_302 = arith.constant 0 : i32
        %dma_wait3A_303 = arith.constant 0 : i32
        %dma_wait3A_304 = tpu.memref_slice %arg8[%cond3A, %dma_wait3A_302, %dma_wait3A_303] : memref<2x128x128xf32, #tpu.memory_space<vmem>> -> memref<1x128x128xf32, #tpu.memory_space<vmem>>
        %dma_wait3A_305 = tpu.memref_squeeze %dma_wait3A_304 : memref<1x128x128xf32, #tpu.memory_space<vmem>> -> memref<128x128xf32, #tpu.memory_space<vmem>>
        %dma_wait3A_306 = arith.constant 0 : i32
        %dma_wait3A_307 = arith.constant 0 : i32
        %dma_wait3A_308 = tpu.memref_slice %arg2[%dma_wait3A_306, %dma_wait3A_307] : memref<10240x128xf32, #tpu.memory_space<hbm>> -> memref<128x128xf32, #tpu.memory_space<hbm>>
        tpu.wait_dma2 semaphore(%arg10 : memref<!tpu.dma_semaphore, #tpu.memory_space<semaphore_mem>>) src(%dma_wait3A_308 : memref<128x128xf32, #tpu.memory_space<hbm>>) dst(%dma_wait3A_305 : memref<128x128xf32, #tpu.memory_space<vmem>>)
        "tpu.region"() ({
          %run_scoped3A_352 = tpu.sem_alloc : memref<!tpu.dma_semaphore, #tpu.memory_space<semaphore_mem>>
          %dma_start3A_353 = arith.constant 0 : i32
          %dma_start3A_354 = arith.constant 0 : i32
          %dma_start3A_355 = tpu.memref_slice %arg8[%cond3A, %dma_start3A_353, %dma_start3A_354] : memref<2x128x128xf32, #tpu.memory_space<vmem>> -> memref<1x128x128xf32, #tpu.memory_space<vmem>>
          %dma_start3A_356 = tpu.memref_squeeze %dma_start3A_355 : memref<1x128x128xf32, #tpu.memory_space<vmem>> -> memref<128x128xf32, #tpu.memory_space<vmem>>
          %dma_start3A_357 = arith.constant 0 : i32
          %dma_start3A_358 = tpu.memref_slice %arg7[%add3A_294, %dma_start3A_357] : memref<40x128xi32, #tpu.memory_space<vmem>> -> memref<1x128xi32, #tpu.memory_space<vmem>>
          %dma_start3A_359 = tpu.memref_squeeze %dma_start3A_358 : memref<1x128xi32, #tpu.memory_space<vmem>> -> memref<128xi32, #tpu.memory_space<vmem>>
          %dma_start3A_360 = arith.constant 0 : i32
          %dma_start3A_361 = arith.constant 0 : i32
          %dma_start3A_362 = tpu.memref_slice %arg9[%dma_start3A_360, %dma_start3A_361] : memref<10240x128xf32, #tpu.memory_space<vmem_shared>> -> memref<10240x128xf32, #tpu.memory_space<vmem_shared>>
          tpu.enqueue_indirect_dma source(%dma_start3A_356 : memref<128x128xf32, #tpu.memory_space<vmem>>) target(%dma_start3A_362 : memref<10240x128xf32, #tpu.memory_space<vmem_shared>>) offsets(%dma_start3A_359 : memref<128xi32, #tpu.memory_space<vmem>>) semaphore(%run_scoped3A_352 : memref<!tpu.dma_semaphore, #tpu.memory_space<semaphore_mem>>) {add = true}
          %dma_wait3A_363 = arith.constant 0 : i32
          %dma_wait3A_364 = arith.constant 0 : i32
          %dma_wait3A_365 = tpu.memref_slice %arg8[%cond3A, %dma_wait3A_363, %dma_wait3A_364] : memref<2x128x128xf32, #tpu.memory_space<vmem>> -> memref<1x128x128xf32, #tpu.memory_space<vmem>>
          %dma_wait3A_366 = tpu.memref_squeeze %dma_wait3A_365 : memref<1x128x128xf32, #tpu.memory_space<vmem>> -> memref<128x128xf32, #tpu.memory_space<vmem>>
          %dma_wait3A_367 = arith.constant 0 : i32
          %dma_wait3A_368 = tpu.memref_slice %arg7[%add3A_294, %dma_wait3A_367] : memref<40x128xi32, #tpu.memory_space<vmem>> -> memref<1x128xi32, #tpu.memory_space<vmem>>
          %dma_wait3A_369 = tpu.memref_squeeze %dma_wait3A_368 : memref<1x128xi32, #tpu.memory_space<vmem>> -> memref<128xi32, #tpu.memory_space<vmem>>
          %dma_wait3A_370 = arith.constant 0 : i32
          %dma_wait3A_371 = arith.constant 0 : i32
          %dma_wait3A_372 = tpu.memref_slice %arg9[%dma_wait3A_370, %dma_wait3A_371] : memref<10240x128xf32, #tpu.memory_space<vmem_shared>> -> memref<10240x128xf32, #tpu.memory_space<vmem_shared>>
          tpu.wait_indirect_dma semaphore(%run_scoped3A_352 : memref<!tpu.dma_semaphore, #tpu.memory_space<semaphore_mem>>) src(%dma_wait3A_366 : memref<128x128xf32, #tpu.memory_space<vmem>>) dst(%dma_wait3A_372 : memref<10240x128xf32, #tpu.memory_space<vmem_shared>>)
          tpu.yield
        }) : () -> ()
        %add3A_309 = arith.constant 2 : i32
        %add3A_310 = arith.addi %add3A_294, %add3A_309 : i32
        %dma_start3A_311 = arith.constant 0 : i32
        %dma_start3A_312 = arith.constant 0 : i32
        %dma_start3A_313 = tpu.memref_slice %arg8[%cond3A, %dma_start3A_311, %dma_start3A_312] : memref<2x128x128xf32, #tpu.memory_space<vmem>> -> memref<1x128x128xf32, #tpu.memory_space<vmem>>
        %dma_start3A_314 = tpu.memref_squeeze %dma_start3A_313 : memref<1x128x128xf32, #tpu.memory_space<vmem>> -> memref<128x128xf32, #tpu.memory_space<vmem>>
        %dma_start3A_315 = arith.constant 0 : i32
        %dma_start3A_316 = tpu.memref_slice %arg6[%add3A_310, %dma_start3A_315] : memref<40x128xi32, #tpu.memory_space<vmem>> -> memref<1x128xi32, #tpu.memory_space<vmem>>
        %dma_start3A_317 = tpu.memref_squeeze %dma_start3A_316 : memref<1x128xi32, #tpu.memory_space<vmem>> -> memref<128xi32, #tpu.memory_space<vmem>>
        %dma_start3A_318 = arith.constant 0 : i32
        %dma_start3A_319 = arith.constant 0 : i32
        %dma_start3A_320 = tpu.memref_slice %arg2[%dma_start3A_318, %dma_start3A_319] : memref<10240x128xf32, #tpu.memory_space<hbm>> -> memref<10240x128xf32, #tpu.memory_space<hbm>>
        tpu.enqueue_indirect_dma source(%dma_start3A_320 : memref<10240x128xf32, #tpu.memory_space<hbm>>) target(%dma_start3A_314 : memref<128x128xf32, #tpu.memory_space<vmem>>) offsets(%dma_start3A_317 : memref<128xi32, #tpu.memory_space<vmem>>) semaphore(%arg10 : memref<!tpu.dma_semaphore, #tpu.memory_space<semaphore_mem>>)
        %mul3A_321 = arith.constant 2 : i32
        %mul3A_322 = arith.muli %scan3A_289, %mul3A_321 : i32
        %add3A_323 = arith.constant 1 : i32
        %add3A_324 = arith.addi %mul3A_322, %add3A_323 : i32
        %dma_wait3A_325 = arith.constant 0 : i32
        %dma_wait3A_326 = arith.constant 0 : i32
        %dma_wait3A_327 = tpu.memref_slice %arg8[%cond3A_30, %dma_wait3A_325, %dma_wait3A_326] : memref<2x128x128xf32, #tpu.memory_space<vmem>> -> memref<1x128x128xf32, #tpu.memory_space<vmem>>
        %dma_wait3A_328 = tpu.memref_squeeze %dma_wait3A_327 : memref<1x128x128xf32, #tpu.memory_space<vmem>> -> memref<128x128xf32, #tpu.memory_space<vmem>>
        %dma_wait3A_329 = arith.constant 0 : i32
        %dma_wait3A_330 = arith.constant 0 : i32
        %dma_wait3A_331 = tpu.memref_slice %arg2[%dma_wait3A_329, %dma_wait3A_330] : memref<10240x128xf32, #tpu.memory_space<hbm>> -> memref<128x128xf32, #tpu.memory_space<hbm>>
        %dma_wait3A_332 = arith.constant 0 : i32
        %dma_wait3A_333 = arith.constant 0 : i32
        %dma_wait3A_334 = tpu.memref_slice %arg8[%cond3A_30, %dma_wait3A_332, %dma_wait3A_333] : memref<2x128x128xf32, #tpu.memory_space<vmem>> -> memref<1x128x128xf32, #tpu.memory_space<vmem>>
        %dma_wait3A_335 = tpu.memref_squeeze %dma_wait3A_334 : memref<1x128x128xf32, #tpu.memory_space<vmem>> -> memref<128x128xf32, #tpu.memory_space<vmem>>
        %dma_wait3A_336 = arith.constant 0 : i32
        %dma_wait3A_337 = arith.constant 0 : i32
        %dma_wait3A_338 = tpu.memref_slice %arg2[%dma_wait3A_336, %dma_wait3A_337] : memref<10240x128xf32, #tpu.memory_space<hbm>> -> memref<128x128xf32, #tpu.memory_space<hbm>>
        tpu.wait_dma2 semaphore(%arg11 : memref<!tpu.dma_semaphore, #tpu.memory_space<semaphore_mem>>) src(%dma_wait3A_338 : memref<128x128xf32, #tpu.memory_space<hbm>>) dst(%dma_wait3A_335 : memref<128x128xf32, #tpu.memory_space<vmem>>)
        "tpu.region"() ({
          %run_scoped3A_352 = tpu.sem_alloc : memref<!tpu.dma_semaphore, #tpu.memory_space<semaphore_mem>>
          %dma_start3A_353 = arith.constant 0 : i32
          %dma_start3A_354 = arith.constant 0 : i32
          %dma_start3A_355 = tpu.memref_slice %arg8[%cond3A_30, %dma_start3A_353, %dma_start3A_354] : memref<2x128x128xf32, #tpu.memory_space<vmem>> -> memref<1x128x128xf32, #tpu.memory_space<vmem>>
          %dma_start3A_356 = tpu.memref_squeeze %dma_start3A_355 : memref<1x128x128xf32, #tpu.memory_space<vmem>> -> memref<128x128xf32, #tpu.memory_space<vmem>>
          %dma_start3A_357 = arith.constant 0 : i32
          %dma_start3A_358 = tpu.memref_slice %arg7[%add3A_324, %dma_start3A_357] : memref<40x128xi32, #tpu.memory_space<vmem>> -> memref<1x128xi32, #tpu.memory_space<vmem>>
          %dma_start3A_359 = tpu.memref_squeeze %dma_start3A_358 : memref<1x128xi32, #tpu.memory_space<vmem>> -> memref<128xi32, #tpu.memory_space<vmem>>
          %dma_start3A_360 = arith.constant 0 : i32
          %dma_start3A_361 = arith.constant 0 : i32
          %dma_start3A_362 = tpu.memref_slice %arg9[%dma_start3A_360, %dma_start3A_361] : memref<10240x128xf32, #tpu.memory_space<vmem_shared>> -> memref<10240x128xf32, #tpu.memory_space<vmem_shared>>
          tpu.enqueue_indirect_dma source(%dma_start3A_356 : memref<128x128xf32, #tpu.memory_space<vmem>>) target(%dma_start3A_362 : memref<10240x128xf32, #tpu.memory_space<vmem_shared>>) offsets(%dma_start3A_359 : memref<128xi32, #tpu.memory_space<vmem>>) semaphore(%run_scoped3A_352 : memref<!tpu.dma_semaphore, #tpu.memory_space<semaphore_mem>>) {add = true}
          %dma_wait3A_363 = arith.constant 0 : i32
          %dma_wait3A_364 = arith.constant 0 : i32
          %dma_wait3A_365 = tpu.memref_slice %arg8[%cond3A_30, %dma_wait3A_363, %dma_wait3A_364] : memref<2x128x128xf32, #tpu.memory_space<vmem>> -> memref<1x128x128xf32, #tpu.memory_space<vmem>>
          %dma_wait3A_366 = tpu.memref_squeeze %dma_wait3A_365 : memref<1x128x128xf32, #tpu.memory_space<vmem>> -> memref<128x128xf32, #tpu.memory_space<vmem>>
          %dma_wait3A_367 = arith.constant 0 : i32
          %dma_wait3A_368 = tpu.memref_slice %arg7[%add3A_324, %dma_wait3A_367] : memref<40x128xi32, #tpu.memory_space<vmem>> -> memref<1x128xi32, #tpu.memory_space<vmem>>
          %dma_wait3A_369 = tpu.memref_squeeze %dma_wait3A_368 : memref<1x128xi32, #tpu.memory_space<vmem>> -> memref<128xi32, #tpu.memory_space<vmem>>
          %dma_wait3A_370 = arith.constant 0 : i32
          %dma_wait3A_371 = arith.constant 0 : i32
          %dma_wait3A_372 = tpu.memref_slice %arg9[%dma_wait3A_370, %dma_wait3A_371] : memref<10240x128xf32, #tpu.memory_space<vmem_shared>> -> memref<10240x128xf32, #tpu.memory_space<vmem_shared>>
          tpu.wait_indirect_dma semaphore(%run_scoped3A_352 : memref<!tpu.dma_semaphore, #tpu.memory_space<semaphore_mem>>) src(%dma_wait3A_366 : memref<128x128xf32, #tpu.memory_space<vmem>>) dst(%dma_wait3A_372 : memref<10240x128xf32, #tpu.memory_space<vmem_shared>>)
          tpu.yield
        }) : () -> ()
        %add3A_339 = arith.constant 2 : i32
        %add3A_340 = arith.addi %add3A_324, %add3A_339 : i32
        %dma_start3A_341 = arith.constant 0 : i32
        %dma_start3A_342 = arith.constant 0 : i32
        %dma_start3A_343 = tpu.memref_slice %arg8[%cond3A_30, %dma_start3A_341, %dma_start3A_342] : memref<2x128x128xf32, #tpu.memory_space<vmem>> -> memref<1x128x128xf32, #tpu.memory_space<vmem>>
        %dma_start3A_344 = tpu.memref_squeeze %dma_start3A_343 : memref<1x128x128xf32, #tpu.memory_space<vmem>> -> memref<128x128xf32, #tpu.memory_space<vmem>>
        %dma_start3A_345 = arith.constant 0 : i32
        %dma_start3A_346 = tpu.memref_slice %arg6[%add3A_340, %dma_start3A_345] : memref<40x128xi32, #tpu.memory_space<vmem>> -> memref<1x128xi32, #tpu.memory_space<vmem>>
        %dma_start3A_347 = tpu.memref_squeeze %dma_start3A_346 : memref<1x128xi32, #tpu.memory_space<vmem>> -> memref<128xi32, #tpu.memory_space<vmem>>
        %dma_start3A_348 = arith.constant 0 : i32
        %dma_start3A_349 = arith.constant 0 : i32
        %dma_start3A_350 = tpu.memref_slice %arg2[%dma_start3A_348, %dma_start3A_349] : memref<10240x128xf32, #tpu.memory_space<hbm>> -> memref<10240x128xf32, #tpu.memory_space<hbm>>
        tpu.enqueue_indirect_dma source(%dma_start3A_350 : memref<10240x128xf32, #tpu.memory_space<hbm>>) target(%dma_start3A_344 : memref<128x128xf32, #tpu.memory_space<vmem>>) offsets(%dma_start3A_347 : memref<128xi32, #tpu.memory_space<vmem>>) semaphore(%arg11 : memref<!tpu.dma_semaphore, #tpu.memory_space<semaphore_mem>>)
        %scan3A_351 = arith.constant 0 : i32
        scf.yield %scan3A_351 : i32
      }
      %scan3A_136 = arith.constant 19 : i32
      %dma_wait3A_137 = arith.constant 0 : i32
      %dma_wait3A_138 = arith.constant 0 : i32
      %dma_wait3A_139 = tpu.memref_slice %arg8[%cond3A, %dma_wait3A_137, %dma_wait3A_138] : memref<2x128x128xf32, #tpu.memory_space<vmem>> -> memref<1x128x128xf32, #tpu.memory_space<vmem>>
      %dma_wait3A_140 = tpu.memref_squeeze %dma_wait3A_139 : memref<1x128x128xf32, #tpu.memory_space<vmem>> -> memref<128x128xf32, #tpu.memory_space<vmem>>
      %dma_wait3A_141 = arith.constant 0 : i32
      %dma_wait3A_142 = arith.constant 0 : i32
      %dma_wait3A_143 = tpu.memref_slice %arg2[%dma_wait3A_141, %dma_wait3A_142] : memref<10240x128xf32, #tpu.memory_space<hbm>> -> memref<128x128xf32, #tpu.memory_space<hbm>>
      %dma_wait3A_144 = arith.constant 0 : i32
      %dma_wait3A_145 = arith.constant 0 : i32
      %dma_wait3A_146 = tpu.memref_slice %arg8[%cond3A, %dma_wait3A_144, %dma_wait3A_145] : memref<2x128x128xf32, #tpu.memory_space<vmem>> -> memref<1x128x128xf32, #tpu.memory_space<vmem>>
      %dma_wait3A_147 = tpu.memref_squeeze %dma_wait3A_146 : memref<1x128x128xf32, #tpu.memory_space<vmem>> -> memref<128x128xf32, #tpu.memory_space<vmem>>
      %dma_wait3A_148 = arith.constant 0 : i32
      %dma_wait3A_149 = arith.constant 0 : i32
      %dma_wait3A_150 = tpu.memref_slice %arg2[%dma_wait3A_148, %dma_wait3A_149] : memref<10240x128xf32, #tpu.memory_space<hbm>> -> memref<128x128xf32, #tpu.memory_space<hbm>>
      tpu.wait_dma2 semaphore(%arg10 : memref<!tpu.dma_semaphore, #tpu.memory_space<semaphore_mem>>) src(%dma_wait3A_150 : memref<128x128xf32, #tpu.memory_space<hbm>>) dst(%dma_wait3A_147 : memref<128x128xf32, #tpu.memory_space<vmem>>)
      %run_scoped3A_151 = arith.constant 38 : i32
      "tpu.region"() ({
        %run_scoped3A_289 = tpu.sem_alloc : memref<!tpu.dma_semaphore, #tpu.memory_space<semaphore_mem>>
        %dma_start3A_290 = arith.constant 0 : i32
        %dma_start3A_291 = arith.constant 0 : i32
        %dma_start3A_292 = tpu.memref_slice %arg8[%cond3A, %dma_start3A_290, %dma_start3A_291] : memref<2x128x128xf32, #tpu.memory_space<vmem>> -> memref<1x128x128xf32, #tpu.memory_space<vmem>>
        %dma_start3A_293 = tpu.memref_squeeze %dma_start3A_292 : memref<1x128x128xf32, #tpu.memory_space<vmem>> -> memref<128x128xf32, #tpu.memory_space<vmem>>
        %dma_start3A_294 = arith.constant 0 : i32
        %dma_start3A_295 = tpu.memref_slice %arg7[%run_scoped3A_151, %dma_start3A_294] : memref<40x128xi32, #tpu.memory_space<vmem>> -> memref<1x128xi32, #tpu.memory_space<vmem>>
        %dma_start3A_296 = tpu.memref_squeeze %dma_start3A_295 : memref<1x128xi32, #tpu.memory_space<vmem>> -> memref<128xi32, #tpu.memory_space<vmem>>
        %dma_start3A_297 = arith.constant 0 : i32
        %dma_start3A_298 = arith.constant 0 : i32
        %dma_start3A_299 = tpu.memref_slice %arg9[%dma_start3A_297, %dma_start3A_298] : memref<10240x128xf32, #tpu.memory_space<vmem_shared>> -> memref<10240x128xf32, #tpu.memory_space<vmem_shared>>
        tpu.enqueue_indirect_dma source(%dma_start3A_293 : memref<128x128xf32, #tpu.memory_space<vmem>>) target(%dma_start3A_299 : memref<10240x128xf32, #tpu.memory_space<vmem_shared>>) offsets(%dma_start3A_296 : memref<128xi32, #tpu.memory_space<vmem>>) semaphore(%run_scoped3A_289 : memref<!tpu.dma_semaphore, #tpu.memory_space<semaphore_mem>>) {add = true}
        %dma_wait3A_300 = arith.constant 0 : i32
        %dma_wait3A_301 = arith.constant 0 : i32
        %dma_wait3A_302 = tpu.memref_slice %arg8[%cond3A, %dma_wait3A_300, %dma_wait3A_301] : memref<2x128x128xf32, #tpu.memory_space<vmem>> -> memref<1x128x128xf32, #tpu.memory_space<vmem>>
        %dma_wait3A_303 = tpu.memref_squeeze %dma_wait3A_302 : memref<1x128x128xf32, #tpu.memory_space<vmem>> -> memref<128x128xf32, #tpu.memory_space<vmem>>
        %dma_wait3A_304 = arith.constant 0 : i32
        %dma_wait3A_305 = tpu.memref_slice %arg7[%run_scoped3A_151, %dma_wait3A_304] : memref<40x128xi32, #tpu.memory_space<vmem>> -> memref<1x128xi32, #tpu.memory_space<vmem>>
        %dma_wait3A_306 = tpu.memref_squeeze %dma_wait3A_305 : memref<1x128xi32, #tpu.memory_space<vmem>> -> memref<128xi32, #tpu.memory_space<vmem>>
        %dma_wait3A_307 = arith.constant 0 : i32
        %dma_wait3A_308 = arith.constant 0 : i32
        %dma_wait3A_309 = tpu.memref_slice %arg9[%dma_wait3A_307, %dma_wait3A_308] : memref<10240x128xf32, #tpu.memory_space<vmem_shared>> -> memref<10240x128xf32, #tpu.memory_space<vmem_shared>>
        tpu.wait_indirect_dma semaphore(%run_scoped3A_289 : memref<!tpu.dma_semaphore, #tpu.memory_space<semaphore_mem>>) src(%dma_wait3A_303 : memref<128x128xf32, #tpu.memory_space<vmem>>) dst(%dma_wait3A_309 : memref<10240x128xf32, #tpu.memory_space<vmem_shared>>)
        tpu.yield
      }) : () -> ()
      %dma_wait3A_152 = arith.constant 0 : i32
      %dma_wait3A_153 = arith.constant 0 : i32
      %dma_wait3A_154 = tpu.memref_slice %arg8[%cond3A_30, %dma_wait3A_152, %dma_wait3A_153] : memref<2x128x128xf32, #tpu.memory_space<vmem>> -> memref<1x128x128xf32, #tpu.memory_space<vmem>>
      %dma_wait3A_155 = tpu.memref_squeeze %dma_wait3A_154 : memref<1x128x128xf32, #tpu.memory_space<vmem>> -> memref<128x128xf32, #tpu.memory_space<vmem>>
      %dma_wait3A_156 = arith.constant 0 : i32
      %dma_wait3A_157 = arith.constant 0 : i32
      %dma_wait3A_158 = tpu.memref_slice %arg2[%dma_wait3A_156, %dma_wait3A_157] : memref<10240x128xf32, #tpu.memory_space<hbm>> -> memref<128x128xf32, #tpu.memory_space<hbm>>
      %dma_wait3A_159 = arith.constant 0 : i32
      %dma_wait3A_160 = arith.constant 0 : i32
      %dma_wait3A_161 = tpu.memref_slice %arg8[%cond3A_30, %dma_wait3A_159, %dma_wait3A_160] : memref<2x128x128xf32, #tpu.memory_space<vmem>> -> memref<1x128x128xf32, #tpu.memory_space<vmem>>
      %dma_wait3A_162 = tpu.memref_squeeze %dma_wait3A_161 : memref<1x128x128xf32, #tpu.memory_space<vmem>> -> memref<128x128xf32, #tpu.memory_space<vmem>>
      %dma_wait3A_163 = arith.constant 0 : i32
      %dma_wait3A_164 = arith.constant 0 : i32
      %dma_wait3A_165 = tpu.memref_slice %arg2[%dma_wait3A_163, %dma_wait3A_164] : memref<10240x128xf32, #tpu.memory_space<hbm>> -> memref<128x128xf32, #tpu.memory_space<hbm>>
      tpu.wait_dma2 semaphore(%arg11 : memref<!tpu.dma_semaphore, #tpu.memory_space<semaphore_mem>>) src(%dma_wait3A_165 : memref<128x128xf32, #tpu.memory_space<hbm>>) dst(%dma_wait3A_162 : memref<128x128xf32, #tpu.memory_space<vmem>>)
      %run_scoped3A_166 = arith.constant 39 : i32
      "tpu.region"() ({
        %run_scoped3A_289 = tpu.sem_alloc : memref<!tpu.dma_semaphore, #tpu.memory_space<semaphore_mem>>
        %dma_start3A_290 = arith.constant 0 : i32
        %dma_start3A_291 = arith.constant 0 : i32
        %dma_start3A_292 = tpu.memref_slice %arg8[%cond3A_30, %dma_start3A_290, %dma_start3A_291] : memref<2x128x128xf32, #tpu.memory_space<vmem>> -> memref<1x128x128xf32, #tpu.memory_space<vmem>>
        %dma_start3A_293 = tpu.memref_squeeze %dma_start3A_292 : memref<1x128x128xf32, #tpu.memory_space<vmem>> -> memref<128x128xf32, #tpu.memory_space<vmem>>
        %dma_start3A_294 = arith.constant 0 : i32
        %dma_start3A_295 = tpu.memref_slice %arg7[%run_scoped3A_166, %dma_start3A_294] : memref<40x128xi32, #tpu.memory_space<vmem>> -> memref<1x128xi32, #tpu.memory_space<vmem>>
        %dma_start3A_296 = tpu.memref_squeeze %dma_start3A_295 : memref<1x128xi32, #tpu.memory_space<vmem>> -> memref<128xi32, #tpu.memory_space<vmem>>
        %dma_start3A_297 = arith.constant 0 : i32
        %dma_start3A_298 = arith.constant 0 : i32
        %dma_start3A_299 = tpu.memref_slice %arg9[%dma_start3A_297, %dma_start3A_298] : memref<10240x128xf32, #tpu.memory_space<vmem_shared>> -> memref<10240x128xf32, #tpu.memory_space<vmem_shared>>
        tpu.enqueue_indirect_dma source(%dma_start3A_293 : memref<128x128xf32, #tpu.memory_space<vmem>>) target(%dma_start3A_299 : memref<10240x128xf32, #tpu.memory_space<vmem_shared>>) offsets(%dma_start3A_296 : memref<128xi32, #tpu.memory_space<vmem>>) semaphore(%run_scoped3A_289 : memref<!tpu.dma_semaphore, #tpu.memory_space<semaphore_mem>>) {add = true}
        %dma_wait3A_300 = arith.constant 0 : i32
        %dma_wait3A_301 = arith.constant 0 : i32
        %dma_wait3A_302 = tpu.memref_slice %arg8[%cond3A_30, %dma_wait3A_300, %dma_wait3A_301] : memref<2x128x128xf32, #tpu.memory_space<vmem>> -> memref<1x128x128xf32, #tpu.memory_space<vmem>>
        %dma_wait3A_303 = tpu.memref_squeeze %dma_wait3A_302 : memref<1x128x128xf32, #tpu.memory_space<vmem>> -> memref<128x128xf32, #tpu.memory_space<vmem>>
        %dma_wait3A_304 = arith.constant 0 : i32
        %dma_wait3A_305 = tpu.memref_slice %arg7[%run_scoped3A_166, %dma_wait3A_304] : memref<40x128xi32, #tpu.memory_space<vmem>> -> memref<1x128xi32, #tpu.memory_space<vmem>>
        %dma_wait3A_306 = tpu.memref_squeeze %dma_wait3A_305 : memref<1x128xi32, #tpu.memory_space<vmem>> -> memref<128xi32, #tpu.memory_space<vmem>>
        %dma_wait3A_307 = arith.constant 0 : i32
        %dma_wait3A_308 = arith.constant 0 : i32
        %dma_wait3A_309 = tpu.memref_slice %arg9[%dma_wait3A_307, %dma_wait3A_308] : memref<10240x128xf32, #tpu.memory_space<vmem_shared>> -> memref<10240x128xf32, #tpu.memory_space<vmem_shared>>
        tpu.wait_indirect_dma semaphore(%run_scoped3A_289 : memref<!tpu.dma_semaphore, #tpu.memory_space<semaphore_mem>>) src(%dma_wait3A_303 : memref<128x128xf32, #tpu.memory_space<vmem>>) dst(%dma_wait3A_309 : memref<10240x128xf32, #tpu.memory_space<vmem_shared>>)
        tpu.yield
      }) : () -> ()
      %add3A_167 = arith.constant 80 : i32
      %add3A_168 = arith.addi %mul3A_46, %add3A_167 : i32
      "tpu.region"() ({
        %run_scoped3A_289 = tpu.sem_alloc : memref<!tpu.dma_semaphore, #tpu.memory_space<semaphore_mem>>
        %dma_start3A_290 = arith.constant 0 : i32
        %dma_start3A_291 = arith.constant 0 : i32
        %dma_start3A_292 = tpu.memref_slice %arg6[%dma_start3A_290, %dma_start3A_291] : memref<40x128xi32, #tpu.memory_space<vmem>> -> memref<40x128xi32, #tpu.memory_space<vmem>>
        %dma_start3A_293 = arith.constant 0 : i32
        %dma_start3A_294 = tpu.memref_slice %arg3[%add3A_168, %dma_start3A_293] : memref<2560x128xi32, #tpu.memory_space<hbm>> -> memref<40x128xi32, #tpu.memory_space<hbm>>
        %dma_start3A_295 = arith.constant 0 : i32
        %dma_start3A_296 = arith.constant 0 : i32
        %dma_start3A_297 = tpu.memref_slice %arg6[%dma_start3A_295, %dma_start3A_296] : memref<40x128xi32, #tpu.memory_space<vmem>> -> memref<40x128xi32, #tpu.memory_space<vmem>>
        %dma_start3A_298 = arith.constant 0 : i32
        %dma_start3A_299 = tpu.memref_slice %arg3[%add3A_168, %dma_start3A_298] : memref<2560x128xi32, #tpu.memory_space<hbm>> -> memref<40x128xi32, #tpu.memory_space<hbm>>
        tpu.enqueue_dma source(%dma_start3A_299 : memref<40x128xi32, #tpu.memory_space<hbm>>) target(%dma_start3A_297 : memref<40x128xi32, #tpu.memory_space<vmem>>) target_semaphore(%run_scoped3A_289 : memref<!tpu.dma_semaphore, #tpu.memory_space<semaphore_mem>>)
        %dma_wait3A_300 = arith.constant 0 : i32
        %dma_wait3A_301 = arith.constant 0 : i32
        %dma_wait3A_302 = tpu.memref_slice %arg6[%dma_wait3A_300, %dma_wait3A_301] : memref<40x128xi32, #tpu.memory_space<vmem>> -> memref<40x128xi32, #tpu.memory_space<vmem>>
        %dma_wait3A_303 = arith.constant 0 : i32
        %dma_wait3A_304 = tpu.memref_slice %arg3[%add3A_168, %dma_wait3A_303] : memref<2560x128xi32, #tpu.memory_space<hbm>> -> memref<40x128xi32, #tpu.memory_space<hbm>>
        %dma_wait3A_305 = arith.constant 0 : i32
        %dma_wait3A_306 = arith.constant 0 : i32
        %dma_wait3A_307 = tpu.memref_slice %arg6[%dma_wait3A_305, %dma_wait3A_306] : memref<40x128xi32, #tpu.memory_space<vmem>> -> memref<40x128xi32, #tpu.memory_space<vmem>>
        %dma_wait3A_308 = arith.constant 0 : i32
        %dma_wait3A_309 = tpu.memref_slice %arg3[%add3A_168, %dma_wait3A_308] : memref<2560x128xi32, #tpu.memory_space<hbm>> -> memref<40x128xi32, #tpu.memory_space<hbm>>
        tpu.wait_dma2 semaphore(%run_scoped3A_289 : memref<!tpu.dma_semaphore, #tpu.memory_space<semaphore_mem>>) src(%dma_wait3A_309 : memref<40x128xi32, #tpu.memory_space<hbm>>) dst(%dma_wait3A_307 : memref<40x128xi32, #tpu.memory_space<vmem>>)
        tpu.yield
      }) : () -> ()
      "tpu.region"() ({
        %run_scoped3A_289 = tpu.sem_alloc : memref<!tpu.dma_semaphore, #tpu.memory_space<semaphore_mem>>
        %dma_start3A_290 = arith.constant 0 : i32
        %dma_start3A_291 = arith.constant 0 : i32
        %dma_start3A_292 = tpu.memref_slice %arg7[%dma_start3A_290, %dma_start3A_291] : memref<40x128xi32, #tpu.memory_space<vmem>> -> memref<40x128xi32, #tpu.memory_space<vmem>>
        %dma_start3A_293 = arith.constant 0 : i32
        %dma_start3A_294 = tpu.memref_slice %arg4[%add3A_168, %dma_start3A_293] : memref<2560x128xi32, #tpu.memory_space<hbm>> -> memref<40x128xi32, #tpu.memory_space<hbm>>
        %dma_start3A_295 = arith.constant 0 : i32
        %dma_start3A_296 = arith.constant 0 : i32
        %dma_start3A_297 = tpu.memref_slice %arg7[%dma_start3A_295, %dma_start3A_296] : memref<40x128xi32, #tpu.memory_space<vmem>> -> memref<40x128xi32, #tpu.memory_space<vmem>>
        %dma_start3A_298 = arith.constant 0 : i32
        %dma_start3A_299 = tpu.memref_slice %arg4[%add3A_168, %dma_start3A_298] : memref<2560x128xi32, #tpu.memory_space<hbm>> -> memref<40x128xi32, #tpu.memory_space<hbm>>
        tpu.enqueue_dma source(%dma_start3A_299 : memref<40x128xi32, #tpu.memory_space<hbm>>) target(%dma_start3A_297 : memref<40x128xi32, #tpu.memory_space<vmem>>) target_semaphore(%run_scoped3A_289 : memref<!tpu.dma_semaphore, #tpu.memory_space<semaphore_mem>>)
        %dma_wait3A_300 = arith.constant 0 : i32
        %dma_wait3A_301 = arith.constant 0 : i32
        %dma_wait3A_302 = tpu.memref_slice %arg7[%dma_wait3A_300, %dma_wait3A_301] : memref<40x128xi32, #tpu.memory_space<vmem>> -> memref<40x128xi32, #tpu.memory_space<vmem>>
        %dma_wait3A_303 = arith.constant 0 : i32
        %dma_wait3A_304 = tpu.memref_slice %arg4[%add3A_168, %dma_wait3A_303] : memref<2560x128xi32, #tpu.memory_space<hbm>> -> memref<40x128xi32, #tpu.memory_space<hbm>>
        %dma_wait3A_305 = arith.constant 0 : i32
        %dma_wait3A_306 = arith.constant 0 : i32
        %dma_wait3A_307 = tpu.memref_slice %arg7[%dma_wait3A_305, %dma_wait3A_306] : memref<40x128xi32, #tpu.memory_space<vmem>> -> memref<40x128xi32, #tpu.memory_space<vmem>>
        %dma_wait3A_308 = arith.constant 0 : i32
        %dma_wait3A_309 = tpu.memref_slice %arg4[%add3A_168, %dma_wait3A_308] : memref<2560x128xi32, #tpu.memory_space<hbm>> -> memref<40x128xi32, #tpu.memory_space<hbm>>
        tpu.wait_dma2 semaphore(%run_scoped3A_289 : memref<!tpu.dma_semaphore, #tpu.memory_space<semaphore_mem>>) src(%dma_wait3A_309 : memref<40x128xi32, #tpu.memory_space<hbm>>) dst(%dma_wait3A_307 : memref<40x128xi32, #tpu.memory_space<vmem>>)
        tpu.yield
      }) : () -> ()
      %dma_start3A_169 = arith.constant 0 : i32
      %dma_start3A_170 = arith.constant 0 : i32
      %dma_start3A_171 = arith.constant 0 : i32
      %dma_start3A_172 = tpu.memref_slice %arg8[%cond3A, %dma_start3A_170, %dma_start3A_171] : memref<2x128x128xf32, #tpu.memory_space<vmem>> -> memref<1x128x128xf32, #tpu.memory_space<vmem>>
      %dma_start3A_173 = tpu.memref_squeeze %dma_start3A_172 : memref<1x128x128xf32, #tpu.memory_space<vmem>> -> memref<128x128xf32, #tpu.memory_space<vmem>>
      %dma_start3A_174 = arith.constant 0 : i32
      %dma_start3A_175 = tpu.memref_slice %arg6[%dma_start3A_169, %dma_start3A_174] : memref<40x128xi32, #tpu.memory_space<vmem>> -> memref<1x128xi32, #tpu.memory_space<vmem>>
      %dma_start3A_176 = tpu.memref_squeeze %dma_start3A_175 : memref<1x128xi32, #tpu.memory_space<vmem>> -> memref<128xi32, #tpu.memory_space<vmem>>
      %dma_start3A_177 = arith.constant 0 : i32
      %dma_start3A_178 = arith.constant 0 : i32
      %dma_start3A_179 = tpu.memref_slice %arg2[%dma_start3A_177, %dma_start3A_178] : memref<10240x128xf32, #tpu.memory_space<hbm>> -> memref<10240x128xf32, #tpu.memory_space<hbm>>
      tpu.enqueue_indirect_dma source(%dma_start3A_179 : memref<10240x128xf32, #tpu.memory_space<hbm>>) target(%dma_start3A_173 : memref<128x128xf32, #tpu.memory_space<vmem>>) offsets(%dma_start3A_176 : memref<128xi32, #tpu.memory_space<vmem>>) semaphore(%arg10 : memref<!tpu.dma_semaphore, #tpu.memory_space<semaphore_mem>>)
      %dma_start3A_180 = arith.constant 1 : i32
      %dma_start3A_181 = arith.constant 0 : i32
      %dma_start3A_182 = arith.constant 0 : i32
      %dma_start3A_183 = tpu.memref_slice %arg8[%cond3A_30, %dma_start3A_181, %dma_start3A_182] : memref<2x128x128xf32, #tpu.memory_space<vmem>> -> memref<1x128x128xf32, #tpu.memory_space<vmem>>
      %dma_start3A_184 = tpu.memref_squeeze %dma_start3A_183 : memref<1x128x128xf32, #tpu.memory_space<vmem>> -> memref<128x128xf32, #tpu.memory_space<vmem>>
      %dma_start3A_185 = arith.constant 0 : i32
      %dma_start3A_186 = tpu.memref_slice %arg6[%dma_start3A_180, %dma_start3A_185] : memref<40x128xi32, #tpu.memory_space<vmem>> -> memref<1x128xi32, #tpu.memory_space<vmem>>
      %dma_start3A_187 = tpu.memref_squeeze %dma_start3A_186 : memref<1x128xi32, #tpu.memory_space<vmem>> -> memref<128xi32, #tpu.memory_space<vmem>>
      %dma_start3A_188 = arith.constant 0 : i32
      %dma_start3A_189 = arith.constant 0 : i32
      %dma_start3A_190 = tpu.memref_slice %arg2[%dma_start3A_188, %dma_start3A_189] : memref<10240x128xf32, #tpu.memory_space<hbm>> -> memref<10240x128xf32, #tpu.memory_space<hbm>>
      tpu.enqueue_indirect_dma source(%dma_start3A_190 : memref<10240x128xf32, #tpu.memory_space<hbm>>) target(%dma_start3A_184 : memref<128x128xf32, #tpu.memory_space<vmem>>) offsets(%dma_start3A_187 : memref<128xi32, #tpu.memory_space<vmem>>) semaphore(%arg11 : memref<!tpu.dma_semaphore, #tpu.memory_space<semaphore_mem>>)
      %scan3A_191 = arith.constant 0 : i32
      %scan3A_192 = arith.constant 0 : i32
      %scan3A_193 = arith.constant 19 : i32
      %scan3A_194 = arith.addi %scan3A_192, %scan3A_193 : i32
      %scan3A_195 = arith.constant 1 : i32
      %scan3A_196 = scf.for %scan3A_289 = %scan3A_192 to %scan3A_194 step %scan3A_195 iter_args(%scan3A_290 = %scan3A_191) -> (i32)  : i32 {
        %mul3A_291 = arith.constant 2 : i32
        %mul3A_292 = arith.muli %scan3A_289, %mul3A_291 : i32
        %add3A_293 = arith.constant 0 : i32
        %add3A_294 = arith.addi %mul3A_292, %add3A_293 : i32
        %dma_wait3A_295 = arith.constant 0 : i32
        %dma_wait3A_296 = arith.constant 0 : i32
        %dma_wait3A_297 = tpu.memref_slice %arg8[%cond3A, %dma_wait3A_295, %dma_wait3A_296] : memref<2x128x128xf32, #tpu.memory_space<vmem>> -> memref<1x128x128xf32, #tpu.memory_space<vmem>>
        %dma_wait3A_298 = tpu.memref_squeeze %dma_wait3A_297 : memref<1x128x128xf32, #tpu.memory_space<vmem>> -> memref<128x128xf32, #tpu.memory_space<vmem>>
        %dma_wait3A_299 = arith.constant 0 : i32
        %dma_wait3A_300 = arith.constant 0 : i32
        %dma_wait3A_301 = tpu.memref_slice %arg2[%dma_wait3A_299, %dma_wait3A_300] : memref<10240x128xf32, #tpu.memory_space<hbm>> -> memref<128x128xf32, #tpu.memory_space<hbm>>
        %dma_wait3A_302 = arith.constant 0 : i32
        %dma_wait3A_303 = arith.constant 0 : i32
        %dma_wait3A_304 = tpu.memref_slice %arg8[%cond3A, %dma_wait3A_302, %dma_wait3A_303] : memref<2x128x128xf32, #tpu.memory_space<vmem>> -> memref<1x128x128xf32, #tpu.memory_space<vmem>>
        %dma_wait3A_305 = tpu.memref_squeeze %dma_wait3A_304 : memref<1x128x128xf32, #tpu.memory_space<vmem>> -> memref<128x128xf32, #tpu.memory_space<vmem>>
        %dma_wait3A_306 = arith.constant 0 : i32
        %dma_wait3A_307 = arith.constant 0 : i32
        %dma_wait3A_308 = tpu.memref_slice %arg2[%dma_wait3A_306, %dma_wait3A_307] : memref<10240x128xf32, #tpu.memory_space<hbm>> -> memref<128x128xf32, #tpu.memory_space<hbm>>
        tpu.wait_dma2 semaphore(%arg10 : memref<!tpu.dma_semaphore, #tpu.memory_space<semaphore_mem>>) src(%dma_wait3A_308 : memref<128x128xf32, #tpu.memory_space<hbm>>) dst(%dma_wait3A_305 : memref<128x128xf32, #tpu.memory_space<vmem>>)
        "tpu.region"() ({
          %run_scoped3A_352 = tpu.sem_alloc : memref<!tpu.dma_semaphore, #tpu.memory_space<semaphore_mem>>
          %dma_start3A_353 = arith.constant 0 : i32
          %dma_start3A_354 = arith.constant 0 : i32
          %dma_start3A_355 = tpu.memref_slice %arg8[%cond3A, %dma_start3A_353, %dma_start3A_354] : memref<2x128x128xf32, #tpu.memory_space<vmem>> -> memref<1x128x128xf32, #tpu.memory_space<vmem>>
          %dma_start3A_356 = tpu.memref_squeeze %dma_start3A_355 : memref<1x128x128xf32, #tpu.memory_space<vmem>> -> memref<128x128xf32, #tpu.memory_space<vmem>>
          %dma_start3A_357 = arith.constant 0 : i32
          %dma_start3A_358 = tpu.memref_slice %arg7[%add3A_294, %dma_start3A_357] : memref<40x128xi32, #tpu.memory_space<vmem>> -> memref<1x128xi32, #tpu.memory_space<vmem>>
          %dma_start3A_359 = tpu.memref_squeeze %dma_start3A_358 : memref<1x128xi32, #tpu.memory_space<vmem>> -> memref<128xi32, #tpu.memory_space<vmem>>
          %dma_start3A_360 = arith.constant 0 : i32
          %dma_start3A_361 = arith.constant 0 : i32
          %dma_start3A_362 = tpu.memref_slice %arg9[%dma_start3A_360, %dma_start3A_361] : memref<10240x128xf32, #tpu.memory_space<vmem_shared>> -> memref<10240x128xf32, #tpu.memory_space<vmem_shared>>
          tpu.enqueue_indirect_dma source(%dma_start3A_356 : memref<128x128xf32, #tpu.memory_space<vmem>>) target(%dma_start3A_362 : memref<10240x128xf32, #tpu.memory_space<vmem_shared>>) offsets(%dma_start3A_359 : memref<128xi32, #tpu.memory_space<vmem>>) semaphore(%run_scoped3A_352 : memref<!tpu.dma_semaphore, #tpu.memory_space<semaphore_mem>>) {add = true}
          %dma_wait3A_363 = arith.constant 0 : i32
          %dma_wait3A_364 = arith.constant 0 : i32
          %dma_wait3A_365 = tpu.memref_slice %arg8[%cond3A, %dma_wait3A_363, %dma_wait3A_364] : memref<2x128x128xf32, #tpu.memory_space<vmem>> -> memref<1x128x128xf32, #tpu.memory_space<vmem>>
          %dma_wait3A_366 = tpu.memref_squeeze %dma_wait3A_365 : memref<1x128x128xf32, #tpu.memory_space<vmem>> -> memref<128x128xf32, #tpu.memory_space<vmem>>
          %dma_wait3A_367 = arith.constant 0 : i32
          %dma_wait3A_368 = tpu.memref_slice %arg7[%add3A_294, %dma_wait3A_367] : memref<40x128xi32, #tpu.memory_space<vmem>> -> memref<1x128xi32, #tpu.memory_space<vmem>>
          %dma_wait3A_369 = tpu.memref_squeeze %dma_wait3A_368 : memref<1x128xi32, #tpu.memory_space<vmem>> -> memref<128xi32, #tpu.memory_space<vmem>>
          %dma_wait3A_370 = arith.constant 0 : i32
          %dma_wait3A_371 = arith.constant 0 : i32
          %dma_wait3A_372 = tpu.memref_slice %arg9[%dma_wait3A_370, %dma_wait3A_371] : memref<10240x128xf32, #tpu.memory_space<vmem_shared>> -> memref<10240x128xf32, #tpu.memory_space<vmem_shared>>
          tpu.wait_indirect_dma semaphore(%run_scoped3A_352 : memref<!tpu.dma_semaphore, #tpu.memory_space<semaphore_mem>>) src(%dma_wait3A_366 : memref<128x128xf32, #tpu.memory_space<vmem>>) dst(%dma_wait3A_372 : memref<10240x128xf32, #tpu.memory_space<vmem_shared>>)
          tpu.yield
        }) : () -> ()
        %add3A_309 = arith.constant 2 : i32
        %add3A_310 = arith.addi %add3A_294, %add3A_309 : i32
        %dma_start3A_311 = arith.constant 0 : i32
        %dma_start3A_312 = arith.constant 0 : i32
        %dma_start3A_313 = tpu.memref_slice %arg8[%cond3A, %dma_start3A_311, %dma_start3A_312] : memref<2x128x128xf32, #tpu.memory_space<vmem>> -> memref<1x128x128xf32, #tpu.memory_space<vmem>>
        %dma_start3A_314 = tpu.memref_squeeze %dma_start3A_313 : memref<1x128x128xf32, #tpu.memory_space<vmem>> -> memref<128x128xf32, #tpu.memory_space<vmem>>
        %dma_start3A_315 = arith.constant 0 : i32
        %dma_start3A_316 = tpu.memref_slice %arg6[%add3A_310, %dma_start3A_315] : memref<40x128xi32, #tpu.memory_space<vmem>> -> memref<1x128xi32, #tpu.memory_space<vmem>>
        %dma_start3A_317 = tpu.memref_squeeze %dma_start3A_316 : memref<1x128xi32, #tpu.memory_space<vmem>> -> memref<128xi32, #tpu.memory_space<vmem>>
        %dma_start3A_318 = arith.constant 0 : i32
        %dma_start3A_319 = arith.constant 0 : i32
        %dma_start3A_320 = tpu.memref_slice %arg2[%dma_start3A_318, %dma_start3A_319] : memref<10240x128xf32, #tpu.memory_space<hbm>> -> memref<10240x128xf32, #tpu.memory_space<hbm>>
        tpu.enqueue_indirect_dma source(%dma_start3A_320 : memref<10240x128xf32, #tpu.memory_space<hbm>>) target(%dma_start3A_314 : memref<128x128xf32, #tpu.memory_space<vmem>>) offsets(%dma_start3A_317 : memref<128xi32, #tpu.memory_space<vmem>>) semaphore(%arg10 : memref<!tpu.dma_semaphore, #tpu.memory_space<semaphore_mem>>)
        %mul3A_321 = arith.constant 2 : i32
        %mul3A_322 = arith.muli %scan3A_289, %mul3A_321 : i32
        %add3A_323 = arith.constant 1 : i32
        %add3A_324 = arith.addi %mul3A_322, %add3A_323 : i32
        %dma_wait3A_325 = arith.constant 0 : i32
        %dma_wait3A_326 = arith.constant 0 : i32
        %dma_wait3A_327 = tpu.memref_slice %arg8[%cond3A_30, %dma_wait3A_325, %dma_wait3A_326] : memref<2x128x128xf32, #tpu.memory_space<vmem>> -> memref<1x128x128xf32, #tpu.memory_space<vmem>>
        %dma_wait3A_328 = tpu.memref_squeeze %dma_wait3A_327 : memref<1x128x128xf32, #tpu.memory_space<vmem>> -> memref<128x128xf32, #tpu.memory_space<vmem>>
        %dma_wait3A_329 = arith.constant 0 : i32
        %dma_wait3A_330 = arith.constant 0 : i32
        %dma_wait3A_331 = tpu.memref_slice %arg2[%dma_wait3A_329, %dma_wait3A_330] : memref<10240x128xf32, #tpu.memory_space<hbm>> -> memref<128x128xf32, #tpu.memory_space<hbm>>
        %dma_wait3A_332 = arith.constant 0 : i32
        %dma_wait3A_333 = arith.constant 0 : i32
        %dma_wait3A_334 = tpu.memref_slice %arg8[%cond3A_30, %dma_wait3A_332, %dma_wait3A_333] : memref<2x128x128xf32, #tpu.memory_space<vmem>> -> memref<1x128x128xf32, #tpu.memory_space<vmem>>
        %dma_wait3A_335 = tpu.memref_squeeze %dma_wait3A_334 : memref<1x128x128xf32, #tpu.memory_space<vmem>> -> memref<128x128xf32, #tpu.memory_space<vmem>>
        %dma_wait3A_336 = arith.constant 0 : i32
        %dma_wait3A_337 = arith.constant 0 : i32
        %dma_wait3A_338 = tpu.memref_slice %arg2[%dma_wait3A_336, %dma_wait3A_337] : memref<10240x128xf32, #tpu.memory_space<hbm>> -> memref<128x128xf32, #tpu.memory_space<hbm>>
        tpu.wait_dma2 semaphore(%arg11 : memref<!tpu.dma_semaphore, #tpu.memory_space<semaphore_mem>>) src(%dma_wait3A_338 : memref<128x128xf32, #tpu.memory_space<hbm>>) dst(%dma_wait3A_335 : memref<128x128xf32, #tpu.memory_space<vmem>>)
        "tpu.region"() ({
          %run_scoped3A_352 = tpu.sem_alloc : memref<!tpu.dma_semaphore, #tpu.memory_space<semaphore_mem>>
          %dma_start3A_353 = arith.constant 0 : i32
          %dma_start3A_354 = arith.constant 0 : i32
          %dma_start3A_355 = tpu.memref_slice %arg8[%cond3A_30, %dma_start3A_353, %dma_start3A_354] : memref<2x128x128xf32, #tpu.memory_space<vmem>> -> memref<1x128x128xf32, #tpu.memory_space<vmem>>
          %dma_start3A_356 = tpu.memref_squeeze %dma_start3A_355 : memref<1x128x128xf32, #tpu.memory_space<vmem>> -> memref<128x128xf32, #tpu.memory_space<vmem>>
          %dma_start3A_357 = arith.constant 0 : i32
          %dma_start3A_358 = tpu.memref_slice %arg7[%add3A_324, %dma_start3A_357] : memref<40x128xi32, #tpu.memory_space<vmem>> -> memref<1x128xi32, #tpu.memory_space<vmem>>
          %dma_start3A_359 = tpu.memref_squeeze %dma_start3A_358 : memref<1x128xi32, #tpu.memory_space<vmem>> -> memref<128xi32, #tpu.memory_space<vmem>>
          %dma_start3A_360 = arith.constant 0 : i32
          %dma_start3A_361 = arith.constant 0 : i32
          %dma_start3A_362 = tpu.memref_slice %arg9[%dma_start3A_360, %dma_start3A_361] : memref<10240x128xf32, #tpu.memory_space<vmem_shared>> -> memref<10240x128xf32, #tpu.memory_space<vmem_shared>>
          tpu.enqueue_indirect_dma source(%dma_start3A_356 : memref<128x128xf32, #tpu.memory_space<vmem>>) target(%dma_start3A_362 : memref<10240x128xf32, #tpu.memory_space<vmem_shared>>) offsets(%dma_start3A_359 : memref<128xi32, #tpu.memory_space<vmem>>) semaphore(%run_scoped3A_352 : memref<!tpu.dma_semaphore, #tpu.memory_space<semaphore_mem>>) {add = true}
          %dma_wait3A_363 = arith.constant 0 : i32
          %dma_wait3A_364 = arith.constant 0 : i32
          %dma_wait3A_365 = tpu.memref_slice %arg8[%cond3A_30, %dma_wait3A_363, %dma_wait3A_364] : memref<2x128x128xf32, #tpu.memory_space<vmem>> -> memref<1x128x128xf32, #tpu.memory_space<vmem>>
          %dma_wait3A_366 = tpu.memref_squeeze %dma_wait3A_365 : memref<1x128x128xf32, #tpu.memory_space<vmem>> -> memref<128x128xf32, #tpu.memory_space<vmem>>
          %dma_wait3A_367 = arith.constant 0 : i32
          %dma_wait3A_368 = tpu.memref_slice %arg7[%add3A_324, %dma_wait3A_367] : memref<40x128xi32, #tpu.memory_space<vmem>> -> memref<1x128xi32, #tpu.memory_space<vmem>>
          %dma_wait3A_369 = tpu.memref_squeeze %dma_wait3A_368 : memref<1x128xi32, #tpu.memory_space<vmem>> -> memref<128xi32, #tpu.memory_space<vmem>>
          %dma_wait3A_370 = arith.constant 0 : i32
          %dma_wait3A_371 = arith.constant 0 : i32
          %dma_wait3A_372 = tpu.memref_slice %arg9[%dma_wait3A_370, %dma_wait3A_371] : memref<10240x128xf32, #tpu.memory_space<vmem_shared>> -> memref<10240x128xf32, #tpu.memory_space<vmem_shared>>
          tpu.wait_indirect_dma semaphore(%run_scoped3A_352 : memref<!tpu.dma_semaphore, #tpu.memory_space<semaphore_mem>>) src(%dma_wait3A_366 : memref<128x128xf32, #tpu.memory_space<vmem>>) dst(%dma_wait3A_372 : memref<10240x128xf32, #tpu.memory_space<vmem_shared>>)
          tpu.yield
        }) : () -> ()
        %add3A_339 = arith.constant 2 : i32
        %add3A_340 = arith.addi %add3A_324, %add3A_339 : i32
        %dma_start3A_341 = arith.constant 0 : i32
        %dma_start3A_342 = arith.constant 0 : i32
        %dma_start3A_343 = tpu.memref_slice %arg8[%cond3A_30, %dma_start3A_341, %dma_start3A_342] : memref<2x128x128xf32, #tpu.memory_space<vmem>> -> memref<1x128x128xf32, #tpu.memory_space<vmem>>
        %dma_start3A_344 = tpu.memref_squeeze %dma_start3A_343 : memref<1x128x128xf32, #tpu.memory_space<vmem>> -> memref<128x128xf32, #tpu.memory_space<vmem>>
        %dma_start3A_345 = arith.constant 0 : i32
        %dma_start3A_346 = tpu.memref_slice %arg6[%add3A_340, %dma_start3A_345] : memref<40x128xi32, #tpu.memory_space<vmem>> -> memref<1x128xi32, #tpu.memory_space<vmem>>
        %dma_start3A_347 = tpu.memref_squeeze %dma_start3A_346 : memref<1x128xi32, #tpu.memory_space<vmem>> -> memref<128xi32, #tpu.memory_space<vmem>>
        %dma_start3A_348 = arith.constant 0 : i32
        %dma_start3A_349 = arith.constant 0 : i32
        %dma_start3A_350 = tpu.memref_slice %arg2[%dma_start3A_348, %dma_start3A_349] : memref<10240x128xf32, #tpu.memory_space<hbm>> -> memref<10240x128xf32, #tpu.memory_space<hbm>>
        tpu.enqueue_indirect_dma source(%dma_start3A_350 : memref<10240x128xf32, #tpu.memory_space<hbm>>) target(%dma_start3A_344 : memref<128x128xf32, #tpu.memory_space<vmem>>) offsets(%dma_start3A_347 : memref<128xi32, #tpu.memory_space<vmem>>) semaphore(%arg11 : memref<!tpu.dma_semaphore, #tpu.memory_space<semaphore_mem>>)
        %scan3A_351 = arith.constant 0 : i32
        scf.yield %scan3A_351 : i32
      }
      %scan3A_197 = arith.constant 19 : i32
      %dma_wait3A_198 = arith.constant 0 : i32
      %dma_wait3A_199 = arith.constant 0 : i32
      %dma_wait3A_200 = tpu.memref_slice %arg8[%cond3A, %dma_wait3A_198, %dma_wait3A_199] : memref<2x128x128xf32, #tpu.memory_space<vmem>> -> memref<1x128x128xf32, #tpu.memory_space<vmem>>
      %dma_wait3A_201 = tpu.memref_squeeze %dma_wait3A_200 : memref<1x128x128xf32, #tpu.memory_space<vmem>> -> memref<128x128xf32, #tpu.memory_space<vmem>>
      %dma_wait3A_202 = arith.constant 0 : i32
      %dma_wait3A_203 = arith.constant 0 : i32
      %dma_wait3A_204 = tpu.memref_slice %arg2[%dma_wait3A_202, %dma_wait3A_203] : memref<10240x128xf32, #tpu.memory_space<hbm>> -> memref<128x128xf32, #tpu.memory_space<hbm>>
      %dma_wait3A_205 = arith.constant 0 : i32
      %dma_wait3A_206 = arith.constant 0 : i32
      %dma_wait3A_207 = tpu.memref_slice %arg8[%cond3A, %dma_wait3A_205, %dma_wait3A_206] : memref<2x128x128xf32, #tpu.memory_space<vmem>> -> memref<1x128x128xf32, #tpu.memory_space<vmem>>
      %dma_wait3A_208 = tpu.memref_squeeze %dma_wait3A_207 : memref<1x128x128xf32, #tpu.memory_space<vmem>> -> memref<128x128xf32, #tpu.memory_space<vmem>>
      %dma_wait3A_209 = arith.constant 0 : i32
      %dma_wait3A_210 = arith.constant 0 : i32
      %dma_wait3A_211 = tpu.memref_slice %arg2[%dma_wait3A_209, %dma_wait3A_210] : memref<10240x128xf32, #tpu.memory_space<hbm>> -> memref<128x128xf32, #tpu.memory_space<hbm>>
      tpu.wait_dma2 semaphore(%arg10 : memref<!tpu.dma_semaphore, #tpu.memory_space<semaphore_mem>>) src(%dma_wait3A_211 : memref<128x128xf32, #tpu.memory_space<hbm>>) dst(%dma_wait3A_208 : memref<128x128xf32, #tpu.memory_space<vmem>>)
      %run_scoped3A_212 = arith.constant 38 : i32
      "tpu.region"() ({
        %run_scoped3A_289 = tpu.sem_alloc : memref<!tpu.dma_semaphore, #tpu.memory_space<semaphore_mem>>
        %dma_start3A_290 = arith.constant 0 : i32
        %dma_start3A_291 = arith.constant 0 : i32
        %dma_start3A_292 = tpu.memref_slice %arg8[%cond3A, %dma_start3A_290, %dma_start3A_291] : memref<2x128x128xf32, #tpu.memory_space<vmem>> -> memref<1x128x128xf32, #tpu.memory_space<vmem>>
        %dma_start3A_293 = tpu.memref_squeeze %dma_start3A_292 : memref<1x128x128xf32, #tpu.memory_space<vmem>> -> memref<128x128xf32, #tpu.memory_space<vmem>>
        %dma_start3A_294 = arith.constant 0 : i32
        %dma_start3A_295 = tpu.memref_slice %arg7[%run_scoped3A_212, %dma_start3A_294] : memref<40x128xi32, #tpu.memory_space<vmem>> -> memref<1x128xi32, #tpu.memory_space<vmem>>
        %dma_start3A_296 = tpu.memref_squeeze %dma_start3A_295 : memref<1x128xi32, #tpu.memory_space<vmem>> -> memref<128xi32, #tpu.memory_space<vmem>>
        %dma_start3A_297 = arith.constant 0 : i32
        %dma_start3A_298 = arith.constant 0 : i32
        %dma_start3A_299 = tpu.memref_slice %arg9[%dma_start3A_297, %dma_start3A_298] : memref<10240x128xf32, #tpu.memory_space<vmem_shared>> -> memref<10240x128xf32, #tpu.memory_space<vmem_shared>>
        tpu.enqueue_indirect_dma source(%dma_start3A_293 : memref<128x128xf32, #tpu.memory_space<vmem>>) target(%dma_start3A_299 : memref<10240x128xf32, #tpu.memory_space<vmem_shared>>) offsets(%dma_start3A_296 : memref<128xi32, #tpu.memory_space<vmem>>) semaphore(%run_scoped3A_289 : memref<!tpu.dma_semaphore, #tpu.memory_space<semaphore_mem>>) {add = true}
        %dma_wait3A_300 = arith.constant 0 : i32
        %dma_wait3A_301 = arith.constant 0 : i32
        %dma_wait3A_302 = tpu.memref_slice %arg8[%cond3A, %dma_wait3A_300, %dma_wait3A_301] : memref<2x128x128xf32, #tpu.memory_space<vmem>> -> memref<1x128x128xf32, #tpu.memory_space<vmem>>
        %dma_wait3A_303 = tpu.memref_squeeze %dma_wait3A_302 : memref<1x128x128xf32, #tpu.memory_space<vmem>> -> memref<128x128xf32, #tpu.memory_space<vmem>>
        %dma_wait3A_304 = arith.constant 0 : i32
        %dma_wait3A_305 = tpu.memref_slice %arg7[%run_scoped3A_212, %dma_wait3A_304] : memref<40x128xi32, #tpu.memory_space<vmem>> -> memref<1x128xi32, #tpu.memory_space<vmem>>
        %dma_wait3A_306 = tpu.memref_squeeze %dma_wait3A_305 : memref<1x128xi32, #tpu.memory_space<vmem>> -> memref<128xi32, #tpu.memory_space<vmem>>
        %dma_wait3A_307 = arith.constant 0 : i32
        %dma_wait3A_308 = arith.constant 0 : i32
        %dma_wait3A_309 = tpu.memref_slice %arg9[%dma_wait3A_307, %dma_wait3A_308] : memref<10240x128xf32, #tpu.memory_space<vmem_shared>> -> memref<10240x128xf32, #tpu.memory_space<vmem_shared>>
        tpu.wait_indirect_dma semaphore(%run_scoped3A_289 : memref<!tpu.dma_semaphore, #tpu.memory_space<semaphore_mem>>) src(%dma_wait3A_303 : memref<128x128xf32, #tpu.memory_space<vmem>>) dst(%dma_wait3A_309 : memref<10240x128xf32, #tpu.memory_space<vmem_shared>>)
        tpu.yield
      }) : () -> ()
      %dma_wait3A_213 = arith.constant 0 : i32
      %dma_wait3A_214 = arith.constant 0 : i32
      %dma_wait3A_215 = tpu.memref_slice %arg8[%cond3A_30, %dma_wait3A_213, %dma_wait3A_214] : memref<2x128x128xf32, #tpu.memory_space<vmem>> -> memref<1x128x128xf32, #tpu.memory_space<vmem>>
      %dma_wait3A_216 = tpu.memref_squeeze %dma_wait3A_215 : memref<1x128x128xf32, #tpu.memory_space<vmem>> -> memref<128x128xf32, #tpu.memory_space<vmem>>
      %dma_wait3A_217 = arith.constant 0 : i32
      %dma_wait3A_218 = arith.constant 0 : i32
      %dma_wait3A_219 = tpu.memref_slice %arg2[%dma_wait3A_217, %dma_wait3A_218] : memref<10240x128xf32, #tpu.memory_space<hbm>> -> memref<128x128xf32, #tpu.memory_space<hbm>>
      %dma_wait3A_220 = arith.constant 0 : i32
      %dma_wait3A_221 = arith.constant 0 : i32
      %dma_wait3A_222 = tpu.memref_slice %arg8[%cond3A_30, %dma_wait3A_220, %dma_wait3A_221] : memref<2x128x128xf32, #tpu.memory_space<vmem>> -> memref<1x128x128xf32, #tpu.memory_space<vmem>>
      %dma_wait3A_223 = tpu.memref_squeeze %dma_wait3A_222 : memref<1x128x128xf32, #tpu.memory_space<vmem>> -> memref<128x128xf32, #tpu.memory_space<vmem>>
      %dma_wait3A_224 = arith.constant 0 : i32
      %dma_wait3A_225 = arith.constant 0 : i32
      %dma_wait3A_226 = tpu.memref_slice %arg2[%dma_wait3A_224, %dma_wait3A_225] : memref<10240x128xf32, #tpu.memory_space<hbm>> -> memref<128x128xf32, #tpu.memory_space<hbm>>
      tpu.wait_dma2 semaphore(%arg11 : memref<!tpu.dma_semaphore, #tpu.memory_space<semaphore_mem>>) src(%dma_wait3A_226 : memref<128x128xf32, #tpu.memory_space<hbm>>) dst(%dma_wait3A_223 : memref<128x128xf32, #tpu.memory_space<vmem>>)
      %run_scoped3A_227 = arith.constant 39 : i32
      "tpu.region"() ({
        %run_scoped3A_289 = tpu.sem_alloc : memref<!tpu.dma_semaphore, #tpu.memory_space<semaphore_mem>>
        %dma_start3A_290 = arith.constant 0 : i32
        %dma_start3A_291 = arith.constant 0 : i32
        %dma_start3A_292 = tpu.memref_slice %arg8[%cond3A_30, %dma_start3A_290, %dma_start3A_291] : memref<2x128x128xf32, #tpu.memory_space<vmem>> -> memref<1x128x128xf32, #tpu.memory_space<vmem>>
        %dma_start3A_293 = tpu.memref_squeeze %dma_start3A_292 : memref<1x128x128xf32, #tpu.memory_space<vmem>> -> memref<128x128xf32, #tpu.memory_space<vmem>>
        %dma_start3A_294 = arith.constant 0 : i32
        %dma_start3A_295 = tpu.memref_slice %arg7[%run_scoped3A_227, %dma_start3A_294] : memref<40x128xi32, #tpu.memory_space<vmem>> -> memref<1x128xi32, #tpu.memory_space<vmem>>
        %dma_start3A_296 = tpu.memref_squeeze %dma_start3A_295 : memref<1x128xi32, #tpu.memory_space<vmem>> -> memref<128xi32, #tpu.memory_space<vmem>>
        %dma_start3A_297 = arith.constant 0 : i32
        %dma_start3A_298 = arith.constant 0 : i32
        %dma_start3A_299 = tpu.memref_slice %arg9[%dma_start3A_297, %dma_start3A_298] : memref<10240x128xf32, #tpu.memory_space<vmem_shared>> -> memref<10240x128xf32, #tpu.memory_space<vmem_shared>>
        tpu.enqueue_indirect_dma source(%dma_start3A_293 : memref<128x128xf32, #tpu.memory_space<vmem>>) target(%dma_start3A_299 : memref<10240x128xf32, #tpu.memory_space<vmem_shared>>) offsets(%dma_start3A_296 : memref<128xi32, #tpu.memory_space<vmem>>) semaphore(%run_scoped3A_289 : memref<!tpu.dma_semaphore, #tpu.memory_space<semaphore_mem>>) {add = true}
        %dma_wait3A_300 = arith.constant 0 : i32
        %dma_wait3A_301 = arith.constant 0 : i32
        %dma_wait3A_302 = tpu.memref_slice %arg8[%cond3A_30, %dma_wait3A_300, %dma_wait3A_301] : memref<2x128x128xf32, #tpu.memory_space<vmem>> -> memref<1x128x128xf32, #tpu.memory_space<vmem>>
        %dma_wait3A_303 = tpu.memref_squeeze %dma_wait3A_302 : memref<1x128x128xf32, #tpu.memory_space<vmem>> -> memref<128x128xf32, #tpu.memory_space<vmem>>
        %dma_wait3A_304 = arith.constant 0 : i32
        %dma_wait3A_305 = tpu.memref_slice %arg7[%run_scoped3A_227, %dma_wait3A_304] : memref<40x128xi32, #tpu.memory_space<vmem>> -> memref<1x128xi32, #tpu.memory_space<vmem>>
        %dma_wait3A_306 = tpu.memref_squeeze %dma_wait3A_305 : memref<1x128xi32, #tpu.memory_space<vmem>> -> memref<128xi32, #tpu.memory_space<vmem>>
        %dma_wait3A_307 = arith.constant 0 : i32
        %dma_wait3A_308 = arith.constant 0 : i32
        %dma_wait3A_309 = tpu.memref_slice %arg9[%dma_wait3A_307, %dma_wait3A_308] : memref<10240x128xf32, #tpu.memory_space<vmem_shared>> -> memref<10240x128xf32, #tpu.memory_space<vmem_shared>>
        tpu.wait_indirect_dma semaphore(%run_scoped3A_289 : memref<!tpu.dma_semaphore, #tpu.memory_space<semaphore_mem>>) src(%dma_wait3A_303 : memref<128x128xf32, #tpu.memory_space<vmem>>) dst(%dma_wait3A_309 : memref<10240x128xf32, #tpu.memory_space<vmem_shared>>)
        tpu.yield
      }) : () -> ()
      %add3A_228 = arith.constant 120 : i32
      %add3A_229 = arith.addi %mul3A_46, %add3A_228 : i32
      "tpu.region"() ({
        %run_scoped3A_289 = tpu.sem_alloc : memref<!tpu.dma_semaphore, #tpu.memory_space<semaphore_mem>>
        %dma_start3A_290 = arith.constant 0 : i32
        %dma_start3A_291 = arith.constant 0 : i32
        %dma_start3A_292 = tpu.memref_slice %arg6[%dma_start3A_290, %dma_start3A_291] : memref<40x128xi32, #tpu.memory_space<vmem>> -> memref<24x128xi32, #tpu.memory_space<vmem>>
        %dma_start3A_293 = arith.constant 0 : i32
        %dma_start3A_294 = tpu.memref_slice %arg3[%add3A_229, %dma_start3A_293] : memref<2560x128xi32, #tpu.memory_space<hbm>> -> memref<24x128xi32, #tpu.memory_space<hbm>>
        %dma_start3A_295 = arith.constant 0 : i32
        %dma_start3A_296 = arith.constant 0 : i32
        %dma_start3A_297 = tpu.memref_slice %arg6[%dma_start3A_295, %dma_start3A_296] : memref<40x128xi32, #tpu.memory_space<vmem>> -> memref<24x128xi32, #tpu.memory_space<vmem>>
        %dma_start3A_298 = arith.constant 0 : i32
        %dma_start3A_299 = tpu.memref_slice %arg3[%add3A_229, %dma_start3A_298] : memref<2560x128xi32, #tpu.memory_space<hbm>> -> memref<24x128xi32, #tpu.memory_space<hbm>>
        tpu.enqueue_dma source(%dma_start3A_299 : memref<24x128xi32, #tpu.memory_space<hbm>>) target(%dma_start3A_297 : memref<24x128xi32, #tpu.memory_space<vmem>>) target_semaphore(%run_scoped3A_289 : memref<!tpu.dma_semaphore, #tpu.memory_space<semaphore_mem>>)
        %dma_wait3A_300 = arith.constant 0 : i32
        %dma_wait3A_301 = arith.constant 0 : i32
        %dma_wait3A_302 = tpu.memref_slice %arg6[%dma_wait3A_300, %dma_wait3A_301] : memref<40x128xi32, #tpu.memory_space<vmem>> -> memref<24x128xi32, #tpu.memory_space<vmem>>
        %dma_wait3A_303 = arith.constant 0 : i32
        %dma_wait3A_304 = tpu.memref_slice %arg3[%add3A_229, %dma_wait3A_303] : memref<2560x128xi32, #tpu.memory_space<hbm>> -> memref<24x128xi32, #tpu.memory_space<hbm>>
        %dma_wait3A_305 = arith.constant 0 : i32
        %dma_wait3A_306 = arith.constant 0 : i32
        %dma_wait3A_307 = tpu.memref_slice %arg6[%dma_wait3A_305, %dma_wait3A_306] : memref<40x128xi32, #tpu.memory_space<vmem>> -> memref<24x128xi32, #tpu.memory_space<vmem>>
        %dma_wait3A_308 = arith.constant 0 : i32
        %dma_wait3A_309 = tpu.memref_slice %arg3[%add3A_229, %dma_wait3A_308] : memref<2560x128xi32, #tpu.memory_space<hbm>> -> memref<24x128xi32, #tpu.memory_space<hbm>>
        tpu.wait_dma2 semaphore(%run_scoped3A_289 : memref<!tpu.dma_semaphore, #tpu.memory_space<semaphore_mem>>) src(%dma_wait3A_309 : memref<24x128xi32, #tpu.memory_space<hbm>>) dst(%dma_wait3A_307 : memref<24x128xi32, #tpu.memory_space<vmem>>)
        tpu.yield
      }) : () -> ()
      "tpu.region"() ({
        %run_scoped3A_289 = tpu.sem_alloc : memref<!tpu.dma_semaphore, #tpu.memory_space<semaphore_mem>>
        %dma_start3A_290 = arith.constant 0 : i32
        %dma_start3A_291 = arith.constant 0 : i32
        %dma_start3A_292 = tpu.memref_slice %arg7[%dma_start3A_290, %dma_start3A_291] : memref<40x128xi32, #tpu.memory_space<vmem>> -> memref<24x128xi32, #tpu.memory_space<vmem>>
        %dma_start3A_293 = arith.constant 0 : i32
        %dma_start3A_294 = tpu.memref_slice %arg4[%add3A_229, %dma_start3A_293] : memref<2560x128xi32, #tpu.memory_space<hbm>> -> memref<24x128xi32, #tpu.memory_space<hbm>>
        %dma_start3A_295 = arith.constant 0 : i32
        %dma_start3A_296 = arith.constant 0 : i32
        %dma_start3A_297 = tpu.memref_slice %arg7[%dma_start3A_295, %dma_start3A_296] : memref<40x128xi32, #tpu.memory_space<vmem>> -> memref<24x128xi32, #tpu.memory_space<vmem>>
        %dma_start3A_298 = arith.constant 0 : i32
        %dma_start3A_299 = tpu.memref_slice %arg4[%add3A_229, %dma_start3A_298] : memref<2560x128xi32, #tpu.memory_space<hbm>> -> memref<24x128xi32, #tpu.memory_space<hbm>>
        tpu.enqueue_dma source(%dma_start3A_299 : memref<24x128xi32, #tpu.memory_space<hbm>>) target(%dma_start3A_297 : memref<24x128xi32, #tpu.memory_space<vmem>>) target_semaphore(%run_scoped3A_289 : memref<!tpu.dma_semaphore, #tpu.memory_space<semaphore_mem>>)
        %dma_wait3A_300 = arith.constant 0 : i32
        %dma_wait3A_301 = arith.constant 0 : i32
        %dma_wait3A_302 = tpu.memref_slice %arg7[%dma_wait3A_300, %dma_wait3A_301] : memref<40x128xi32, #tpu.memory_space<vmem>> -> memref<24x128xi32, #tpu.memory_space<vmem>>
        %dma_wait3A_303 = arith.constant 0 : i32
        %dma_wait3A_304 = tpu.memref_slice %arg4[%add3A_229, %dma_wait3A_303] : memref<2560x128xi32, #tpu.memory_space<hbm>> -> memref<24x128xi32, #tpu.memory_space<hbm>>
        %dma_wait3A_305 = arith.constant 0 : i32
        %dma_wait3A_306 = arith.constant 0 : i32
        %dma_wait3A_307 = tpu.memref_slice %arg7[%dma_wait3A_305, %dma_wait3A_306] : memref<40x128xi32, #tpu.memory_space<vmem>> -> memref<24x128xi32, #tpu.memory_space<vmem>>
        %dma_wait3A_308 = arith.constant 0 : i32
        %dma_wait3A_309 = tpu.memref_slice %arg4[%add3A_229, %dma_wait3A_308] : memref<2560x128xi32, #tpu.memory_space<hbm>> -> memref<24x128xi32, #tpu.memory_space<hbm>>
        tpu.wait_dma2 semaphore(%run_scoped3A_289 : memref<!tpu.dma_semaphore, #tpu.memory_space<semaphore_mem>>) src(%dma_wait3A_309 : memref<24x128xi32, #tpu.memory_space<hbm>>) dst(%dma_wait3A_307 : memref<24x128xi32, #tpu.memory_space<vmem>>)
        tpu.yield
      }) : () -> ()
      %dma_start3A_230 = arith.constant 0 : i32
      %dma_start3A_231 = arith.constant 0 : i32
      %dma_start3A_232 = arith.constant 0 : i32
      %dma_start3A_233 = tpu.memref_slice %arg8[%cond3A, %dma_start3A_231, %dma_start3A_232] : memref<2x128x128xf32, #tpu.memory_space<vmem>> -> memref<1x128x128xf32, #tpu.memory_space<vmem>>
      %dma_start3A_234 = tpu.memref_squeeze %dma_start3A_233 : memref<1x128x128xf32, #tpu.memory_space<vmem>> -> memref<128x128xf32, #tpu.memory_space<vmem>>
      %dma_start3A_235 = arith.constant 0 : i32
      %dma_start3A_236 = tpu.memref_slice %arg6[%dma_start3A_230, %dma_start3A_235] : memref<40x128xi32, #tpu.memory_space<vmem>> -> memref<1x128xi32, #tpu.memory_space<vmem>>
      %dma_start3A_237 = tpu.memref_squeeze %dma_start3A_236 : memref<1x128xi32, #tpu.memory_space<vmem>> -> memref<128xi32, #tpu.memory_space<vmem>>
      %dma_start3A_238 = arith.constant 0 : i32
      %dma_start3A_239 = arith.constant 0 : i32
      %dma_start3A_240 = tpu.memref_slice %arg2[%dma_start3A_238, %dma_start3A_239] : memref<10240x128xf32, #tpu.memory_space<hbm>> -> memref<10240x128xf32, #tpu.memory_space<hbm>>
      tpu.enqueue_indirect_dma source(%dma_start3A_240 : memref<10240x128xf32, #tpu.memory_space<hbm>>) target(%dma_start3A_234 : memref<128x128xf32, #tpu.memory_space<vmem>>) offsets(%dma_start3A_237 : memref<128xi32, #tpu.memory_space<vmem>>) semaphore(%arg10 : memref<!tpu.dma_semaphore, #tpu.memory_space<semaphore_mem>>)
      %dma_start3A_241 = arith.constant 1 : i32
      %dma_start3A_242 = arith.constant 0 : i32
      %dma_start3A_243 = arith.constant 0 : i32
      %dma_start3A_244 = tpu.memref_slice %arg8[%cond3A_30, %dma_start3A_242, %dma_start3A_243] : memref<2x128x128xf32, #tpu.memory_space<vmem>> -> memref<1x128x128xf32, #tpu.memory_space<vmem>>
      %dma_start3A_245 = tpu.memref_squeeze %dma_start3A_244 : memref<1x128x128xf32, #tpu.memory_space<vmem>> -> memref<128x128xf32, #tpu.memory_space<vmem>>
      %dma_start3A_246 = arith.constant 0 : i32
      %dma_start3A_247 = tpu.memref_slice %arg6[%dma_start3A_241, %dma_start3A_246] : memref<40x128xi32, #tpu.memory_space<vmem>> -> memref<1x128xi32, #tpu.memory_space<vmem>>
      %dma_start3A_248 = tpu.memref_squeeze %dma_start3A_247 : memref<1x128xi32, #tpu.memory_space<vmem>> -> memref<128xi32, #tpu.memory_space<vmem>>
      %dma_start3A_249 = arith.constant 0 : i32
      %dma_start3A_250 = arith.constant 0 : i32
      %dma_start3A_251 = tpu.memref_slice %arg2[%dma_start3A_249, %dma_start3A_250] : memref<10240x128xf32, #tpu.memory_space<hbm>> -> memref<10240x128xf32, #tpu.memory_space<hbm>>
      tpu.enqueue_indirect_dma source(%dma_start3A_251 : memref<10240x128xf32, #tpu.memory_space<hbm>>) target(%dma_start3A_245 : memref<128x128xf32, #tpu.memory_space<vmem>>) offsets(%dma_start3A_248 : memref<128xi32, #tpu.memory_space<vmem>>) semaphore(%arg11 : memref<!tpu.dma_semaphore, #tpu.memory_space<semaphore_mem>>)
      %scan3A_252 = arith.constant 0 : i32
      %scan3A_253 = arith.constant 0 : i32
      %scan3A_254 = arith.constant 11 : i32
      %scan3A_255 = arith.addi %scan3A_253, %scan3A_254 : i32
      %scan3A_256 = arith.constant 1 : i32
      %scan3A_257 = scf.for %scan3A_289 = %scan3A_253 to %scan3A_255 step %scan3A_256 iter_args(%scan3A_290 = %scan3A_252) -> (i32)  : i32 {
        %mul3A_291 = arith.constant 2 : i32
        %mul3A_292 = arith.muli %scan3A_289, %mul3A_291 : i32
        %add3A_293 = arith.constant 0 : i32
        %add3A_294 = arith.addi %mul3A_292, %add3A_293 : i32
        %dma_wait3A_295 = arith.constant 0 : i32
        %dma_wait3A_296 = arith.constant 0 : i32
        %dma_wait3A_297 = tpu.memref_slice %arg8[%cond3A, %dma_wait3A_295, %dma_wait3A_296] : memref<2x128x128xf32, #tpu.memory_space<vmem>> -> memref<1x128x128xf32, #tpu.memory_space<vmem>>
        %dma_wait3A_298 = tpu.memref_squeeze %dma_wait3A_297 : memref<1x128x128xf32, #tpu.memory_space<vmem>> -> memref<128x128xf32, #tpu.memory_space<vmem>>
        %dma_wait3A_299 = arith.constant 0 : i32
        %dma_wait3A_300 = arith.constant 0 : i32
        %dma_wait3A_301 = tpu.memref_slice %arg2[%dma_wait3A_299, %dma_wait3A_300] : memref<10240x128xf32, #tpu.memory_space<hbm>> -> memref<128x128xf32, #tpu.memory_space<hbm>>
        %dma_wait3A_302 = arith.constant 0 : i32
        %dma_wait3A_303 = arith.constant 0 : i32
        %dma_wait3A_304 = tpu.memref_slice %arg8[%cond3A, %dma_wait3A_302, %dma_wait3A_303] : memref<2x128x128xf32, #tpu.memory_space<vmem>> -> memref<1x128x128xf32, #tpu.memory_space<vmem>>
        %dma_wait3A_305 = tpu.memref_squeeze %dma_wait3A_304 : memref<1x128x128xf32, #tpu.memory_space<vmem>> -> memref<128x128xf32, #tpu.memory_space<vmem>>
        %dma_wait3A_306 = arith.constant 0 : i32
        %dma_wait3A_307 = arith.constant 0 : i32
        %dma_wait3A_308 = tpu.memref_slice %arg2[%dma_wait3A_306, %dma_wait3A_307] : memref<10240x128xf32, #tpu.memory_space<hbm>> -> memref<128x128xf32, #tpu.memory_space<hbm>>
        tpu.wait_dma2 semaphore(%arg10 : memref<!tpu.dma_semaphore, #tpu.memory_space<semaphore_mem>>) src(%dma_wait3A_308 : memref<128x128xf32, #tpu.memory_space<hbm>>) dst(%dma_wait3A_305 : memref<128x128xf32, #tpu.memory_space<vmem>>)
        "tpu.region"() ({
          %run_scoped3A_352 = tpu.sem_alloc : memref<!tpu.dma_semaphore, #tpu.memory_space<semaphore_mem>>
          %dma_start3A_353 = arith.constant 0 : i32
          %dma_start3A_354 = arith.constant 0 : i32
          %dma_start3A_355 = tpu.memref_slice %arg8[%cond3A, %dma_start3A_353, %dma_start3A_354] : memref<2x128x128xf32, #tpu.memory_space<vmem>> -> memref<1x128x128xf32, #tpu.memory_space<vmem>>
          %dma_start3A_356 = tpu.memref_squeeze %dma_start3A_355 : memref<1x128x128xf32, #tpu.memory_space<vmem>> -> memref<128x128xf32, #tpu.memory_space<vmem>>
          %dma_start3A_357 = arith.constant 0 : i32
          %dma_start3A_358 = tpu.memref_slice %arg7[%add3A_294, %dma_start3A_357] : memref<40x128xi32, #tpu.memory_space<vmem>> -> memref<1x128xi32, #tpu.memory_space<vmem>>
          %dma_start3A_359 = tpu.memref_squeeze %dma_start3A_358 : memref<1x128xi32, #tpu.memory_space<vmem>> -> memref<128xi32, #tpu.memory_space<vmem>>
          %dma_start3A_360 = arith.constant 0 : i32
          %dma_start3A_361 = arith.constant 0 : i32
          %dma_start3A_362 = tpu.memref_slice %arg9[%dma_start3A_360, %dma_start3A_361] : memref<10240x128xf32, #tpu.memory_space<vmem_shared>> -> memref<10240x128xf32, #tpu.memory_space<vmem_shared>>
          tpu.enqueue_indirect_dma source(%dma_start3A_356 : memref<128x128xf32, #tpu.memory_space<vmem>>) target(%dma_start3A_362 : memref<10240x128xf32, #tpu.memory_space<vmem_shared>>) offsets(%dma_start3A_359 : memref<128xi32, #tpu.memory_space<vmem>>) semaphore(%run_scoped3A_352 : memref<!tpu.dma_semaphore, #tpu.memory_space<semaphore_mem>>) {add = true}
          %dma_wait3A_363 = arith.constant 0 : i32
          %dma_wait3A_364 = arith.constant 0 : i32
          %dma_wait3A_365 = tpu.memref_slice %arg8[%cond3A, %dma_wait3A_363, %dma_wait3A_364] : memref<2x128x128xf32, #tpu.memory_space<vmem>> -> memref<1x128x128xf32, #tpu.memory_space<vmem>>
          %dma_wait3A_366 = tpu.memref_squeeze %dma_wait3A_365 : memref<1x128x128xf32, #tpu.memory_space<vmem>> -> memref<128x128xf32, #tpu.memory_space<vmem>>
          %dma_wait3A_367 = arith.constant 0 : i32
          %dma_wait3A_368 = tpu.memref_slice %arg7[%add3A_294, %dma_wait3A_367] : memref<40x128xi32, #tpu.memory_space<vmem>> -> memref<1x128xi32, #tpu.memory_space<vmem>>
          %dma_wait3A_369 = tpu.memref_squeeze %dma_wait3A_368 : memref<1x128xi32, #tpu.memory_space<vmem>> -> memref<128xi32, #tpu.memory_space<vmem>>
          %dma_wait3A_370 = arith.constant 0 : i32
          %dma_wait3A_371 = arith.constant 0 : i32
          %dma_wait3A_372 = tpu.memref_slice %arg9[%dma_wait3A_370, %dma_wait3A_371] : memref<10240x128xf32, #tpu.memory_space<vmem_shared>> -> memref<10240x128xf32, #tpu.memory_space<vmem_shared>>
          tpu.wait_indirect_dma semaphore(%run_scoped3A_352 : memref<!tpu.dma_semaphore, #tpu.memory_space<semaphore_mem>>) src(%dma_wait3A_366 : memref<128x128xf32, #tpu.memory_space<vmem>>) dst(%dma_wait3A_372 : memref<10240x128xf32, #tpu.memory_space<vmem_shared>>)
          tpu.yield
        }) : () -> ()
        %add3A_309 = arith.constant 2 : i32
        %add3A_310 = arith.addi %add3A_294, %add3A_309 : i32
        %dma_start3A_311 = arith.constant 0 : i32
        %dma_start3A_312 = arith.constant 0 : i32
        %dma_start3A_313 = tpu.memref_slice %arg8[%cond3A, %dma_start3A_311, %dma_start3A_312] : memref<2x128x128xf32, #tpu.memory_space<vmem>> -> memref<1x128x128xf32, #tpu.memory_space<vmem>>
        %dma_start3A_314 = tpu.memref_squeeze %dma_start3A_313 : memref<1x128x128xf32, #tpu.memory_space<vmem>> -> memref<128x128xf32, #tpu.memory_space<vmem>>
        %dma_start3A_315 = arith.constant 0 : i32
        %dma_start3A_316 = tpu.memref_slice %arg6[%add3A_310, %dma_start3A_315] : memref<40x128xi32, #tpu.memory_space<vmem>> -> memref<1x128xi32, #tpu.memory_space<vmem>>
        %dma_start3A_317 = tpu.memref_squeeze %dma_start3A_316 : memref<1x128xi32, #tpu.memory_space<vmem>> -> memref<128xi32, #tpu.memory_space<vmem>>
        %dma_start3A_318 = arith.constant 0 : i32
        %dma_start3A_319 = arith.constant 0 : i32
        %dma_start3A_320 = tpu.memref_slice %arg2[%dma_start3A_318, %dma_start3A_319] : memref<10240x128xf32, #tpu.memory_space<hbm>> -> memref<10240x128xf32, #tpu.memory_space<hbm>>
        tpu.enqueue_indirect_dma source(%dma_start3A_320 : memref<10240x128xf32, #tpu.memory_space<hbm>>) target(%dma_start3A_314 : memref<128x128xf32, #tpu.memory_space<vmem>>) offsets(%dma_start3A_317 : memref<128xi32, #tpu.memory_space<vmem>>) semaphore(%arg10 : memref<!tpu.dma_semaphore, #tpu.memory_space<semaphore_mem>>)
        %mul3A_321 = arith.constant 2 : i32
        %mul3A_322 = arith.muli %scan3A_289, %mul3A_321 : i32
        %add3A_323 = arith.constant 1 : i32
        %add3A_324 = arith.addi %mul3A_322, %add3A_323 : i32
        %dma_wait3A_325 = arith.constant 0 : i32
        %dma_wait3A_326 = arith.constant 0 : i32
        %dma_wait3A_327 = tpu.memref_slice %arg8[%cond3A_30, %dma_wait3A_325, %dma_wait3A_326] : memref<2x128x128xf32, #tpu.memory_space<vmem>> -> memref<1x128x128xf32, #tpu.memory_space<vmem>>
        %dma_wait3A_328 = tpu.memref_squeeze %dma_wait3A_327 : memref<1x128x128xf32, #tpu.memory_space<vmem>> -> memref<128x128xf32, #tpu.memory_space<vmem>>
        %dma_wait3A_329 = arith.constant 0 : i32
        %dma_wait3A_330 = arith.constant 0 : i32
        %dma_wait3A_331 = tpu.memref_slice %arg2[%dma_wait3A_329, %dma_wait3A_330] : memref<10240x128xf32, #tpu.memory_space<hbm>> -> memref<128x128xf32, #tpu.memory_space<hbm>>
        %dma_wait3A_332 = arith.constant 0 : i32
        %dma_wait3A_333 = arith.constant 0 : i32
        %dma_wait3A_334 = tpu.memref_slice %arg8[%cond3A_30, %dma_wait3A_332, %dma_wait3A_333] : memref<2x128x128xf32, #tpu.memory_space<vmem>> -> memref<1x128x128xf32, #tpu.memory_space<vmem>>
        %dma_wait3A_335 = tpu.memref_squeeze %dma_wait3A_334 : memref<1x128x128xf32, #tpu.memory_space<vmem>> -> memref<128x128xf32, #tpu.memory_space<vmem>>
        %dma_wait3A_336 = arith.constant 0 : i32
        %dma_wait3A_337 = arith.constant 0 : i32
        %dma_wait3A_338 = tpu.memref_slice %arg2[%dma_wait3A_336, %dma_wait3A_337] : memref<10240x128xf32, #tpu.memory_space<hbm>> -> memref<128x128xf32, #tpu.memory_space<hbm>>
        tpu.wait_dma2 semaphore(%arg11 : memref<!tpu.dma_semaphore, #tpu.memory_space<semaphore_mem>>) src(%dma_wait3A_338 : memref<128x128xf32, #tpu.memory_space<hbm>>) dst(%dma_wait3A_335 : memref<128x128xf32, #tpu.memory_space<vmem>>)
        "tpu.region"() ({
          %run_scoped3A_352 = tpu.sem_alloc : memref<!tpu.dma_semaphore, #tpu.memory_space<semaphore_mem>>
          %dma_start3A_353 = arith.constant 0 : i32
          %dma_start3A_354 = arith.constant 0 : i32
          %dma_start3A_355 = tpu.memref_slice %arg8[%cond3A_30, %dma_start3A_353, %dma_start3A_354] : memref<2x128x128xf32, #tpu.memory_space<vmem>> -> memref<1x128x128xf32, #tpu.memory_space<vmem>>
          %dma_start3A_356 = tpu.memref_squeeze %dma_start3A_355 : memref<1x128x128xf32, #tpu.memory_space<vmem>> -> memref<128x128xf32, #tpu.memory_space<vmem>>
          %dma_start3A_357 = arith.constant 0 : i32
          %dma_start3A_358 = tpu.memref_slice %arg7[%add3A_324, %dma_start3A_357] : memref<40x128xi32, #tpu.memory_space<vmem>> -> memref<1x128xi32, #tpu.memory_space<vmem>>
          %dma_start3A_359 = tpu.memref_squeeze %dma_start3A_358 : memref<1x128xi32, #tpu.memory_space<vmem>> -> memref<128xi32, #tpu.memory_space<vmem>>
          %dma_start3A_360 = arith.constant 0 : i32
          %dma_start3A_361 = arith.constant 0 : i32
          %dma_start3A_362 = tpu.memref_slice %arg9[%dma_start3A_360, %dma_start3A_361] : memref<10240x128xf32, #tpu.memory_space<vmem_shared>> -> memref<10240x128xf32, #tpu.memory_space<vmem_shared>>
          tpu.enqueue_indirect_dma source(%dma_start3A_356 : memref<128x128xf32, #tpu.memory_space<vmem>>) target(%dma_start3A_362 : memref<10240x128xf32, #tpu.memory_space<vmem_shared>>) offsets(%dma_start3A_359 : memref<128xi32, #tpu.memory_space<vmem>>) semaphore(%run_scoped3A_352 : memref<!tpu.dma_semaphore, #tpu.memory_space<semaphore_mem>>) {add = true}
          %dma_wait3A_363 = arith.constant 0 : i32
          %dma_wait3A_364 = arith.constant 0 : i32
          %dma_wait3A_365 = tpu.memref_slice %arg8[%cond3A_30, %dma_wait3A_363, %dma_wait3A_364] : memref<2x128x128xf32, #tpu.memory_space<vmem>> -> memref<1x128x128xf32, #tpu.memory_space<vmem>>
          %dma_wait3A_366 = tpu.memref_squeeze %dma_wait3A_365 : memref<1x128x128xf32, #tpu.memory_space<vmem>> -> memref<128x128xf32, #tpu.memory_space<vmem>>
          %dma_wait3A_367 = arith.constant 0 : i32
          %dma_wait3A_368 = tpu.memref_slice %arg7[%add3A_324, %dma_wait3A_367] : memref<40x128xi32, #tpu.memory_space<vmem>> -> memref<1x128xi32, #tpu.memory_space<vmem>>
          %dma_wait3A_369 = tpu.memref_squeeze %dma_wait3A_368 : memref<1x128xi32, #tpu.memory_space<vmem>> -> memref<128xi32, #tpu.memory_space<vmem>>
          %dma_wait3A_370 = arith.constant 0 : i32
          %dma_wait3A_371 = arith.constant 0 : i32
          %dma_wait3A_372 = tpu.memref_slice %arg9[%dma_wait3A_370, %dma_wait3A_371] : memref<10240x128xf32, #tpu.memory_space<vmem_shared>> -> memref<10240x128xf32, #tpu.memory_space<vmem_shared>>
          tpu.wait_indirect_dma semaphore(%run_scoped3A_352 : memref<!tpu.dma_semaphore, #tpu.memory_space<semaphore_mem>>) src(%dma_wait3A_366 : memref<128x128xf32, #tpu.memory_space<vmem>>) dst(%dma_wait3A_372 : memref<10240x128xf32, #tpu.memory_space<vmem_shared>>)
          tpu.yield
        }) : () -> ()
        %add3A_339 = arith.constant 2 : i32
        %add3A_340 = arith.addi %add3A_324, %add3A_339 : i32
        %dma_start3A_341 = arith.constant 0 : i32
        %dma_start3A_342 = arith.constant 0 : i32
        %dma_start3A_343 = tpu.memref_slice %arg8[%cond3A_30, %dma_start3A_341, %dma_start3A_342] : memref<2x128x128xf32, #tpu.memory_space<vmem>> -> memref<1x128x128xf32, #tpu.memory_space<vmem>>
        %dma_start3A_344 = tpu.memref_squeeze %dma_start3A_343 : memref<1x128x128xf32, #tpu.memory_space<vmem>> -> memref<128x128xf32, #tpu.memory_space<vmem>>
        %dma_start3A_345 = arith.constant 0 : i32
        %dma_start3A_346 = tpu.memref_slice %arg6[%add3A_340, %dma_start3A_345] : memref<40x128xi32, #tpu.memory_space<vmem>> -> memref<1x128xi32, #tpu.memory_space<vmem>>
        %dma_start3A_347 = tpu.memref_squeeze %dma_start3A_346 : memref<1x128xi32, #tpu.memory_space<vmem>> -> memref<128xi32, #tpu.memory_space<vmem>>
        %dma_start3A_348 = arith.constant 0 : i32
        %dma_start3A_349 = arith.constant 0 : i32
        %dma_start3A_350 = tpu.memref_slice %arg2[%dma_start3A_348, %dma_start3A_349] : memref<10240x128xf32, #tpu.memory_space<hbm>> -> memref<10240x128xf32, #tpu.memory_space<hbm>>
        tpu.enqueue_indirect_dma source(%dma_start3A_350 : memref<10240x128xf32, #tpu.memory_space<hbm>>) target(%dma_start3A_344 : memref<128x128xf32, #tpu.memory_space<vmem>>) offsets(%dma_start3A_347 : memref<128xi32, #tpu.memory_space<vmem>>) semaphore(%arg11 : memref<!tpu.dma_semaphore, #tpu.memory_space<semaphore_mem>>)
        %scan3A_351 = arith.constant 0 : i32
        scf.yield %scan3A_351 : i32
      }
      %scan3A_258 = arith.constant 11 : i32
      %dma_wait3A_259 = arith.constant 0 : i32
      %dma_wait3A_260 = arith.constant 0 : i32
      %dma_wait3A_261 = tpu.memref_slice %arg8[%cond3A, %dma_wait3A_259, %dma_wait3A_260] : memref<2x128x128xf32, #tpu.memory_space<vmem>> -> memref<1x128x128xf32, #tpu.memory_space<vmem>>
      %dma_wait3A_262 = tpu.memref_squeeze %dma_wait3A_261 : memref<1x128x128xf32, #tpu.memory_space<vmem>> -> memref<128x128xf32, #tpu.memory_space<vmem>>
      %dma_wait3A_263 = arith.constant 0 : i32
      %dma_wait3A_264 = arith.constant 0 : i32
      %dma_wait3A_265 = tpu.memref_slice %arg2[%dma_wait3A_263, %dma_wait3A_264] : memref<10240x128xf32, #tpu.memory_space<hbm>> -> memref<128x128xf32, #tpu.memory_space<hbm>>
      %dma_wait3A_266 = arith.constant 0 : i32
      %dma_wait3A_267 = arith.constant 0 : i32
      %dma_wait3A_268 = tpu.memref_slice %arg8[%cond3A, %dma_wait3A_266, %dma_wait3A_267] : memref<2x128x128xf32, #tpu.memory_space<vmem>> -> memref<1x128x128xf32, #tpu.memory_space<vmem>>
      %dma_wait3A_269 = tpu.memref_squeeze %dma_wait3A_268 : memref<1x128x128xf32, #tpu.memory_space<vmem>> -> memref<128x128xf32, #tpu.memory_space<vmem>>
      %dma_wait3A_270 = arith.constant 0 : i32
      %dma_wait3A_271 = arith.constant 0 : i32
      %dma_wait3A_272 = tpu.memref_slice %arg2[%dma_wait3A_270, %dma_wait3A_271] : memref<10240x128xf32, #tpu.memory_space<hbm>> -> memref<128x128xf32, #tpu.memory_space<hbm>>
      tpu.wait_dma2 semaphore(%arg10 : memref<!tpu.dma_semaphore, #tpu.memory_space<semaphore_mem>>) src(%dma_wait3A_272 : memref<128x128xf32, #tpu.memory_space<hbm>>) dst(%dma_wait3A_269 : memref<128x128xf32, #tpu.memory_space<vmem>>)
      %run_scoped3A_273 = arith.constant 22 : i32
      "tpu.region"() ({
        %run_scoped3A_289 = tpu.sem_alloc : memref<!tpu.dma_semaphore, #tpu.memory_space<semaphore_mem>>
        %dma_start3A_290 = arith.constant 0 : i32
        %dma_start3A_291 = arith.constant 0 : i32
        %dma_start3A_292 = tpu.memref_slice %arg8[%cond3A, %dma_start3A_290, %dma_start3A_291] : memref<2x128x128xf32, #tpu.memory_space<vmem>> -> memref<1x128x128xf32, #tpu.memory_space<vmem>>
        %dma_start3A_293 = tpu.memref_squeeze %dma_start3A_292 : memref<1x128x128xf32, #tpu.memory_space<vmem>> -> memref<128x128xf32, #tpu.memory_space<vmem>>
        %dma_start3A_294 = arith.constant 0 : i32
        %dma_start3A_295 = tpu.memref_slice %arg7[%run_scoped3A_273, %dma_start3A_294] : memref<40x128xi32, #tpu.memory_space<vmem>> -> memref<1x128xi32, #tpu.memory_space<vmem>>
        %dma_start3A_296 = tpu.memref_squeeze %dma_start3A_295 : memref<1x128xi32, #tpu.memory_space<vmem>> -> memref<128xi32, #tpu.memory_space<vmem>>
        %dma_start3A_297 = arith.constant 0 : i32
        %dma_start3A_298 = arith.constant 0 : i32
        %dma_start3A_299 = tpu.memref_slice %arg9[%dma_start3A_297, %dma_start3A_298] : memref<10240x128xf32, #tpu.memory_space<vmem_shared>> -> memref<10240x128xf32, #tpu.memory_space<vmem_shared>>
        tpu.enqueue_indirect_dma source(%dma_start3A_293 : memref<128x128xf32, #tpu.memory_space<vmem>>) target(%dma_start3A_299 : memref<10240x128xf32, #tpu.memory_space<vmem_shared>>) offsets(%dma_start3A_296 : memref<128xi32, #tpu.memory_space<vmem>>) semaphore(%run_scoped3A_289 : memref<!tpu.dma_semaphore, #tpu.memory_space<semaphore_mem>>) {add = true}
        %dma_wait3A_300 = arith.constant 0 : i32
        %dma_wait3A_301 = arith.constant 0 : i32
        %dma_wait3A_302 = tpu.memref_slice %arg8[%cond3A, %dma_wait3A_300, %dma_wait3A_301] : memref<2x128x128xf32, #tpu.memory_space<vmem>> -> memref<1x128x128xf32, #tpu.memory_space<vmem>>
        %dma_wait3A_303 = tpu.memref_squeeze %dma_wait3A_302 : memref<1x128x128xf32, #tpu.memory_space<vmem>> -> memref<128x128xf32, #tpu.memory_space<vmem>>
        %dma_wait3A_304 = arith.constant 0 : i32
        %dma_wait3A_305 = tpu.memref_slice %arg7[%run_scoped3A_273, %dma_wait3A_304] : memref<40x128xi32, #tpu.memory_space<vmem>> -> memref<1x128xi32, #tpu.memory_space<vmem>>
        %dma_wait3A_306 = tpu.memref_squeeze %dma_wait3A_305 : memref<1x128xi32, #tpu.memory_space<vmem>> -> memref<128xi32, #tpu.memory_space<vmem>>
        %dma_wait3A_307 = arith.constant 0 : i32
        %dma_wait3A_308 = arith.constant 0 : i32
        %dma_wait3A_309 = tpu.memref_slice %arg9[%dma_wait3A_307, %dma_wait3A_308] : memref<10240x128xf32, #tpu.memory_space<vmem_shared>> -> memref<10240x128xf32, #tpu.memory_space<vmem_shared>>
        tpu.wait_indirect_dma semaphore(%run_scoped3A_289 : memref<!tpu.dma_semaphore, #tpu.memory_space<semaphore_mem>>) src(%dma_wait3A_303 : memref<128x128xf32, #tpu.memory_space<vmem>>) dst(%dma_wait3A_309 : memref<10240x128xf32, #tpu.memory_space<vmem_shared>>)
        tpu.yield
      }) : () -> ()
      %dma_wait3A_274 = arith.constant 0 : i32
      %dma_wait3A_275 = arith.constant 0 : i32
      %dma_wait3A_276 = tpu.memref_slice %arg8[%cond3A_30, %dma_wait3A_274, %dma_wait3A_275] : memref<2x128x128xf32, #tpu.memory_space<vmem>> -> memref<1x128x128xf32, #tpu.memory_space<vmem>>
      %dma_wait3A_277 = tpu.memref_squeeze %dma_wait3A_276 : memref<1x128x128xf32, #tpu.memory_space<vmem>> -> memref<128x128xf32, #tpu.memory_space<vmem>>
      %dma_wait3A_278 = arith.constant 0 : i32
      %dma_wait3A_279 = arith.constant 0 : i32
      %dma_wait3A_280 = tpu.memref_slice %arg2[%dma_wait3A_278, %dma_wait3A_279] : memref<10240x128xf32, #tpu.memory_space<hbm>> -> memref<128x128xf32, #tpu.memory_space<hbm>>
      %dma_wait3A_281 = arith.constant 0 : i32
      %dma_wait3A_282 = arith.constant 0 : i32
      %dma_wait3A_283 = tpu.memref_slice %arg8[%cond3A_30, %dma_wait3A_281, %dma_wait3A_282] : memref<2x128x128xf32, #tpu.memory_space<vmem>> -> memref<1x128x128xf32, #tpu.memory_space<vmem>>
      %dma_wait3A_284 = tpu.memref_squeeze %dma_wait3A_283 : memref<1x128x128xf32, #tpu.memory_space<vmem>> -> memref<128x128xf32, #tpu.memory_space<vmem>>
      %dma_wait3A_285 = arith.constant 0 : i32
      %dma_wait3A_286 = arith.constant 0 : i32
      %dma_wait3A_287 = tpu.memref_slice %arg2[%dma_wait3A_285, %dma_wait3A_286] : memref<10240x128xf32, #tpu.memory_space<hbm>> -> memref<128x128xf32, #tpu.memory_space<hbm>>
      tpu.wait_dma2 semaphore(%arg11 : memref<!tpu.dma_semaphore, #tpu.memory_space<semaphore_mem>>) src(%dma_wait3A_287 : memref<128x128xf32, #tpu.memory_space<hbm>>) dst(%dma_wait3A_284 : memref<128x128xf32, #tpu.memory_space<vmem>>)
      %run_scoped3A_288 = arith.constant 23 : i32
      "tpu.region"() ({
        %run_scoped3A_289 = tpu.sem_alloc : memref<!tpu.dma_semaphore, #tpu.memory_space<semaphore_mem>>
        %dma_start3A_290 = arith.constant 0 : i32
        %dma_start3A_291 = arith.constant 0 : i32
        %dma_start3A_292 = tpu.memref_slice %arg8[%cond3A_30, %dma_start3A_290, %dma_start3A_291] : memref<2x128x128xf32, #tpu.memory_space<vmem>> -> memref<1x128x128xf32, #tpu.memory_space<vmem>>
        %dma_start3A_293 = tpu.memref_squeeze %dma_start3A_292 : memref<1x128x128xf32, #tpu.memory_space<vmem>> -> memref<128x128xf32, #tpu.memory_space<vmem>>
        %dma_start3A_294 = arith.constant 0 : i32
        %dma_start3A_295 = tpu.memref_slice %arg7[%run_scoped3A_288, %dma_start3A_294] : memref<40x128xi32, #tpu.memory_space<vmem>> -> memref<1x128xi32, #tpu.memory_space<vmem>>
        %dma_start3A_296 = tpu.memref_squeeze %dma_start3A_295 : memref<1x128xi32, #tpu.memory_space<vmem>> -> memref<128xi32, #tpu.memory_space<vmem>>
        %dma_start3A_297 = arith.constant 0 : i32
        %dma_start3A_298 = arith.constant 0 : i32
        %dma_start3A_299 = tpu.memref_slice %arg9[%dma_start3A_297, %dma_start3A_298] : memref<10240x128xf32, #tpu.memory_space<vmem_shared>> -> memref<10240x128xf32, #tpu.memory_space<vmem_shared>>
        tpu.enqueue_indirect_dma source(%dma_start3A_293 : memref<128x128xf32, #tpu.memory_space<vmem>>) target(%dma_start3A_299 : memref<10240x128xf32, #tpu.memory_space<vmem_shared>>) offsets(%dma_start3A_296 : memref<128xi32, #tpu.memory_space<vmem>>) semaphore(%run_scoped3A_289 : memref<!tpu.dma_semaphore, #tpu.memory_space<semaphore_mem>>) {add = true}
        %dma_wait3A_300 = arith.constant 0 : i32
        %dma_wait3A_301 = arith.constant 0 : i32
        %dma_wait3A_302 = tpu.memref_slice %arg8[%cond3A_30, %dma_wait3A_300, %dma_wait3A_301] : memref<2x128x128xf32, #tpu.memory_space<vmem>> -> memref<1x128x128xf32, #tpu.memory_space<vmem>>
        %dma_wait3A_303 = tpu.memref_squeeze %dma_wait3A_302 : memref<1x128x128xf32, #tpu.memory_space<vmem>> -> memref<128x128xf32, #tpu.memory_space<vmem>>
        %dma_wait3A_304 = arith.constant 0 : i32
        %dma_wait3A_305 = tpu.memref_slice %arg7[%run_scoped3A_288, %dma_wait3A_304] : memref<40x128xi32, #tpu.memory_space<vmem>> -> memref<1x128xi32, #tpu.memory_space<vmem>>
        %dma_wait3A_306 = tpu.memref_squeeze %dma_wait3A_305 : memref<1x128xi32, #tpu.memory_space<vmem>> -> memref<128xi32, #tpu.memory_space<vmem>>
        %dma_wait3A_307 = arith.constant 0 : i32
        %dma_wait3A_308 = arith.constant 0 : i32
        %dma_wait3A_309 = tpu.memref_slice %arg9[%dma_wait3A_307, %dma_wait3A_308] : memref<10240x128xf32, #tpu.memory_space<vmem_shared>> -> memref<10240x128xf32, #tpu.memory_space<vmem_shared>>
        tpu.wait_indirect_dma semaphore(%run_scoped3A_289 : memref<!tpu.dma_semaphore, #tpu.memory_space<semaphore_mem>>) src(%dma_wait3A_303 : memref<128x128xf32, #tpu.memory_space<vmem>>) dst(%dma_wait3A_309 : memref<10240x128xf32, #tpu.memory_space<vmem_shared>>)
        tpu.yield
      }) : () -> ()
    } else {
    }
    %eq3A_33 = arith.constant 1 : i32
    %eq3A_34 = arith.cmpi eq, %arg0, %eq3A_33 : i32
    %convert_element_type3A_35 = arith.extui %eq3A_34 : i1 to i32
    %cond3A_36 = arith.constant 0 : i32
    %cond3A_37 = arith.constant 1 : i32
    %cond3A_38 = arith.constant 0 : i32
    %cond3A_39 = arith.cmpi ne, %convert_element_type3A_35, %cond3A_38 : i32
    scf.if %cond3A_39 {
      %mul3A_45 = arith.constant 16 : i32
      %mul3A_46 = arith.muli %arg1, %mul3A_45 : i32
      %add3A_47 = arith.constant 2304 : i32
      %add3A_48 = arith.addi %add3A_47, %mul3A_46 : i32
      %add3A_49 = arith.constant 0 : i32
      %add3A_50 = arith.addi %add3A_48, %add3A_49 : i32
      "tpu.region"() ({
        %run_scoped3A_108 = tpu.sem_alloc : memref<!tpu.dma_semaphore, #tpu.memory_space<semaphore_mem>>
        %dma_start3A_109 = arith.constant 0 : i32
        %dma_start3A_110 = arith.constant 0 : i32
        %dma_start3A_111 = tpu.memref_slice %arg6[%dma_start3A_109, %dma_start3A_110] : memref<40x128xi32, #tpu.memory_space<vmem>> -> memref<16x128xi32, #tpu.memory_space<vmem>>
        %dma_start3A_112 = arith.constant 0 : i32
        %dma_start3A_113 = tpu.memref_slice %arg3[%add3A_50, %dma_start3A_112] : memref<2560x128xi32, #tpu.memory_space<hbm>> -> memref<16x128xi32, #tpu.memory_space<hbm>>
        %dma_start3A_114 = arith.constant 0 : i32
        %dma_start3A_115 = arith.constant 0 : i32
        %dma_start3A_116 = tpu.memref_slice %arg6[%dma_start3A_114, %dma_start3A_115] : memref<40x128xi32, #tpu.memory_space<vmem>> -> memref<16x128xi32, #tpu.memory_space<vmem>>
        %dma_start3A_117 = arith.constant 0 : i32
        %dma_start3A_118 = tpu.memref_slice %arg3[%add3A_50, %dma_start3A_117] : memref<2560x128xi32, #tpu.memory_space<hbm>> -> memref<16x128xi32, #tpu.memory_space<hbm>>
        tpu.enqueue_dma source(%dma_start3A_118 : memref<16x128xi32, #tpu.memory_space<hbm>>) target(%dma_start3A_116 : memref<16x128xi32, #tpu.memory_space<vmem>>) target_semaphore(%run_scoped3A_108 : memref<!tpu.dma_semaphore, #tpu.memory_space<semaphore_mem>>)
        %dma_wait3A_119 = arith.constant 0 : i32
        %dma_wait3A_120 = arith.constant 0 : i32
        %dma_wait3A_121 = tpu.memref_slice %arg6[%dma_wait3A_119, %dma_wait3A_120] : memref<40x128xi32, #tpu.memory_space<vmem>> -> memref<16x128xi32, #tpu.memory_space<vmem>>
        %dma_wait3A_122 = arith.constant 0 : i32
        %dma_wait3A_123 = tpu.memref_slice %arg3[%add3A_50, %dma_wait3A_122] : memref<2560x128xi32, #tpu.memory_space<hbm>> -> memref<16x128xi32, #tpu.memory_space<hbm>>
        %dma_wait3A_124 = arith.constant 0 : i32
        %dma_wait3A_125 = arith.constant 0 : i32
        %dma_wait3A_126 = tpu.memref_slice %arg6[%dma_wait3A_124, %dma_wait3A_125] : memref<40x128xi32, #tpu.memory_space<vmem>> -> memref<16x128xi32, #tpu.memory_space<vmem>>
        %dma_wait3A_127 = arith.constant 0 : i32
        %dma_wait3A_128 = tpu.memref_slice %arg3[%add3A_50, %dma_wait3A_127] : memref<2560x128xi32, #tpu.memory_space<hbm>> -> memref<16x128xi32, #tpu.memory_space<hbm>>
        tpu.wait_dma2 semaphore(%run_scoped3A_108 : memref<!tpu.dma_semaphore, #tpu.memory_space<semaphore_mem>>) src(%dma_wait3A_128 : memref<16x128xi32, #tpu.memory_space<hbm>>) dst(%dma_wait3A_126 : memref<16x128xi32, #tpu.memory_space<vmem>>)
        tpu.yield
      }) : () -> ()
      "tpu.region"() ({
        %run_scoped3A_108 = tpu.sem_alloc : memref<!tpu.dma_semaphore, #tpu.memory_space<semaphore_mem>>
        %dma_start3A_109 = arith.constant 0 : i32
        %dma_start3A_110 = arith.constant 0 : i32
        %dma_start3A_111 = tpu.memref_slice %arg7[%dma_start3A_109, %dma_start3A_110] : memref<40x128xi32, #tpu.memory_space<vmem>> -> memref<16x128xi32, #tpu.memory_space<vmem>>
        %dma_start3A_112 = arith.constant 0 : i32
        %dma_start3A_113 = tpu.memref_slice %arg4[%add3A_50, %dma_start3A_112] : memref<2560x128xi32, #tpu.memory_space<hbm>> -> memref<16x128xi32, #tpu.memory_space<hbm>>
        %dma_start3A_114 = arith.constant 0 : i32
        %dma_start3A_115 = arith.constant 0 : i32
        %dma_start3A_116 = tpu.memref_slice %arg7[%dma_start3A_114, %dma_start3A_115] : memref<40x128xi32, #tpu.memory_space<vmem>> -> memref<16x128xi32, #tpu.memory_space<vmem>>
        %dma_start3A_117 = arith.constant 0 : i32
        %dma_start3A_118 = tpu.memref_slice %arg4[%add3A_50, %dma_start3A_117] : memref<2560x128xi32, #tpu.memory_space<hbm>> -> memref<16x128xi32, #tpu.memory_space<hbm>>
        tpu.enqueue_dma source(%dma_start3A_118 : memref<16x128xi32, #tpu.memory_space<hbm>>) target(%dma_start3A_116 : memref<16x128xi32, #tpu.memory_space<vmem>>) target_semaphore(%run_scoped3A_108 : memref<!tpu.dma_semaphore, #tpu.memory_space<semaphore_mem>>)
        %dma_wait3A_119 = arith.constant 0 : i32
        %dma_wait3A_120 = arith.constant 0 : i32
        %dma_wait3A_121 = tpu.memref_slice %arg7[%dma_wait3A_119, %dma_wait3A_120] : memref<40x128xi32, #tpu.memory_space<vmem>> -> memref<16x128xi32, #tpu.memory_space<vmem>>
        %dma_wait3A_122 = arith.constant 0 : i32
        %dma_wait3A_123 = tpu.memref_slice %arg4[%add3A_50, %dma_wait3A_122] : memref<2560x128xi32, #tpu.memory_space<hbm>> -> memref<16x128xi32, #tpu.memory_space<hbm>>
        %dma_wait3A_124 = arith.constant 0 : i32
        %dma_wait3A_125 = arith.constant 0 : i32
        %dma_wait3A_126 = tpu.memref_slice %arg7[%dma_wait3A_124, %dma_wait3A_125] : memref<40x128xi32, #tpu.memory_space<vmem>> -> memref<16x128xi32, #tpu.memory_space<vmem>>
        %dma_wait3A_127 = arith.constant 0 : i32
        %dma_wait3A_128 = tpu.memref_slice %arg4[%add3A_50, %dma_wait3A_127] : memref<2560x128xi32, #tpu.memory_space<hbm>> -> memref<16x128xi32, #tpu.memory_space<hbm>>
        tpu.wait_dma2 semaphore(%run_scoped3A_108 : memref<!tpu.dma_semaphore, #tpu.memory_space<semaphore_mem>>) src(%dma_wait3A_128 : memref<16x128xi32, #tpu.memory_space<hbm>>) dst(%dma_wait3A_126 : memref<16x128xi32, #tpu.memory_space<vmem>>)
        tpu.yield
      }) : () -> ()
      %dma_start3A = arith.constant 0 : i32
      %dma_start3A_51 = arith.constant 0 : i32
      %dma_start3A_52 = arith.constant 0 : i32
      %dma_start3A_53 = tpu.memref_slice %arg8[%cond3A_36, %dma_start3A_51, %dma_start3A_52] : memref<2x128x128xf32, #tpu.memory_space<vmem>> -> memref<1x128x128xf32, #tpu.memory_space<vmem>>
      %dma_start3A_54 = tpu.memref_squeeze %dma_start3A_53 : memref<1x128x128xf32, #tpu.memory_space<vmem>> -> memref<128x128xf32, #tpu.memory_space<vmem>>
      %dma_start3A_55 = arith.constant 0 : i32
      %dma_start3A_56 = tpu.memref_slice %arg6[%dma_start3A, %dma_start3A_55] : memref<40x128xi32, #tpu.memory_space<vmem>> -> memref<1x128xi32, #tpu.memory_space<vmem>>
      %dma_start3A_57 = tpu.memref_squeeze %dma_start3A_56 : memref<1x128xi32, #tpu.memory_space<vmem>> -> memref<128xi32, #tpu.memory_space<vmem>>
      %dma_start3A_58 = arith.constant 0 : i32
      %dma_start3A_59 = arith.constant 0 : i32
      %dma_start3A_60 = tpu.memref_slice %arg2[%dma_start3A_58, %dma_start3A_59] : memref<10240x128xf32, #tpu.memory_space<hbm>> -> memref<10240x128xf32, #tpu.memory_space<hbm>>
      tpu.enqueue_indirect_dma source(%dma_start3A_60 : memref<10240x128xf32, #tpu.memory_space<hbm>>) target(%dma_start3A_54 : memref<128x128xf32, #tpu.memory_space<vmem>>) offsets(%dma_start3A_57 : memref<128xi32, #tpu.memory_space<vmem>>) semaphore(%arg10 : memref<!tpu.dma_semaphore, #tpu.memory_space<semaphore_mem>>)
      %dma_start3A_61 = arith.constant 1 : i32
      %dma_start3A_62 = arith.constant 0 : i32
      %dma_start3A_63 = arith.constant 0 : i32
      %dma_start3A_64 = tpu.memref_slice %arg8[%cond3A_37, %dma_start3A_62, %dma_start3A_63] : memref<2x128x128xf32, #tpu.memory_space<vmem>> -> memref<1x128x128xf32, #tpu.memory_space<vmem>>
      %dma_start3A_65 = tpu.memref_squeeze %dma_start3A_64 : memref<1x128x128xf32, #tpu.memory_space<vmem>> -> memref<128x128xf32, #tpu.memory_space<vmem>>
      %dma_start3A_66 = arith.constant 0 : i32
      %dma_start3A_67 = tpu.memref_slice %arg6[%dma_start3A_61, %dma_start3A_66] : memref<40x128xi32, #tpu.memory_space<vmem>> -> memref<1x128xi32, #tpu.memory_space<vmem>>
      %dma_start3A_68 = tpu.memref_squeeze %dma_start3A_67 : memref<1x128xi32, #tpu.memory_space<vmem>> -> memref<128xi32, #tpu.memory_space<vmem>>
      %dma_start3A_69 = arith.constant 0 : i32
      %dma_start3A_70 = arith.constant 0 : i32
      %dma_start3A_71 = tpu.memref_slice %arg2[%dma_start3A_69, %dma_start3A_70] : memref<10240x128xf32, #tpu.memory_space<hbm>> -> memref<10240x128xf32, #tpu.memory_space<hbm>>
      tpu.enqueue_indirect_dma source(%dma_start3A_71 : memref<10240x128xf32, #tpu.memory_space<hbm>>) target(%dma_start3A_65 : memref<128x128xf32, #tpu.memory_space<vmem>>) offsets(%dma_start3A_68 : memref<128xi32, #tpu.memory_space<vmem>>) semaphore(%arg11 : memref<!tpu.dma_semaphore, #tpu.memory_space<semaphore_mem>>)
      %scan3A_72 = arith.constant 0 : i32
      %scan3A_73 = arith.constant 0 : i32
      %scan3A_74 = arith.constant 7 : i32
      %scan3A_75 = arith.addi %scan3A_73, %scan3A_74 : i32
      %scan3A_76 = arith.constant 1 : i32
      %scan3A_77 = scf.for %scan3A_108 = %scan3A_73 to %scan3A_75 step %scan3A_76 iter_args(%scan3A_109 = %scan3A_72) -> (i32)  : i32 {
        %mul3A_110 = arith.constant 2 : i32
        %mul3A_111 = arith.muli %scan3A_108, %mul3A_110 : i32
        %add3A_112 = arith.constant 0 : i32
        %add3A_113 = arith.addi %mul3A_111, %add3A_112 : i32
        %dma_wait3A_114 = arith.constant 0 : i32
        %dma_wait3A_115 = arith.constant 0 : i32
        %dma_wait3A_116 = tpu.memref_slice %arg8[%cond3A_36, %dma_wait3A_114, %dma_wait3A_115] : memref<2x128x128xf32, #tpu.memory_space<vmem>> -> memref<1x128x128xf32, #tpu.memory_space<vmem>>
        %dma_wait3A_117 = tpu.memref_squeeze %dma_wait3A_116 : memref<1x128x128xf32, #tpu.memory_space<vmem>> -> memref<128x128xf32, #tpu.memory_space<vmem>>
        %dma_wait3A_118 = arith.constant 0 : i32
        %dma_wait3A_119 = arith.constant 0 : i32
        %dma_wait3A_120 = tpu.memref_slice %arg2[%dma_wait3A_118, %dma_wait3A_119] : memref<10240x128xf32, #tpu.memory_space<hbm>> -> memref<128x128xf32, #tpu.memory_space<hbm>>
        %dma_wait3A_121 = arith.constant 0 : i32
        %dma_wait3A_122 = arith.constant 0 : i32
        %dma_wait3A_123 = tpu.memref_slice %arg8[%cond3A_36, %dma_wait3A_121, %dma_wait3A_122] : memref<2x128x128xf32, #tpu.memory_space<vmem>> -> memref<1x128x128xf32, #tpu.memory_space<vmem>>
        %dma_wait3A_124 = tpu.memref_squeeze %dma_wait3A_123 : memref<1x128x128xf32, #tpu.memory_space<vmem>> -> memref<128x128xf32, #tpu.memory_space<vmem>>
        %dma_wait3A_125 = arith.constant 0 : i32
        %dma_wait3A_126 = arith.constant 0 : i32
        %dma_wait3A_127 = tpu.memref_slice %arg2[%dma_wait3A_125, %dma_wait3A_126] : memref<10240x128xf32, #tpu.memory_space<hbm>> -> memref<128x128xf32, #tpu.memory_space<hbm>>
        tpu.wait_dma2 semaphore(%arg10 : memref<!tpu.dma_semaphore, #tpu.memory_space<semaphore_mem>>) src(%dma_wait3A_127 : memref<128x128xf32, #tpu.memory_space<hbm>>) dst(%dma_wait3A_124 : memref<128x128xf32, #tpu.memory_space<vmem>>)
        "tpu.region"() ({
          %run_scoped3A_171 = tpu.sem_alloc : memref<!tpu.dma_semaphore, #tpu.memory_space<semaphore_mem>>
          %dma_start3A_172 = arith.constant 0 : i32
          %dma_start3A_173 = arith.constant 0 : i32
          %dma_start3A_174 = tpu.memref_slice %arg8[%cond3A_36, %dma_start3A_172, %dma_start3A_173] : memref<2x128x128xf32, #tpu.memory_space<vmem>> -> memref<1x128x128xf32, #tpu.memory_space<vmem>>
          %dma_start3A_175 = tpu.memref_squeeze %dma_start3A_174 : memref<1x128x128xf32, #tpu.memory_space<vmem>> -> memref<128x128xf32, #tpu.memory_space<vmem>>
          %dma_start3A_176 = arith.constant 0 : i32
          %dma_start3A_177 = tpu.memref_slice %arg7[%add3A_113, %dma_start3A_176] : memref<40x128xi32, #tpu.memory_space<vmem>> -> memref<1x128xi32, #tpu.memory_space<vmem>>
          %dma_start3A_178 = tpu.memref_squeeze %dma_start3A_177 : memref<1x128xi32, #tpu.memory_space<vmem>> -> memref<128xi32, #tpu.memory_space<vmem>>
          %dma_start3A_179 = arith.constant 0 : i32
          %dma_start3A_180 = arith.constant 0 : i32
          %dma_start3A_181 = tpu.memref_slice %arg9[%dma_start3A_179, %dma_start3A_180] : memref<10240x128xf32, #tpu.memory_space<vmem_shared>> -> memref<10240x128xf32, #tpu.memory_space<vmem_shared>>
          tpu.enqueue_indirect_dma source(%dma_start3A_175 : memref<128x128xf32, #tpu.memory_space<vmem>>) target(%dma_start3A_181 : memref<10240x128xf32, #tpu.memory_space<vmem_shared>>) offsets(%dma_start3A_178 : memref<128xi32, #tpu.memory_space<vmem>>) semaphore(%run_scoped3A_171 : memref<!tpu.dma_semaphore, #tpu.memory_space<semaphore_mem>>) {add = true}
          %dma_wait3A_182 = arith.constant 0 : i32
          %dma_wait3A_183 = arith.constant 0 : i32
          %dma_wait3A_184 = tpu.memref_slice %arg8[%cond3A_36, %dma_wait3A_182, %dma_wait3A_183] : memref<2x128x128xf32, #tpu.memory_space<vmem>> -> memref<1x128x128xf32, #tpu.memory_space<vmem>>
          %dma_wait3A_185 = tpu.memref_squeeze %dma_wait3A_184 : memref<1x128x128xf32, #tpu.memory_space<vmem>> -> memref<128x128xf32, #tpu.memory_space<vmem>>
          %dma_wait3A_186 = arith.constant 0 : i32
          %dma_wait3A_187 = tpu.memref_slice %arg7[%add3A_113, %dma_wait3A_186] : memref<40x128xi32, #tpu.memory_space<vmem>> -> memref<1x128xi32, #tpu.memory_space<vmem>>
          %dma_wait3A_188 = tpu.memref_squeeze %dma_wait3A_187 : memref<1x128xi32, #tpu.memory_space<vmem>> -> memref<128xi32, #tpu.memory_space<vmem>>
          %dma_wait3A_189 = arith.constant 0 : i32
          %dma_wait3A_190 = arith.constant 0 : i32
          %dma_wait3A_191 = tpu.memref_slice %arg9[%dma_wait3A_189, %dma_wait3A_190] : memref<10240x128xf32, #tpu.memory_space<vmem_shared>> -> memref<10240x128xf32, #tpu.memory_space<vmem_shared>>
          tpu.wait_indirect_dma semaphore(%run_scoped3A_171 : memref<!tpu.dma_semaphore, #tpu.memory_space<semaphore_mem>>) src(%dma_wait3A_185 : memref<128x128xf32, #tpu.memory_space<vmem>>) dst(%dma_wait3A_191 : memref<10240x128xf32, #tpu.memory_space<vmem_shared>>)
          tpu.yield
        }) : () -> ()
        %add3A_128 = arith.constant 2 : i32
        %add3A_129 = arith.addi %add3A_113, %add3A_128 : i32
        %dma_start3A_130 = arith.constant 0 : i32
        %dma_start3A_131 = arith.constant 0 : i32
        %dma_start3A_132 = tpu.memref_slice %arg8[%cond3A_36, %dma_start3A_130, %dma_start3A_131] : memref<2x128x128xf32, #tpu.memory_space<vmem>> -> memref<1x128x128xf32, #tpu.memory_space<vmem>>
        %dma_start3A_133 = tpu.memref_squeeze %dma_start3A_132 : memref<1x128x128xf32, #tpu.memory_space<vmem>> -> memref<128x128xf32, #tpu.memory_space<vmem>>
        %dma_start3A_134 = arith.constant 0 : i32
        %dma_start3A_135 = tpu.memref_slice %arg6[%add3A_129, %dma_start3A_134] : memref<40x128xi32, #tpu.memory_space<vmem>> -> memref<1x128xi32, #tpu.memory_space<vmem>>
        %dma_start3A_136 = tpu.memref_squeeze %dma_start3A_135 : memref<1x128xi32, #tpu.memory_space<vmem>> -> memref<128xi32, #tpu.memory_space<vmem>>
        %dma_start3A_137 = arith.constant 0 : i32
        %dma_start3A_138 = arith.constant 0 : i32
        %dma_start3A_139 = tpu.memref_slice %arg2[%dma_start3A_137, %dma_start3A_138] : memref<10240x128xf32, #tpu.memory_space<hbm>> -> memref<10240x128xf32, #tpu.memory_space<hbm>>
        tpu.enqueue_indirect_dma source(%dma_start3A_139 : memref<10240x128xf32, #tpu.memory_space<hbm>>) target(%dma_start3A_133 : memref<128x128xf32, #tpu.memory_space<vmem>>) offsets(%dma_start3A_136 : memref<128xi32, #tpu.memory_space<vmem>>) semaphore(%arg10 : memref<!tpu.dma_semaphore, #tpu.memory_space<semaphore_mem>>)
        %mul3A_140 = arith.constant 2 : i32
        %mul3A_141 = arith.muli %scan3A_108, %mul3A_140 : i32
        %add3A_142 = arith.constant 1 : i32
        %add3A_143 = arith.addi %mul3A_141, %add3A_142 : i32
        %dma_wait3A_144 = arith.constant 0 : i32
        %dma_wait3A_145 = arith.constant 0 : i32
        %dma_wait3A_146 = tpu.memref_slice %arg8[%cond3A_37, %dma_wait3A_144, %dma_wait3A_145] : memref<2x128x128xf32, #tpu.memory_space<vmem>> -> memref<1x128x128xf32, #tpu.memory_space<vmem>>
        %dma_wait3A_147 = tpu.memref_squeeze %dma_wait3A_146 : memref<1x128x128xf32, #tpu.memory_space<vmem>> -> memref<128x128xf32, #tpu.memory_space<vmem>>
        %dma_wait3A_148 = arith.constant 0 : i32
        %dma_wait3A_149 = arith.constant 0 : i32
        %dma_wait3A_150 = tpu.memref_slice %arg2[%dma_wait3A_148, %dma_wait3A_149] : memref<10240x128xf32, #tpu.memory_space<hbm>> -> memref<128x128xf32, #tpu.memory_space<hbm>>
        %dma_wait3A_151 = arith.constant 0 : i32
        %dma_wait3A_152 = arith.constant 0 : i32
        %dma_wait3A_153 = tpu.memref_slice %arg8[%cond3A_37, %dma_wait3A_151, %dma_wait3A_152] : memref<2x128x128xf32, #tpu.memory_space<vmem>> -> memref<1x128x128xf32, #tpu.memory_space<vmem>>
        %dma_wait3A_154 = tpu.memref_squeeze %dma_wait3A_153 : memref<1x128x128xf32, #tpu.memory_space<vmem>> -> memref<128x128xf32, #tpu.memory_space<vmem>>
        %dma_wait3A_155 = arith.constant 0 : i32
        %dma_wait3A_156 = arith.constant 0 : i32
        %dma_wait3A_157 = tpu.memref_slice %arg2[%dma_wait3A_155, %dma_wait3A_156] : memref<10240x128xf32, #tpu.memory_space<hbm>> -> memref<128x128xf32, #tpu.memory_space<hbm>>
        tpu.wait_dma2 semaphore(%arg11 : memref<!tpu.dma_semaphore, #tpu.memory_space<semaphore_mem>>) src(%dma_wait3A_157 : memref<128x128xf32, #tpu.memory_space<hbm>>) dst(%dma_wait3A_154 : memref<128x128xf32, #tpu.memory_space<vmem>>)
        "tpu.region"() ({
          %run_scoped3A_171 = tpu.sem_alloc : memref<!tpu.dma_semaphore, #tpu.memory_space<semaphore_mem>>
          %dma_start3A_172 = arith.constant 0 : i32
          %dma_start3A_173 = arith.constant 0 : i32
          %dma_start3A_174 = tpu.memref_slice %arg8[%cond3A_37, %dma_start3A_172, %dma_start3A_173] : memref<2x128x128xf32, #tpu.memory_space<vmem>> -> memref<1x128x128xf32, #tpu.memory_space<vmem>>
          %dma_start3A_175 = tpu.memref_squeeze %dma_start3A_174 : memref<1x128x128xf32, #tpu.memory_space<vmem>> -> memref<128x128xf32, #tpu.memory_space<vmem>>
          %dma_start3A_176 = arith.constant 0 : i32
          %dma_start3A_177 = tpu.memref_slice %arg7[%add3A_143, %dma_start3A_176] : memref<40x128xi32, #tpu.memory_space<vmem>> -> memref<1x128xi32, #tpu.memory_space<vmem>>
          %dma_start3A_178 = tpu.memref_squeeze %dma_start3A_177 : memref<1x128xi32, #tpu.memory_space<vmem>> -> memref<128xi32, #tpu.memory_space<vmem>>
          %dma_start3A_179 = arith.constant 0 : i32
          %dma_start3A_180 = arith.constant 0 : i32
          %dma_start3A_181 = tpu.memref_slice %arg9[%dma_start3A_179, %dma_start3A_180] : memref<10240x128xf32, #tpu.memory_space<vmem_shared>> -> memref<10240x128xf32, #tpu.memory_space<vmem_shared>>
          tpu.enqueue_indirect_dma source(%dma_start3A_175 : memref<128x128xf32, #tpu.memory_space<vmem>>) target(%dma_start3A_181 : memref<10240x128xf32, #tpu.memory_space<vmem_shared>>) offsets(%dma_start3A_178 : memref<128xi32, #tpu.memory_space<vmem>>) semaphore(%run_scoped3A_171 : memref<!tpu.dma_semaphore, #tpu.memory_space<semaphore_mem>>) {add = true}
          %dma_wait3A_182 = arith.constant 0 : i32
          %dma_wait3A_183 = arith.constant 0 : i32
          %dma_wait3A_184 = tpu.memref_slice %arg8[%cond3A_37, %dma_wait3A_182, %dma_wait3A_183] : memref<2x128x128xf32, #tpu.memory_space<vmem>> -> memref<1x128x128xf32, #tpu.memory_space<vmem>>
          %dma_wait3A_185 = tpu.memref_squeeze %dma_wait3A_184 : memref<1x128x128xf32, #tpu.memory_space<vmem>> -> memref<128x128xf32, #tpu.memory_space<vmem>>
          %dma_wait3A_186 = arith.constant 0 : i32
          %dma_wait3A_187 = tpu.memref_slice %arg7[%add3A_143, %dma_wait3A_186] : memref<40x128xi32, #tpu.memory_space<vmem>> -> memref<1x128xi32, #tpu.memory_space<vmem>>
          %dma_wait3A_188 = tpu.memref_squeeze %dma_wait3A_187 : memref<1x128xi32, #tpu.memory_space<vmem>> -> memref<128xi32, #tpu.memory_space<vmem>>
          %dma_wait3A_189 = arith.constant 0 : i32
          %dma_wait3A_190 = arith.constant 0 : i32
          %dma_wait3A_191 = tpu.memref_slice %arg9[%dma_wait3A_189, %dma_wait3A_190] : memref<10240x128xf32, #tpu.memory_space<vmem_shared>> -> memref<10240x128xf32, #tpu.memory_space<vmem_shared>>
          tpu.wait_indirect_dma semaphore(%run_scoped3A_171 : memref<!tpu.dma_semaphore, #tpu.memory_space<semaphore_mem>>) src(%dma_wait3A_185 : memref<128x128xf32, #tpu.memory_space<vmem>>) dst(%dma_wait3A_191 : memref<10240x128xf32, #tpu.memory_space<vmem_shared>>)
          tpu.yield
        }) : () -> ()
        %add3A_158 = arith.constant 2 : i32
        %add3A_159 = arith.addi %add3A_143, %add3A_158 : i32
        %dma_start3A_160 = arith.constant 0 : i32
        %dma_start3A_161 = arith.constant 0 : i32
        %dma_start3A_162 = tpu.memref_slice %arg8[%cond3A_37, %dma_start3A_160, %dma_start3A_161] : memref<2x128x128xf32, #tpu.memory_space<vmem>> -> memref<1x128x128xf32, #tpu.memory_space<vmem>>
        %dma_start3A_163 = tpu.memref_squeeze %dma_start3A_162 : memref<1x128x128xf32, #tpu.memory_space<vmem>> -> memref<128x128xf32, #tpu.memory_space<vmem>>
        %dma_start3A_164 = arith.constant 0 : i32
        %dma_start3A_165 = tpu.memref_slice %arg6[%add3A_159, %dma_start3A_164] : memref<40x128xi32, #tpu.memory_space<vmem>> -> memref<1x128xi32, #tpu.memory_space<vmem>>
        %dma_start3A_166 = tpu.memref_squeeze %dma_start3A_165 : memref<1x128xi32, #tpu.memory_space<vmem>> -> memref<128xi32, #tpu.memory_space<vmem>>
        %dma_start3A_167 = arith.constant 0 : i32
        %dma_start3A_168 = arith.constant 0 : i32
        %dma_start3A_169 = tpu.memref_slice %arg2[%dma_start3A_167, %dma_start3A_168] : memref<10240x128xf32, #tpu.memory_space<hbm>> -> memref<10240x128xf32, #tpu.memory_space<hbm>>
        tpu.enqueue_indirect_dma source(%dma_start3A_169 : memref<10240x128xf32, #tpu.memory_space<hbm>>) target(%dma_start3A_163 : memref<128x128xf32, #tpu.memory_space<vmem>>) offsets(%dma_start3A_166 : memref<128xi32, #tpu.memory_space<vmem>>) semaphore(%arg11 : memref<!tpu.dma_semaphore, #tpu.memory_space<semaphore_mem>>)
        %scan3A_170 = arith.constant 0 : i32
        scf.yield %scan3A_170 : i32
      }
      %scan3A_78 = arith.constant 7 : i32
      %dma_wait3A = arith.constant 0 : i32
      %dma_wait3A_79 = arith.constant 0 : i32
      %dma_wait3A_80 = tpu.memref_slice %arg8[%cond3A_36, %dma_wait3A, %dma_wait3A_79] : memref<2x128x128xf32, #tpu.memory_space<vmem>> -> memref<1x128x128xf32, #tpu.memory_space<vmem>>
      %dma_wait3A_81 = tpu.memref_squeeze %dma_wait3A_80 : memref<1x128x128xf32, #tpu.memory_space<vmem>> -> memref<128x128xf32, #tpu.memory_space<vmem>>
      %dma_wait3A_82 = arith.constant 0 : i32
      %dma_wait3A_83 = arith.constant 0 : i32
      %dma_wait3A_84 = tpu.memref_slice %arg2[%dma_wait3A_82, %dma_wait3A_83] : memref<10240x128xf32, #tpu.memory_space<hbm>> -> memref<128x128xf32, #tpu.memory_space<hbm>>
      %dma_wait3A_85 = arith.constant 0 : i32
      %dma_wait3A_86 = arith.constant 0 : i32
      %dma_wait3A_87 = tpu.memref_slice %arg8[%cond3A_36, %dma_wait3A_85, %dma_wait3A_86] : memref<2x128x128xf32, #tpu.memory_space<vmem>> -> memref<1x128x128xf32, #tpu.memory_space<vmem>>
      %dma_wait3A_88 = tpu.memref_squeeze %dma_wait3A_87 : memref<1x128x128xf32, #tpu.memory_space<vmem>> -> memref<128x128xf32, #tpu.memory_space<vmem>>
      %dma_wait3A_89 = arith.constant 0 : i32
      %dma_wait3A_90 = arith.constant 0 : i32
      %dma_wait3A_91 = tpu.memref_slice %arg2[%dma_wait3A_89, %dma_wait3A_90] : memref<10240x128xf32, #tpu.memory_space<hbm>> -> memref<128x128xf32, #tpu.memory_space<hbm>>
      tpu.wait_dma2 semaphore(%arg10 : memref<!tpu.dma_semaphore, #tpu.memory_space<semaphore_mem>>) src(%dma_wait3A_91 : memref<128x128xf32, #tpu.memory_space<hbm>>) dst(%dma_wait3A_88 : memref<128x128xf32, #tpu.memory_space<vmem>>)
      %run_scoped3A_92 = arith.constant 14 : i32
      "tpu.region"() ({
        %run_scoped3A_108 = tpu.sem_alloc : memref<!tpu.dma_semaphore, #tpu.memory_space<semaphore_mem>>
        %dma_start3A_109 = arith.constant 0 : i32
        %dma_start3A_110 = arith.constant 0 : i32
        %dma_start3A_111 = tpu.memref_slice %arg8[%cond3A_36, %dma_start3A_109, %dma_start3A_110] : memref<2x128x128xf32, #tpu.memory_space<vmem>> -> memref<1x128x128xf32, #tpu.memory_space<vmem>>
        %dma_start3A_112 = tpu.memref_squeeze %dma_start3A_111 : memref<1x128x128xf32, #tpu.memory_space<vmem>> -> memref<128x128xf32, #tpu.memory_space<vmem>>
        %dma_start3A_113 = arith.constant 0 : i32
        %dma_start3A_114 = tpu.memref_slice %arg7[%run_scoped3A_92, %dma_start3A_113] : memref<40x128xi32, #tpu.memory_space<vmem>> -> memref<1x128xi32, #tpu.memory_space<vmem>>
        %dma_start3A_115 = tpu.memref_squeeze %dma_start3A_114 : memref<1x128xi32, #tpu.memory_space<vmem>> -> memref<128xi32, #tpu.memory_space<vmem>>
        %dma_start3A_116 = arith.constant 0 : i32
        %dma_start3A_117 = arith.constant 0 : i32
        %dma_start3A_118 = tpu.memref_slice %arg9[%dma_start3A_116, %dma_start3A_117] : memref<10240x128xf32, #tpu.memory_space<vmem_shared>> -> memref<10240x128xf32, #tpu.memory_space<vmem_shared>>
        tpu.enqueue_indirect_dma source(%dma_start3A_112 : memref<128x128xf32, #tpu.memory_space<vmem>>) target(%dma_start3A_118 : memref<10240x128xf32, #tpu.memory_space<vmem_shared>>) offsets(%dma_start3A_115 : memref<128xi32, #tpu.memory_space<vmem>>) semaphore(%run_scoped3A_108 : memref<!tpu.dma_semaphore, #tpu.memory_space<semaphore_mem>>) {add = true}
        %dma_wait3A_119 = arith.constant 0 : i32
        %dma_wait3A_120 = arith.constant 0 : i32
        %dma_wait3A_121 = tpu.memref_slice %arg8[%cond3A_36, %dma_wait3A_119, %dma_wait3A_120] : memref<2x128x128xf32, #tpu.memory_space<vmem>> -> memref<1x128x128xf32, #tpu.memory_space<vmem>>
        %dma_wait3A_122 = tpu.memref_squeeze %dma_wait3A_121 : memref<1x128x128xf32, #tpu.memory_space<vmem>> -> memref<128x128xf32, #tpu.memory_space<vmem>>
        %dma_wait3A_123 = arith.constant 0 : i32
        %dma_wait3A_124 = tpu.memref_slice %arg7[%run_scoped3A_92, %dma_wait3A_123] : memref<40x128xi32, #tpu.memory_space<vmem>> -> memref<1x128xi32, #tpu.memory_space<vmem>>
        %dma_wait3A_125 = tpu.memref_squeeze %dma_wait3A_124 : memref<1x128xi32, #tpu.memory_space<vmem>> -> memref<128xi32, #tpu.memory_space<vmem>>
        %dma_wait3A_126 = arith.constant 0 : i32
        %dma_wait3A_127 = arith.constant 0 : i32
        %dma_wait3A_128 = tpu.memref_slice %arg9[%dma_wait3A_126, %dma_wait3A_127] : memref<10240x128xf32, #tpu.memory_space<vmem_shared>> -> memref<10240x128xf32, #tpu.memory_space<vmem_shared>>
        tpu.wait_indirect_dma semaphore(%run_scoped3A_108 : memref<!tpu.dma_semaphore, #tpu.memory_space<semaphore_mem>>) src(%dma_wait3A_122 : memref<128x128xf32, #tpu.memory_space<vmem>>) dst(%dma_wait3A_128 : memref<10240x128xf32, #tpu.memory_space<vmem_shared>>)
        tpu.yield
      }) : () -> ()
      %dma_wait3A_93 = arith.constant 0 : i32
      %dma_wait3A_94 = arith.constant 0 : i32
      %dma_wait3A_95 = tpu.memref_slice %arg8[%cond3A_37, %dma_wait3A_93, %dma_wait3A_94] : memref<2x128x128xf32, #tpu.memory_space<vmem>> -> memref<1x128x128xf32, #tpu.memory_space<vmem>>
      %dma_wait3A_96 = tpu.memref_squeeze %dma_wait3A_95 : memref<1x128x128xf32, #tpu.memory_space<vmem>> -> memref<128x128xf32, #tpu.memory_space<vmem>>
      %dma_wait3A_97 = arith.constant 0 : i32
      %dma_wait3A_98 = arith.constant 0 : i32
      %dma_wait3A_99 = tpu.memref_slice %arg2[%dma_wait3A_97, %dma_wait3A_98] : memref<10240x128xf32, #tpu.memory_space<hbm>> -> memref<128x128xf32, #tpu.memory_space<hbm>>
      %dma_wait3A_100 = arith.constant 0 : i32
      %dma_wait3A_101 = arith.constant 0 : i32
      %dma_wait3A_102 = tpu.memref_slice %arg8[%cond3A_37, %dma_wait3A_100, %dma_wait3A_101] : memref<2x128x128xf32, #tpu.memory_space<vmem>> -> memref<1x128x128xf32, #tpu.memory_space<vmem>>
      %dma_wait3A_103 = tpu.memref_squeeze %dma_wait3A_102 : memref<1x128x128xf32, #tpu.memory_space<vmem>> -> memref<128x128xf32, #tpu.memory_space<vmem>>
      %dma_wait3A_104 = arith.constant 0 : i32
      %dma_wait3A_105 = arith.constant 0 : i32
      %dma_wait3A_106 = tpu.memref_slice %arg2[%dma_wait3A_104, %dma_wait3A_105] : memref<10240x128xf32, #tpu.memory_space<hbm>> -> memref<128x128xf32, #tpu.memory_space<hbm>>
      tpu.wait_dma2 semaphore(%arg11 : memref<!tpu.dma_semaphore, #tpu.memory_space<semaphore_mem>>) src(%dma_wait3A_106 : memref<128x128xf32, #tpu.memory_space<hbm>>) dst(%dma_wait3A_103 : memref<128x128xf32, #tpu.memory_space<vmem>>)
      %run_scoped3A_107 = arith.constant 15 : i32
      "tpu.region"() ({
        %run_scoped3A_108 = tpu.sem_alloc : memref<!tpu.dma_semaphore, #tpu.memory_space<semaphore_mem>>
        %dma_start3A_109 = arith.constant 0 : i32
        %dma_start3A_110 = arith.constant 0 : i32
        %dma_start3A_111 = tpu.memref_slice %arg8[%cond3A_37, %dma_start3A_109, %dma_start3A_110] : memref<2x128x128xf32, #tpu.memory_space<vmem>> -> memref<1x128x128xf32, #tpu.memory_space<vmem>>
        %dma_start3A_112 = tpu.memref_squeeze %dma_start3A_111 : memref<1x128x128xf32, #tpu.memory_space<vmem>> -> memref<128x128xf32, #tpu.memory_space<vmem>>
        %dma_start3A_113 = arith.constant 0 : i32
        %dma_start3A_114 = tpu.memref_slice %arg7[%run_scoped3A_107, %dma_start3A_113] : memref<40x128xi32, #tpu.memory_space<vmem>> -> memref<1x128xi32, #tpu.memory_space<vmem>>
        %dma_start3A_115 = tpu.memref_squeeze %dma_start3A_114 : memref<1x128xi32, #tpu.memory_space<vmem>> -> memref<128xi32, #tpu.memory_space<vmem>>
        %dma_start3A_116 = arith.constant 0 : i32
        %dma_start3A_117 = arith.constant 0 : i32
        %dma_start3A_118 = tpu.memref_slice %arg9[%dma_start3A_116, %dma_start3A_117] : memref<10240x128xf32, #tpu.memory_space<vmem_shared>> -> memref<10240x128xf32, #tpu.memory_space<vmem_shared>>
        tpu.enqueue_indirect_dma source(%dma_start3A_112 : memref<128x128xf32, #tpu.memory_space<vmem>>) target(%dma_start3A_118 : memref<10240x128xf32, #tpu.memory_space<vmem_shared>>) offsets(%dma_start3A_115 : memref<128xi32, #tpu.memory_space<vmem>>) semaphore(%run_scoped3A_108 : memref<!tpu.dma_semaphore, #tpu.memory_space<semaphore_mem>>) {add = true}
        %dma_wait3A_119 = arith.constant 0 : i32
        %dma_wait3A_120 = arith.constant 0 : i32
        %dma_wait3A_121 = tpu.memref_slice %arg8[%cond3A_37, %dma_wait3A_119, %dma_wait3A_120] : memref<2x128x128xf32, #tpu.memory_space<vmem>> -> memref<1x128x128xf32, #tpu.memory_space<vmem>>
        %dma_wait3A_122 = tpu.memref_squeeze %dma_wait3A_121 : memref<1x128x128xf32, #tpu.memory_space<vmem>> -> memref<128x128xf32, #tpu.memory_space<vmem>>
        %dma_wait3A_123 = arith.constant 0 : i32
        %dma_wait3A_124 = tpu.memref_slice %arg7[%run_scoped3A_107, %dma_wait3A_123] : memref<40x128xi32, #tpu.memory_space<vmem>> -> memref<1x128xi32, #tpu.memory_space<vmem>>
        %dma_wait3A_125 = tpu.memref_squeeze %dma_wait3A_124 : memref<1x128xi32, #tpu.memory_space<vmem>> -> memref<128xi32, #tpu.memory_space<vmem>>
        %dma_wait3A_126 = arith.constant 0 : i32
        %dma_wait3A_127 = arith.constant 0 : i32
        %dma_wait3A_128 = tpu.memref_slice %arg9[%dma_wait3A_126, %dma_wait3A_127] : memref<10240x128xf32, #tpu.memory_space<vmem_shared>> -> memref<10240x128xf32, #tpu.memory_space<vmem_shared>>
        tpu.wait_indirect_dma semaphore(%run_scoped3A_108 : memref<!tpu.dma_semaphore, #tpu.memory_space<semaphore_mem>>) src(%dma_wait3A_122 : memref<128x128xf32, #tpu.memory_space<vmem>>) dst(%dma_wait3A_128 : memref<10240x128xf32, #tpu.memory_space<vmem_shared>>)
        tpu.yield
      }) : () -> ()
    } else {
    }
    %barrier3A_40 = arith.constant 0 : index
    tpu.barrier barrier_id(%barrier3A_40)
    %mul3A_41 = arith.constant 640 : i32
    %mul3A_42 = arith.muli %arg1, %mul3A_41 : i32
    %mul3A_43 = arith.constant 640 : i32
    %mul3A_44 = arith.muli %arg1, %mul3A_43 : i32
    "tpu.region"() ({
      %run_scoped3A_45 = tpu.sem_alloc : memref<!tpu.dma_semaphore, #tpu.memory_space<semaphore_mem>>
      %dma_start3A = arith.constant 0 : i32
      %dma_start3A_46 = tpu.memref_slice %arg5[%arg0, %mul3A_44, %dma_start3A] : memref<2x10240x128xf32, #tpu.memory_space<hbm>> -> memref<1x640x128xf32, #tpu.memory_space<hbm>>
      %dma_start3A_47 = tpu.memref_squeeze %dma_start3A_46 : memref<1x640x128xf32, #tpu.memory_space<hbm>> -> memref<640x128xf32, #tpu.memory_space<hbm>>
      %dma_start3A_48 = arith.constant 0 : i32
      %dma_start3A_49 = tpu.memref_slice %arg9[%mul3A_42, %dma_start3A_48] : memref<10240x128xf32, #tpu.memory_space<vmem_shared>> -> memref<640x128xf32, #tpu.memory_space<vmem_shared>>
      tpu.enqueue_dma source(%dma_start3A_49 : memref<640x128xf32, #tpu.memory_space<vmem_shared>>) target(%dma_start3A_47 : memref<640x128xf32, #tpu.memory_space<hbm>>) target_semaphore(%run_scoped3A_45 : memref<!tpu.dma_semaphore, #tpu.memory_space<semaphore_mem>>)
      %dma_wait3A = arith.constant 0 : i32
      %dma_wait3A_50 = tpu.memref_slice %arg5[%arg0, %mul3A_44, %dma_wait3A] : memref<2x10240x128xf32, #tpu.memory_space<hbm>> -> memref<1x640x128xf32, #tpu.memory_space<hbm>>
      %dma_wait3A_51 = tpu.memref_squeeze %dma_wait3A_50 : memref<1x640x128xf32, #tpu.memory_space<hbm>> -> memref<640x128xf32, #tpu.memory_space<hbm>>
      %dma_wait3A_52 = arith.constant 0 : i32
      %dma_wait3A_53 = tpu.memref_slice %arg9[%mul3A_42, %dma_wait3A_52] : memref<10240x128xf32, #tpu.memory_space<vmem_shared>> -> memref<640x128xf32, #tpu.memory_space<vmem_shared>>
      tpu.wait_dma2 semaphore(%run_scoped3A_45 : memref<!tpu.dma_semaphore, #tpu.memory_space<semaphore_mem>>) src(%dma_wait3A_53 : memref<640x128xf32, #tpu.memory_space<vmem_shared>>) dst(%dma_wait3A_51 : memref<640x128xf32, #tpu.memory_space<hbm>>)
      tpu.yield
    }) : () -> ()
    return
  }
}

#map = affine_map<(d0, d1) -> (0, 0)>
#map1 = affine_map<(d0, d1) -> (0, 0, 0)>
module attributes {stable_mosaic.version = 14 : i64} {
  func.func @_deg_body(%arg0: i32, %arg1: i32, %arg2: memref<2560x128xi32, #tpu.memory_space<hbm>>, %arg3: memref<2560x128xi32, #tpu.memory_space<hbm>>, %arg4: memref<2x32x10240xf32, #tpu.memory_space<hbm>>, %arg5: memref<96x128xi32, #tpu.memory_space<vmem>>, %arg6: memref<10240xf32, #tpu.memory_space<vmem>>) attributes {dimension_semantics = [#tpu.dimension_semantics<core_parallel>, #tpu.dimension_semantics<subcore_parallel>], iteration_bounds = array<i64: 2, 16>, scalar_prefetch = 0 : i64, scratch_operands = 2 : i64, tpu.core_type = #tpu.core_type<sc_vector_subcore>, window_params = [{transform_indices = #map}, {transform_indices = #map}, {transform_indices = #map1}]} {
    %mul3A = arith.constant 16 : i32
    %mul3A_0 = arith.muli %arg0, %mul3A : i32
    %add3A = arith.addi %mul3A_0, %arg1 : i32
    %broadcast_in_dim3A = arith.constant 1.000000e+00 : f32
    %broadcast_in_dim3A_1 = vector.broadcast %broadcast_in_dim3A : f32 to vector<16xf32>
    %broadcast_in_dim3A_2 = arith.constant 0.000000e+00 : f32
    %broadcast_in_dim3A_3 = vector.broadcast %broadcast_in_dim3A_2 : f32 to vector<16xf32>
    %scan3A = arith.constant 0 : i32
    %scan3A_4 = arith.constant 0 : i32
    %scan3A_5 = arith.constant 80 : i32
    %scan3A_6 = arith.addi %scan3A_4, %scan3A_5 : i32
    %scan3A_7 = arith.constant 1 : i32
    %scan3A_8 = scf.for %scan3A_35 = %scan3A_4 to %scan3A_6 step %scan3A_7 iter_args(%scan3A_36 = %scan3A) -> (i32)  : i32 {
      %mul3A_37 = arith.constant 128 : i32
      %mul3A_38 = arith.muli %scan3A_35, %mul3A_37 : i32
      %add3A_39 = arith.constant 0 : i32
      %add3A_40 = arith.addi %mul3A_38, %add3A_39 : i32
      %swap3A = arith.index_cast %add3A_40 : i32 to index
      %swap3A_41 = tpu.vector_load %arg6[%swap3A] {strides = array<i32>} : memref<10240xf32, #tpu.memory_space<vmem>>, vector<16xf32>,
      tpu.vector_store %arg6[%swap3A], %broadcast_in_dim3A_3 {strides = array<i32>} : memref<10240xf32, #tpu.memory_space<vmem>>, vector<16xf32>,
      %mul3A_42 = arith.constant 128 : i32
      %mul3A_43 = arith.muli %scan3A_35, %mul3A_42 : i32
      %add3A_44 = arith.constant 16 : i32
      %add3A_45 = arith.addi %mul3A_43, %add3A_44 : i32
      %swap3A_46 = arith.index_cast %add3A_45 : i32 to index
      %swap3A_47 = tpu.vector_load %arg6[%swap3A_46] {strides = array<i32>} : memref<10240xf32, #tpu.memory_space<vmem>>, vector<16xf32>,
      tpu.vector_store %arg6[%swap3A_46], %broadcast_in_dim3A_3 {strides = array<i32>} : memref<10240xf32, #tpu.memory_space<vmem>>, vector<16xf32>,
      %mul3A_48 = arith.constant 128 : i32
      %mul3A_49 = arith.muli %scan3A_35, %mul3A_48 : i32
      %add3A_50 = arith.constant 32 : i32
      %add3A_51 = arith.addi %mul3A_49, %add3A_50 : i32
      %swap3A_52 = arith.index_cast %add3A_51 : i32 to index
      %swap3A_53 = tpu.vector_load %arg6[%swap3A_52] {strides = array<i32>} : memref<10240xf32, #tpu.memory_space<vmem>>, vector<16xf32>,
      tpu.vector_store %arg6[%swap3A_52], %broadcast_in_dim3A_3 {strides = array<i32>} : memref<10240xf32, #tpu.memory_space<vmem>>, vector<16xf32>,
      %mul3A_54 = arith.constant 128 : i32
      %mul3A_55 = arith.muli %scan3A_35, %mul3A_54 : i32
      %add3A_56 = arith.constant 48 : i32
      %add3A_57 = arith.addi %mul3A_55, %add3A_56 : i32
      %swap3A_58 = arith.index_cast %add3A_57 : i32 to index
      %swap3A_59 = tpu.vector_load %arg6[%swap3A_58] {strides = array<i32>} : memref<10240xf32, #tpu.memory_space<vmem>>, vector<16xf32>,
      tpu.vector_store %arg6[%swap3A_58], %broadcast_in_dim3A_3 {strides = array<i32>} : memref<10240xf32, #tpu.memory_space<vmem>>, vector<16xf32>,
      %mul3A_60 = arith.constant 128 : i32
      %mul3A_61 = arith.muli %scan3A_35, %mul3A_60 : i32
      %add3A_62 = arith.constant 64 : i32
      %add3A_63 = arith.addi %mul3A_61, %add3A_62 : i32
      %swap3A_64 = arith.index_cast %add3A_63 : i32 to index
      %swap3A_65 = tpu.vector_load %arg6[%swap3A_64] {strides = array<i32>} : memref<10240xf32, #tpu.memory_space<vmem>>, vector<16xf32>,
      tpu.vector_store %arg6[%swap3A_64], %broadcast_in_dim3A_3 {strides = array<i32>} : memref<10240xf32, #tpu.memory_space<vmem>>, vector<16xf32>,
      %mul3A_66 = arith.constant 128 : i32
      %mul3A_67 = arith.muli %scan3A_35, %mul3A_66 : i32
      %add3A_68 = arith.constant 80 : i32
      %add3A_69 = arith.addi %mul3A_67, %add3A_68 : i32
      %swap3A_70 = arith.index_cast %add3A_69 : i32 to index
      %swap3A_71 = tpu.vector_load %arg6[%swap3A_70] {strides = array<i32>} : memref<10240xf32, #tpu.memory_space<vmem>>, vector<16xf32>,
      tpu.vector_store %arg6[%swap3A_70], %broadcast_in_dim3A_3 {strides = array<i32>} : memref<10240xf32, #tpu.memory_space<vmem>>, vector<16xf32>,
      %mul3A_72 = arith.constant 128 : i32
      %mul3A_73 = arith.muli %scan3A_35, %mul3A_72 : i32
      %add3A_74 = arith.constant 96 : i32
      %add3A_75 = arith.addi %mul3A_73, %add3A_74 : i32
      %swap3A_76 = arith.index_cast %add3A_75 : i32 to index
      %swap3A_77 = tpu.vector_load %arg6[%swap3A_76] {strides = array<i32>} : memref<10240xf32, #tpu.memory_space<vmem>>, vector<16xf32>,
      tpu.vector_store %arg6[%swap3A_76], %broadcast_in_dim3A_3 {strides = array<i32>} : memref<10240xf32, #tpu.memory_space<vmem>>, vector<16xf32>,
      %mul3A_78 = arith.constant 128 : i32
      %mul3A_79 = arith.muli %scan3A_35, %mul3A_78 : i32
      %add3A_80 = arith.constant 112 : i32
      %add3A_81 = arith.addi %mul3A_79, %add3A_80 : i32
      %swap3A_82 = arith.index_cast %add3A_81 : i32 to index
      %swap3A_83 = tpu.vector_load %arg6[%swap3A_82] {strides = array<i32>} : memref<10240xf32, #tpu.memory_space<vmem>>, vector<16xf32>,
      tpu.vector_store %arg6[%swap3A_82], %broadcast_in_dim3A_3 {strides = array<i32>} : memref<10240xf32, #tpu.memory_space<vmem>>, vector<16xf32>,
      %scan3A_84 = arith.constant 0 : i32
      scf.yield %scan3A_84 : i32
    }
    %scan3A_9 = arith.constant 80 : i32
    %eq3A = arith.constant 0 : i32
    %eq3A_10 = arith.cmpi eq, %arg0, %eq3A : i32
    %convert_element_type3A = arith.extui %eq3A_10 : i1 to i32
    %cond3A = arith.constant 0 : i32
    %cond3A_11 = arith.cmpi ne, %convert_element_type3A, %cond3A : i32
    scf.if %cond3A_11 {
      %mul3A_35 = arith.constant 96 : i32
      %mul3A_36 = arith.muli %arg1, %mul3A_35 : i32
      "tpu.region"() ({
        %run_scoped3A_44 = tpu.sem_alloc : memref<!tpu.dma_semaphore, #tpu.memory_space<semaphore_mem>>
        %dma_start3A = arith.constant 0 : i32
        %dma_start3A_45 = tpu.memref_slice %arg2[%mul3A_36, %dma_start3A] : memref<2560x128xi32, #tpu.memory_space<hbm>> -> memref<96x128xi32, #tpu.memory_space<hbm>>
        %dma_start3A_46 = arith.constant 0 : i32
        %dma_start3A_47 = tpu.memref_slice %arg2[%mul3A_36, %dma_start3A_46] : memref<2560x128xi32, #tpu.memory_space<hbm>> -> memref<96x128xi32, #tpu.memory_space<hbm>>
        tpu.enqueue_dma source(%dma_start3A_47 : memref<96x128xi32, #tpu.memory_space<hbm>>) target(%arg5 : memref<96x128xi32, #tpu.memory_space<vmem>>) target_semaphore(%run_scoped3A_44 : memref<!tpu.dma_semaphore, #tpu.memory_space<semaphore_mem>>)
        %dma_wait3A = arith.constant 0 : i32
        %dma_wait3A_48 = tpu.memref_slice %arg2[%mul3A_36, %dma_wait3A] : memref<2560x128xi32, #tpu.memory_space<hbm>> -> memref<96x128xi32, #tpu.memory_space<hbm>>
        %dma_wait3A_49 = arith.constant 0 : i32
        %dma_wait3A_50 = tpu.memref_slice %arg2[%mul3A_36, %dma_wait3A_49] : memref<2560x128xi32, #tpu.memory_space<hbm>> -> memref<96x128xi32, #tpu.memory_space<hbm>>
        tpu.wait_dma2 semaphore(%run_scoped3A_44 : memref<!tpu.dma_semaphore, #tpu.memory_space<semaphore_mem>>) src(%dma_wait3A_50 : memref<96x128xi32, #tpu.memory_space<hbm>>) dst(%arg5 : memref<96x128xi32, #tpu.memory_space<vmem>>)
        tpu.yield
      }) : () -> ()
      %scan3A_37 = arith.constant 0 : i32
      %scan3A_38 = arith.constant 0 : i32
      %scan3A_39 = arith.constant 96 : i32
      %scan3A_40 = arith.addi %scan3A_38, %scan3A_39 : i32
      %scan3A_41 = arith.constant 1 : i32
      %scan3A_42 = scf.for %scan3A_44 = %scan3A_38 to %scan3A_40 step %scan3A_41 iter_args(%scan3A_45 = %scan3A_37) -> (i32)  : i32 {
        %get3A = arith.index_cast %scan3A_44 : i32 to index
        %get3A_46 = arith.constant 0 : index
        %get3A_47 = tpu.vector_load %arg5[%get3A, %get3A_46] {strides = array<i32>} : memref<96x128xi32, #tpu.memory_space<vmem>>, vector<16xi32>,
        tpu.vector_store_idx %arg6[%get3A_47], %broadcast_in_dim3A_1 {add = true} : memref<10240xf32, #tpu.memory_space<vmem>>[vector<16xi32>], vector<16xf32>,
        %get3A_48 = arith.index_cast %scan3A_44 : i32 to index
        %get3A_49 = arith.constant 16 : index
        %get3A_50 = tpu.vector_load %arg5[%get3A_48, %get3A_49] {strides = array<i32>} : memref<96x128xi32, #tpu.memory_space<vmem>>, vector<16xi32>,
        tpu.vector_store_idx %arg6[%get3A_50], %broadcast_in_dim3A_1 {add = true} : memref<10240xf32, #tpu.memory_space<vmem>>[vector<16xi32>], vector<16xf32>,
        %get3A_51 = arith.index_cast %scan3A_44 : i32 to index
        %get3A_52 = arith.constant 32 : index
        %get3A_53 = tpu.vector_load %arg5[%get3A_51, %get3A_52] {strides = array<i32>} : memref<96x128xi32, #tpu.memory_space<vmem>>, vector<16xi32>,
        tpu.vector_store_idx %arg6[%get3A_53], %broadcast_in_dim3A_1 {add = true} : memref<10240xf32, #tpu.memory_space<vmem>>[vector<16xi32>], vector<16xf32>,
        %get3A_54 = arith.index_cast %scan3A_44 : i32 to index
        %get3A_55 = arith.constant 48 : index
        %get3A_56 = tpu.vector_load %arg5[%get3A_54, %get3A_55] {strides = array<i32>} : memref<96x128xi32, #tpu.memory_space<vmem>>, vector<16xi32>,
        tpu.vector_store_idx %arg6[%get3A_56], %broadcast_in_dim3A_1 {add = true} : memref<10240xf32, #tpu.memory_space<vmem>>[vector<16xi32>], vector<16xf32>,
        %get3A_57 = arith.index_cast %scan3A_44 : i32 to index
        %get3A_58 = arith.constant 64 : index
        %get3A_59 = tpu.vector_load %arg5[%get3A_57, %get3A_58] {strides = array<i32>} : memref<96x128xi32, #tpu.memory_space<vmem>>, vector<16xi32>,
        tpu.vector_store_idx %arg6[%get3A_59], %broadcast_in_dim3A_1 {add = true} : memref<10240xf32, #tpu.memory_space<vmem>>[vector<16xi32>], vector<16xf32>,
        %get3A_60 = arith.index_cast %scan3A_44 : i32 to index
        %get3A_61 = arith.constant 80 : index
        %get3A_62 = tpu.vector_load %arg5[%get3A_60, %get3A_61] {strides = array<i32>} : memref<96x128xi32, #tpu.memory_space<vmem>>, vector<16xi32>,
        tpu.vector_store_idx %arg6[%get3A_62], %broadcast_in_dim3A_1 {add = true} : memref<10240xf32, #tpu.memory_space<vmem>>[vector<16xi32>], vector<16xf32>,
        %get3A_63 = arith.index_cast %scan3A_44 : i32 to index
        %get3A_64 = arith.constant 96 : index
        %get3A_65 = tpu.vector_load %arg5[%get3A_63, %get3A_64] {strides = array<i32>} : memref<96x128xi32, #tpu.memory_space<vmem>>, vector<16xi32>,
        tpu.vector_store_idx %arg6[%get3A_65], %broadcast_in_dim3A_1 {add = true} : memref<10240xf32, #tpu.memory_space<vmem>>[vector<16xi32>], vector<16xf32>,
        %get3A_66 = arith.index_cast %scan3A_44 : i32 to index
        %get3A_67 = arith.constant 112 : index
        %get3A_68 = tpu.vector_load %arg5[%get3A_66, %get3A_67] {strides = array<i32>} : memref<96x128xi32, #tpu.memory_space<vmem>>, vector<16xi32>,
        tpu.vector_store_idx %arg6[%get3A_68], %broadcast_in_dim3A_1 {add = true} : memref<10240xf32, #tpu.memory_space<vmem>>[vector<16xi32>], vector<16xf32>,
        %scan3A_69 = arith.constant 0 : i32
        scf.yield %scan3A_69 : i32
      }
      %scan3A_43 = arith.constant 96 : i32
    } else {
    }
    %eq3A_12 = arith.constant 1 : i32
    %eq3A_13 = arith.cmpi eq, %arg0, %eq3A_12 : i32
    %convert_element_type3A_14 = arith.extui %eq3A_13 : i1 to i32
    %cond3A_15 = arith.constant 0 : i32
    %cond3A_16 = arith.cmpi ne, %convert_element_type3A_14, %cond3A_15 : i32
    scf.if %cond3A_16 {
      %mul3A_35 = arith.constant 64 : i32
      %mul3A_36 = arith.muli %arg1, %mul3A_35 : i32
      %add3A_37 = arith.constant 1536 : i32
      %add3A_38 = arith.addi %add3A_37, %mul3A_36 : i32
      "tpu.region"() ({
        %run_scoped3A_46 = tpu.sem_alloc : memref<!tpu.dma_semaphore, #tpu.memory_space<semaphore_mem>>
        %dma_start3A = arith.constant 0 : i32
        %dma_start3A_47 = arith.constant 0 : i32
        %dma_start3A_48 = tpu.memref_slice %arg5[%dma_start3A, %dma_start3A_47] : memref<96x128xi32, #tpu.memory_space<vmem>> -> memref<64x128xi32, #tpu.memory_space<vmem>>
        %dma_start3A_49 = arith.constant 0 : i32
        %dma_start3A_50 = tpu.memref_slice %arg2[%add3A_38, %dma_start3A_49] : memref<2560x128xi32, #tpu.memory_space<hbm>> -> memref<64x128xi32, #tpu.memory_space<hbm>>
        %dma_start3A_51 = arith.constant 0 : i32
        %dma_start3A_52 = arith.constant 0 : i32
        %dma_start3A_53 = tpu.memref_slice %arg5[%dma_start3A_51, %dma_start3A_52] : memref<96x128xi32, #tpu.memory_space<vmem>> -> memref<64x128xi32, #tpu.memory_space<vmem>>
        %dma_start3A_54 = arith.constant 0 : i32
        %dma_start3A_55 = tpu.memref_slice %arg2[%add3A_38, %dma_start3A_54] : memref<2560x128xi32, #tpu.memory_space<hbm>> -> memref<64x128xi32, #tpu.memory_space<hbm>>
        tpu.enqueue_dma source(%dma_start3A_55 : memref<64x128xi32, #tpu.memory_space<hbm>>) target(%dma_start3A_53 : memref<64x128xi32, #tpu.memory_space<vmem>>) target_semaphore(%run_scoped3A_46 : memref<!tpu.dma_semaphore, #tpu.memory_space<semaphore_mem>>)
        %dma_wait3A = arith.constant 0 : i32
        %dma_wait3A_56 = arith.constant 0 : i32
        %dma_wait3A_57 = tpu.memref_slice %arg5[%dma_wait3A, %dma_wait3A_56] : memref<96x128xi32, #tpu.memory_space<vmem>> -> memref<64x128xi32, #tpu.memory_space<vmem>>
        %dma_wait3A_58 = arith.constant 0 : i32
        %dma_wait3A_59 = tpu.memref_slice %arg2[%add3A_38, %dma_wait3A_58] : memref<2560x128xi32, #tpu.memory_space<hbm>> -> memref<64x128xi32, #tpu.memory_space<hbm>>
        %dma_wait3A_60 = arith.constant 0 : i32
        %dma_wait3A_61 = arith.constant 0 : i32
        %dma_wait3A_62 = tpu.memref_slice %arg5[%dma_wait3A_60, %dma_wait3A_61] : memref<96x128xi32, #tpu.memory_space<vmem>> -> memref<64x128xi32, #tpu.memory_space<vmem>>
        %dma_wait3A_63 = arith.constant 0 : i32
        %dma_wait3A_64 = tpu.memref_slice %arg2[%add3A_38, %dma_wait3A_63] : memref<2560x128xi32, #tpu.memory_space<hbm>> -> memref<64x128xi32, #tpu.memory_space<hbm>>
        tpu.wait_dma2 semaphore(%run_scoped3A_46 : memref<!tpu.dma_semaphore, #tpu.memory_space<semaphore_mem>>) src(%dma_wait3A_64 : memref<64x128xi32, #tpu.memory_space<hbm>>) dst(%dma_wait3A_62 : memref<64x128xi32, #tpu.memory_space<vmem>>)
        tpu.yield
      }) : () -> ()
      %scan3A_39 = arith.constant 0 : i32
      %scan3A_40 = arith.constant 0 : i32
      %scan3A_41 = arith.constant 64 : i32
      %scan3A_42 = arith.addi %scan3A_40, %scan3A_41 : i32
      %scan3A_43 = arith.constant 1 : i32
      %scan3A_44 = scf.for %scan3A_46 = %scan3A_40 to %scan3A_42 step %scan3A_43 iter_args(%scan3A_47 = %scan3A_39) -> (i32)  : i32 {
        %get3A = arith.index_cast %scan3A_46 : i32 to index
        %get3A_48 = arith.constant 0 : index
        %get3A_49 = tpu.vector_load %arg5[%get3A, %get3A_48] {strides = array<i32>} : memref<96x128xi32, #tpu.memory_space<vmem>>, vector<16xi32>,
        tpu.vector_store_idx %arg6[%get3A_49], %broadcast_in_dim3A_1 {add = true} : memref<10240xf32, #tpu.memory_space<vmem>>[vector<16xi32>], vector<16xf32>,
        %get3A_50 = arith.index_cast %scan3A_46 : i32 to index
        %get3A_51 = arith.constant 16 : index
        %get3A_52 = tpu.vector_load %arg5[%get3A_50, %get3A_51] {strides = array<i32>} : memref<96x128xi32, #tpu.memory_space<vmem>>, vector<16xi32>,
        tpu.vector_store_idx %arg6[%get3A_52], %broadcast_in_dim3A_1 {add = true} : memref<10240xf32, #tpu.memory_space<vmem>>[vector<16xi32>], vector<16xf32>,
        %get3A_53 = arith.index_cast %scan3A_46 : i32 to index
        %get3A_54 = arith.constant 32 : index
        %get3A_55 = tpu.vector_load %arg5[%get3A_53, %get3A_54] {strides = array<i32>} : memref<96x128xi32, #tpu.memory_space<vmem>>, vector<16xi32>,
        tpu.vector_store_idx %arg6[%get3A_55], %broadcast_in_dim3A_1 {add = true} : memref<10240xf32, #tpu.memory_space<vmem>>[vector<16xi32>], vector<16xf32>,
        %get3A_56 = arith.index_cast %scan3A_46 : i32 to index
        %get3A_57 = arith.constant 48 : index
        %get3A_58 = tpu.vector_load %arg5[%get3A_56, %get3A_57] {strides = array<i32>} : memref<96x128xi32, #tpu.memory_space<vmem>>, vector<16xi32>,
        tpu.vector_store_idx %arg6[%get3A_58], %broadcast_in_dim3A_1 {add = true} : memref<10240xf32, #tpu.memory_space<vmem>>[vector<16xi32>], vector<16xf32>,
        %get3A_59 = arith.index_cast %scan3A_46 : i32 to index
        %get3A_60 = arith.constant 64 : index
        %get3A_61 = tpu.vector_load %arg5[%get3A_59, %get3A_60] {strides = array<i32>} : memref<96x128xi32, #tpu.memory_space<vmem>>, vector<16xi32>,
        tpu.vector_store_idx %arg6[%get3A_61], %broadcast_in_dim3A_1 {add = true} : memref<10240xf32, #tpu.memory_space<vmem>>[vector<16xi32>], vector<16xf32>,
        %get3A_62 = arith.index_cast %scan3A_46 : i32 to index
        %get3A_63 = arith.constant 80 : index
        %get3A_64 = tpu.vector_load %arg5[%get3A_62, %get3A_63] {strides = array<i32>} : memref<96x128xi32, #tpu.memory_space<vmem>>, vector<16xi32>,
        tpu.vector_store_idx %arg6[%get3A_64], %broadcast_in_dim3A_1 {add = true} : memref<10240xf32, #tpu.memory_space<vmem>>[vector<16xi32>], vector<16xf32>,
        %get3A_65 = arith.index_cast %scan3A_46 : i32 to index
        %get3A_66 = arith.constant 96 : index
        %get3A_67 = tpu.vector_load %arg5[%get3A_65, %get3A_66] {strides = array<i32>} : memref<96x128xi32, #tpu.memory_space<vmem>>, vector<16xi32>,
        tpu.vector_store_idx %arg6[%get3A_67], %broadcast_in_dim3A_1 {add = true} : memref<10240xf32, #tpu.memory_space<vmem>>[vector<16xi32>], vector<16xf32>,
        %get3A_68 = arith.index_cast %scan3A_46 : i32 to index
        %get3A_69 = arith.constant 112 : index
        %get3A_70 = tpu.vector_load %arg5[%get3A_68, %get3A_69] {strides = array<i32>} : memref<96x128xi32, #tpu.memory_space<vmem>>, vector<16xi32>,
        tpu.vector_store_idx %arg6[%get3A_70], %broadcast_in_dim3A_1 {add = true} : memref<10240xf32, #tpu.memory_space<vmem>>[vector<16xi32>], vector<16xf32>,
        %scan3A_71 = arith.constant 0 : i32
        scf.yield %scan3A_71 : i32
      }
      %scan3A_45 = arith.constant 64 : i32
    } else {
    }
    %run_scoped3A = arith.constant 0 : i32
    "tpu.region"() ({
      %run_scoped3A_35 = tpu.sem_alloc : memref<!tpu.dma_semaphore, #tpu.memory_space<semaphore_mem>>
      %dma_start3A = arith.constant 0 : i32
      %dma_start3A_36 = tpu.memref_slice %arg4[%run_scoped3A, %add3A, %dma_start3A] : memref<2x32x10240xf32, #tpu.memory_space<hbm>> -> memref<1x1x10240xf32, #tpu.memory_space<hbm>>
      %dma_start3A_37 = tpu.memref_squeeze %dma_start3A_36 : memref<1x1x10240xf32, #tpu.memory_space<hbm>> -> memref<10240xf32, #tpu.memory_space<hbm>>
      %dma_start3A_38 = arith.constant 0 : i32
      %dma_start3A_39 = tpu.memref_slice %arg4[%run_scoped3A, %add3A, %dma_start3A_38] : memref<2x32x10240xf32, #tpu.memory_space<hbm>> -> memref<1x1x10240xf32, #tpu.memory_space<hbm>>
      %dma_start3A_40 = tpu.memref_squeeze %dma_start3A_39 : memref<1x1x10240xf32, #tpu.memory_space<hbm>> -> memref<10240xf32, #tpu.memory_space<hbm>>
      tpu.enqueue_dma source(%arg6 : memref<10240xf32, #tpu.memory_space<vmem>>) target(%dma_start3A_40 : memref<10240xf32, #tpu.memory_space<hbm>>) target_semaphore(%run_scoped3A_35 : memref<!tpu.dma_semaphore, #tpu.memory_space<semaphore_mem>>)
      %dma_wait3A = arith.constant 0 : i32
      %dma_wait3A_41 = tpu.memref_slice %arg4[%run_scoped3A, %add3A, %dma_wait3A] : memref<2x32x10240xf32, #tpu.memory_space<hbm>> -> memref<1x1x10240xf32, #tpu.memory_space<hbm>>
      %dma_wait3A_42 = tpu.memref_squeeze %dma_wait3A_41 : memref<1x1x10240xf32, #tpu.memory_space<hbm>> -> memref<10240xf32, #tpu.memory_space<hbm>>
      %dma_wait3A_43 = arith.constant 0 : i32
      %dma_wait3A_44 = tpu.memref_slice %arg4[%run_scoped3A, %add3A, %dma_wait3A_43] : memref<2x32x10240xf32, #tpu.memory_space<hbm>> -> memref<1x1x10240xf32, #tpu.memory_space<hbm>>
      %dma_wait3A_45 = tpu.memref_squeeze %dma_wait3A_44 : memref<1x1x10240xf32, #tpu.memory_space<hbm>> -> memref<10240xf32, #tpu.memory_space<hbm>>
      tpu.wait_dma2 semaphore(%run_scoped3A_35 : memref<!tpu.dma_semaphore, #tpu.memory_space<semaphore_mem>>) src(%arg6 : memref<10240xf32, #tpu.memory_space<vmem>>) dst(%dma_wait3A_45 : memref<10240xf32, #tpu.memory_space<hbm>>)
      tpu.yield
    }) : () -> ()
    %scan3A_17 = arith.constant 0 : i32
    %scan3A_18 = arith.constant 0 : i32
    %scan3A_19 = arith.constant 80 : i32
    %scan3A_20 = arith.addi %scan3A_18, %scan3A_19 : i32
    %scan3A_21 = arith.constant 1 : i32
    %scan3A_22 = scf.for %scan3A_35 = %scan3A_18 to %scan3A_20 step %scan3A_21 iter_args(%scan3A_36 = %scan3A_17) -> (i32)  : i32 {
      %mul3A_37 = arith.constant 128 : i32
      %mul3A_38 = arith.muli %scan3A_35, %mul3A_37 : i32
      %add3A_39 = arith.constant 0 : i32
      %add3A_40 = arith.addi %mul3A_38, %add3A_39 : i32
      %swap3A = arith.index_cast %add3A_40 : i32 to index
      %swap3A_41 = tpu.vector_load %arg6[%swap3A] {strides = array<i32>} : memref<10240xf32, #tpu.memory_space<vmem>>, vector<16xf32>,
      tpu.vector_store %arg6[%swap3A], %broadcast_in_dim3A_3 {strides = array<i32>} : memref<10240xf32, #tpu.memory_space<vmem>>, vector<16xf32>,
      %mul3A_42 = arith.constant 128 : i32
      %mul3A_43 = arith.muli %scan3A_35, %mul3A_42 : i32
      %add3A_44 = arith.constant 16 : i32
      %add3A_45 = arith.addi %mul3A_43, %add3A_44 : i32
      %swap3A_46 = arith.index_cast %add3A_45 : i32 to index
      %swap3A_47 = tpu.vector_load %arg6[%swap3A_46] {strides = array<i32>} : memref<10240xf32, #tpu.memory_space<vmem>>, vector<16xf32>,
      tpu.vector_store %arg6[%swap3A_46], %broadcast_in_dim3A_3 {strides = array<i32>} : memref<10240xf32, #tpu.memory_space<vmem>>, vector<16xf32>,
      %mul3A_48 = arith.constant 128 : i32
      %mul3A_49 = arith.muli %scan3A_35, %mul3A_48 : i32
      %add3A_50 = arith.constant 32 : i32
      %add3A_51 = arith.addi %mul3A_49, %add3A_50 : i32
      %swap3A_52 = arith.index_cast %add3A_51 : i32 to index
      %swap3A_53 = tpu.vector_load %arg6[%swap3A_52] {strides = array<i32>} : memref<10240xf32, #tpu.memory_space<vmem>>, vector<16xf32>,
      tpu.vector_store %arg6[%swap3A_52], %broadcast_in_dim3A_3 {strides = array<i32>} : memref<10240xf32, #tpu.memory_space<vmem>>, vector<16xf32>,
      %mul3A_54 = arith.constant 128 : i32
      %mul3A_55 = arith.muli %scan3A_35, %mul3A_54 : i32
      %add3A_56 = arith.constant 48 : i32
      %add3A_57 = arith.addi %mul3A_55, %add3A_56 : i32
      %swap3A_58 = arith.index_cast %add3A_57 : i32 to index
      %swap3A_59 = tpu.vector_load %arg6[%swap3A_58] {strides = array<i32>} : memref<10240xf32, #tpu.memory_space<vmem>>, vector<16xf32>,
      tpu.vector_store %arg6[%swap3A_58], %broadcast_in_dim3A_3 {strides = array<i32>} : memref<10240xf32, #tpu.memory_space<vmem>>, vector<16xf32>,
      %mul3A_60 = arith.constant 128 : i32
      %mul3A_61 = arith.muli %scan3A_35, %mul3A_60 : i32
      %add3A_62 = arith.constant 64 : i32
      %add3A_63 = arith.addi %mul3A_61, %add3A_62 : i32
      %swap3A_64 = arith.index_cast %add3A_63 : i32 to index
      %swap3A_65 = tpu.vector_load %arg6[%swap3A_64] {strides = array<i32>} : memref<10240xf32, #tpu.memory_space<vmem>>, vector<16xf32>,
      tpu.vector_store %arg6[%swap3A_64], %broadcast_in_dim3A_3 {strides = array<i32>} : memref<10240xf32, #tpu.memory_space<vmem>>, vector<16xf32>,
      %mul3A_66 = arith.constant 128 : i32
      %mul3A_67 = arith.muli %scan3A_35, %mul3A_66 : i32
      %add3A_68 = arith.constant 80 : i32
      %add3A_69 = arith.addi %mul3A_67, %add3A_68 : i32
      %swap3A_70 = arith.index_cast %add3A_69 : i32 to index
      %swap3A_71 = tpu.vector_load %arg6[%swap3A_70] {strides = array<i32>} : memref<10240xf32, #tpu.memory_space<vmem>>, vector<16xf32>,
      tpu.vector_store %arg6[%swap3A_70], %broadcast_in_dim3A_3 {strides = array<i32>} : memref<10240xf32, #tpu.memory_space<vmem>>, vector<16xf32>,
      %mul3A_72 = arith.constant 128 : i32
      %mul3A_73 = arith.muli %scan3A_35, %mul3A_72 : i32
      %add3A_74 = arith.constant 96 : i32
      %add3A_75 = arith.addi %mul3A_73, %add3A_74 : i32
      %swap3A_76 = arith.index_cast %add3A_75 : i32 to index
      %swap3A_77 = tpu.vector_load %arg6[%swap3A_76] {strides = array<i32>} : memref<10240xf32, #tpu.memory_space<vmem>>, vector<16xf32>,
      tpu.vector_store %arg6[%swap3A_76], %broadcast_in_dim3A_3 {strides = array<i32>} : memref<10240xf32, #tpu.memory_space<vmem>>, vector<16xf32>,
      %mul3A_78 = arith.constant 128 : i32
      %mul3A_79 = arith.muli %scan3A_35, %mul3A_78 : i32
      %add3A_80 = arith.constant 112 : i32
      %add3A_81 = arith.addi %mul3A_79, %add3A_80 : i32
      %swap3A_82 = arith.index_cast %add3A_81 : i32 to index
      %swap3A_83 = tpu.vector_load %arg6[%swap3A_82] {strides = array<i32>} : memref<10240xf32, #tpu.memory_space<vmem>>, vector<16xf32>,
      tpu.vector_store %arg6[%swap3A_82], %broadcast_in_dim3A_3 {strides = array<i32>} : memref<10240xf32, #tpu.memory_space<vmem>>, vector<16xf32>,
      %scan3A_84 = arith.constant 0 : i32
      scf.yield %scan3A_84 : i32
    }
    %scan3A_23 = arith.constant 80 : i32
    %eq3A_24 = arith.constant 0 : i32
    %eq3A_25 = arith.cmpi eq, %arg0, %eq3A_24 : i32
    %convert_element_type3A_26 = arith.extui %eq3A_25 : i1 to i32
    %cond3A_27 = arith.constant 0 : i32
    %cond3A_28 = arith.cmpi ne, %convert_element_type3A_26, %cond3A_27 : i32
    scf.if %cond3A_28 {
      %mul3A_35 = arith.constant 96 : i32
      %mul3A_36 = arith.muli %arg1, %mul3A_35 : i32
      "tpu.region"() ({
        %run_scoped3A_44 = tpu.sem_alloc : memref<!tpu.dma_semaphore, #tpu.memory_space<semaphore_mem>>
        %dma_start3A = arith.constant 0 : i32
        %dma_start3A_45 = tpu.memref_slice %arg3[%mul3A_36, %dma_start3A] : memref<2560x128xi32, #tpu.memory_space<hbm>> -> memref<96x128xi32, #tpu.memory_space<hbm>>
        %dma_start3A_46 = arith.constant 0 : i32
        %dma_start3A_47 = tpu.memref_slice %arg3[%mul3A_36, %dma_start3A_46] : memref<2560x128xi32, #tpu.memory_space<hbm>> -> memref<96x128xi32, #tpu.memory_space<hbm>>
        tpu.enqueue_dma source(%dma_start3A_47 : memref<96x128xi32, #tpu.memory_space<hbm>>) target(%arg5 : memref<96x128xi32, #tpu.memory_space<vmem>>) target_semaphore(%run_scoped3A_44 : memref<!tpu.dma_semaphore, #tpu.memory_space<semaphore_mem>>)
        %dma_wait3A = arith.constant 0 : i32
        %dma_wait3A_48 = tpu.memref_slice %arg3[%mul3A_36, %dma_wait3A] : memref<2560x128xi32, #tpu.memory_space<hbm>> -> memref<96x128xi32, #tpu.memory_space<hbm>>
        %dma_wait3A_49 = arith.constant 0 : i32
        %dma_wait3A_50 = tpu.memref_slice %arg3[%mul3A_36, %dma_wait3A_49] : memref<2560x128xi32, #tpu.memory_space<hbm>> -> memref<96x128xi32, #tpu.memory_space<hbm>>
        tpu.wait_dma2 semaphore(%run_scoped3A_44 : memref<!tpu.dma_semaphore, #tpu.memory_space<semaphore_mem>>) src(%dma_wait3A_50 : memref<96x128xi32, #tpu.memory_space<hbm>>) dst(%arg5 : memref<96x128xi32, #tpu.memory_space<vmem>>)
        tpu.yield
      }) : () -> ()
      %scan3A_37 = arith.constant 0 : i32
      %scan3A_38 = arith.constant 0 : i32
      %scan3A_39 = arith.constant 96 : i32
      %scan3A_40 = arith.addi %scan3A_38, %scan3A_39 : i32
      %scan3A_41 = arith.constant 1 : i32
      %scan3A_42 = scf.for %scan3A_44 = %scan3A_38 to %scan3A_40 step %scan3A_41 iter_args(%scan3A_45 = %scan3A_37) -> (i32)  : i32 {
        %get3A = arith.index_cast %scan3A_44 : i32 to index
        %get3A_46 = arith.constant 0 : index
        %get3A_47 = tpu.vector_load %arg5[%get3A, %get3A_46] {strides = array<i32>} : memref<96x128xi32, #tpu.memory_space<vmem>>, vector<16xi32>,
        tpu.vector_store_idx %arg6[%get3A_47], %broadcast_in_dim3A_1 {add = true} : memref<10240xf32, #tpu.memory_space<vmem>>[vector<16xi32>], vector<16xf32>,
        %get3A_48 = arith.index_cast %scan3A_44 : i32 to index
        %get3A_49 = arith.constant 16 : index
        %get3A_50 = tpu.vector_load %arg5[%get3A_48, %get3A_49] {strides = array<i32>} : memref<96x128xi32, #tpu.memory_space<vmem>>, vector<16xi32>,
        tpu.vector_store_idx %arg6[%get3A_50], %broadcast_in_dim3A_1 {add = true} : memref<10240xf32, #tpu.memory_space<vmem>>[vector<16xi32>], vector<16xf32>,
        %get3A_51 = arith.index_cast %scan3A_44 : i32 to index
        %get3A_52 = arith.constant 32 : index
        %get3A_53 = tpu.vector_load %arg5[%get3A_51, %get3A_52] {strides = array<i32>} : memref<96x128xi32, #tpu.memory_space<vmem>>, vector<16xi32>,
        tpu.vector_store_idx %arg6[%get3A_53], %broadcast_in_dim3A_1 {add = true} : memref<10240xf32, #tpu.memory_space<vmem>>[vector<16xi32>], vector<16xf32>,
        %get3A_54 = arith.index_cast %scan3A_44 : i32 to index
        %get3A_55 = arith.constant 48 : index
        %get3A_56 = tpu.vector_load %arg5[%get3A_54, %get3A_55] {strides = array<i32>} : memref<96x128xi32, #tpu.memory_space<vmem>>, vector<16xi32>,
        tpu.vector_store_idx %arg6[%get3A_56], %broadcast_in_dim3A_1 {add = true} : memref<10240xf32, #tpu.memory_space<vmem>>[vector<16xi32>], vector<16xf32>,
        %get3A_57 = arith.index_cast %scan3A_44 : i32 to index
        %get3A_58 = arith.constant 64 : index
        %get3A_59 = tpu.vector_load %arg5[%get3A_57, %get3A_58] {strides = array<i32>} : memref<96x128xi32, #tpu.memory_space<vmem>>, vector<16xi32>,
        tpu.vector_store_idx %arg6[%get3A_59], %broadcast_in_dim3A_1 {add = true} : memref<10240xf32, #tpu.memory_space<vmem>>[vector<16xi32>], vector<16xf32>,
        %get3A_60 = arith.index_cast %scan3A_44 : i32 to index
        %get3A_61 = arith.constant 80 : index
        %get3A_62 = tpu.vector_load %arg5[%get3A_60, %get3A_61] {strides = array<i32>} : memref<96x128xi32, #tpu.memory_space<vmem>>, vector<16xi32>,
        tpu.vector_store_idx %arg6[%get3A_62], %broadcast_in_dim3A_1 {add = true} : memref<10240xf32, #tpu.memory_space<vmem>>[vector<16xi32>], vector<16xf32>,
        %get3A_63 = arith.index_cast %scan3A_44 : i32 to index
        %get3A_64 = arith.constant 96 : index
        %get3A_65 = tpu.vector_load %arg5[%get3A_63, %get3A_64] {strides = array<i32>} : memref<96x128xi32, #tpu.memory_space<vmem>>, vector<16xi32>,
        tpu.vector_store_idx %arg6[%get3A_65], %broadcast_in_dim3A_1 {add = true} : memref<10240xf32, #tpu.memory_space<vmem>>[vector<16xi32>], vector<16xf32>,
        %get3A_66 = arith.index_cast %scan3A_44 : i32 to index
        %get3A_67 = arith.constant 112 : index
        %get3A_68 = tpu.vector_load %arg5[%get3A_66, %get3A_67] {strides = array<i32>} : memref<96x128xi32, #tpu.memory_space<vmem>>, vector<16xi32>,
        tpu.vector_store_idx %arg6[%get3A_68], %broadcast_in_dim3A_1 {add = true} : memref<10240xf32, #tpu.memory_space<vmem>>[vector<16xi32>], vector<16xf32>,
        %scan3A_69 = arith.constant 0 : i32
        scf.yield %scan3A_69 : i32
      }
      %scan3A_43 = arith.constant 96 : i32
    } else {
    }
    %eq3A_29 = arith.constant 1 : i32
    %eq3A_30 = arith.cmpi eq, %arg0, %eq3A_29 : i32
    %convert_element_type3A_31 = arith.extui %eq3A_30 : i1 to i32
    %cond3A_32 = arith.constant 0 : i32
    %cond3A_33 = arith.cmpi ne, %convert_element_type3A_31, %cond3A_32 : i32
    scf.if %cond3A_33 {
      %mul3A_35 = arith.constant 64 : i32
      %mul3A_36 = arith.muli %arg1, %mul3A_35 : i32
      %add3A_37 = arith.constant 1536 : i32
      %add3A_38 = arith.addi %add3A_37, %mul3A_36 : i32
      "tpu.region"() ({
        %run_scoped3A_46 = tpu.sem_alloc : memref<!tpu.dma_semaphore, #tpu.memory_space<semaphore_mem>>
        %dma_start3A = arith.constant 0 : i32
        %dma_start3A_47 = arith.constant 0 : i32
        %dma_start3A_48 = tpu.memref_slice %arg5[%dma_start3A, %dma_start3A_47] : memref<96x128xi32, #tpu.memory_space<vmem>> -> memref<64x128xi32, #tpu.memory_space<vmem>>
        %dma_start3A_49 = arith.constant 0 : i32
        %dma_start3A_50 = tpu.memref_slice %arg3[%add3A_38, %dma_start3A_49] : memref<2560x128xi32, #tpu.memory_space<hbm>> -> memref<64x128xi32, #tpu.memory_space<hbm>>
        %dma_start3A_51 = arith.constant 0 : i32
        %dma_start3A_52 = arith.constant 0 : i32
        %dma_start3A_53 = tpu.memref_slice %arg5[%dma_start3A_51, %dma_start3A_52] : memref<96x128xi32, #tpu.memory_space<vmem>> -> memref<64x128xi32, #tpu.memory_space<vmem>>
        %dma_start3A_54 = arith.constant 0 : i32
        %dma_start3A_55 = tpu.memref_slice %arg3[%add3A_38, %dma_start3A_54] : memref<2560x128xi32, #tpu.memory_space<hbm>> -> memref<64x128xi32, #tpu.memory_space<hbm>>
        tpu.enqueue_dma source(%dma_start3A_55 : memref<64x128xi32, #tpu.memory_space<hbm>>) target(%dma_start3A_53 : memref<64x128xi32, #tpu.memory_space<vmem>>) target_semaphore(%run_scoped3A_46 : memref<!tpu.dma_semaphore, #tpu.memory_space<semaphore_mem>>)
        %dma_wait3A = arith.constant 0 : i32
        %dma_wait3A_56 = arith.constant 0 : i32
        %dma_wait3A_57 = tpu.memref_slice %arg5[%dma_wait3A, %dma_wait3A_56] : memref<96x128xi32, #tpu.memory_space<vmem>> -> memref<64x128xi32, #tpu.memory_space<vmem>>
        %dma_wait3A_58 = arith.constant 0 : i32
        %dma_wait3A_59 = tpu.memref_slice %arg3[%add3A_38, %dma_wait3A_58] : memref<2560x128xi32, #tpu.memory_space<hbm>> -> memref<64x128xi32, #tpu.memory_space<hbm>>
        %dma_wait3A_60 = arith.constant 0 : i32
        %dma_wait3A_61 = arith.constant 0 : i32
        %dma_wait3A_62 = tpu.memref_slice %arg5[%dma_wait3A_60, %dma_wait3A_61] : memref<96x128xi32, #tpu.memory_space<vmem>> -> memref<64x128xi32, #tpu.memory_space<vmem>>
        %dma_wait3A_63 = arith.constant 0 : i32
        %dma_wait3A_64 = tpu.memref_slice %arg3[%add3A_38, %dma_wait3A_63] : memref<2560x128xi32, #tpu.memory_space<hbm>> -> memref<64x128xi32, #tpu.memory_space<hbm>>
        tpu.wait_dma2 semaphore(%run_scoped3A_46 : memref<!tpu.dma_semaphore, #tpu.memory_space<semaphore_mem>>) src(%dma_wait3A_64 : memref<64x128xi32, #tpu.memory_space<hbm>>) dst(%dma_wait3A_62 : memref<64x128xi32, #tpu.memory_space<vmem>>)
        tpu.yield
      }) : () -> ()
      %scan3A_39 = arith.constant 0 : i32
      %scan3A_40 = arith.constant 0 : i32
      %scan3A_41 = arith.constant 64 : i32
      %scan3A_42 = arith.addi %scan3A_40, %scan3A_41 : i32
      %scan3A_43 = arith.constant 1 : i32
      %scan3A_44 = scf.for %scan3A_46 = %scan3A_40 to %scan3A_42 step %scan3A_43 iter_args(%scan3A_47 = %scan3A_39) -> (i32)  : i32 {
        %get3A = arith.index_cast %scan3A_46 : i32 to index
        %get3A_48 = arith.constant 0 : index
        %get3A_49 = tpu.vector_load %arg5[%get3A, %get3A_48] {strides = array<i32>} : memref<96x128xi32, #tpu.memory_space<vmem>>, vector<16xi32>,
        tpu.vector_store_idx %arg6[%get3A_49], %broadcast_in_dim3A_1 {add = true} : memref<10240xf32, #tpu.memory_space<vmem>>[vector<16xi32>], vector<16xf32>,
        %get3A_50 = arith.index_cast %scan3A_46 : i32 to index
        %get3A_51 = arith.constant 16 : index
        %get3A_52 = tpu.vector_load %arg5[%get3A_50, %get3A_51] {strides = array<i32>} : memref<96x128xi32, #tpu.memory_space<vmem>>, vector<16xi32>,
        tpu.vector_store_idx %arg6[%get3A_52], %broadcast_in_dim3A_1 {add = true} : memref<10240xf32, #tpu.memory_space<vmem>>[vector<16xi32>], vector<16xf32>,
        %get3A_53 = arith.index_cast %scan3A_46 : i32 to index
        %get3A_54 = arith.constant 32 : index
        %get3A_55 = tpu.vector_load %arg5[%get3A_53, %get3A_54] {strides = array<i32>} : memref<96x128xi32, #tpu.memory_space<vmem>>, vector<16xi32>,
        tpu.vector_store_idx %arg6[%get3A_55], %broadcast_in_dim3A_1 {add = true} : memref<10240xf32, #tpu.memory_space<vmem>>[vector<16xi32>], vector<16xf32>,
        %get3A_56 = arith.index_cast %scan3A_46 : i32 to index
        %get3A_57 = arith.constant 48 : index
        %get3A_58 = tpu.vector_load %arg5[%get3A_56, %get3A_57] {strides = array<i32>} : memref<96x128xi32, #tpu.memory_space<vmem>>, vector<16xi32>,
        tpu.vector_store_idx %arg6[%get3A_58], %broadcast_in_dim3A_1 {add = true} : memref<10240xf32, #tpu.memory_space<vmem>>[vector<16xi32>], vector<16xf32>,
        %get3A_59 = arith.index_cast %scan3A_46 : i32 to index
        %get3A_60 = arith.constant 64 : index
        %get3A_61 = tpu.vector_load %arg5[%get3A_59, %get3A_60] {strides = array<i32>} : memref<96x128xi32, #tpu.memory_space<vmem>>, vector<16xi32>,
        tpu.vector_store_idx %arg6[%get3A_61], %broadcast_in_dim3A_1 {add = true} : memref<10240xf32, #tpu.memory_space<vmem>>[vector<16xi32>], vector<16xf32>,
        %get3A_62 = arith.index_cast %scan3A_46 : i32 to index
        %get3A_63 = arith.constant 80 : index
        %get3A_64 = tpu.vector_load %arg5[%get3A_62, %get3A_63] {strides = array<i32>} : memref<96x128xi32, #tpu.memory_space<vmem>>, vector<16xi32>,
        tpu.vector_store_idx %arg6[%get3A_64], %broadcast_in_dim3A_1 {add = true} : memref<10240xf32, #tpu.memory_space<vmem>>[vector<16xi32>], vector<16xf32>,
        %get3A_65 = arith.index_cast %scan3A_46 : i32 to index
        %get3A_66 = arith.constant 96 : index
        %get3A_67 = tpu.vector_load %arg5[%get3A_65, %get3A_66] {strides = array<i32>} : memref<96x128xi32, #tpu.memory_space<vmem>>, vector<16xi32>,
        tpu.vector_store_idx %arg6[%get3A_67], %broadcast_in_dim3A_1 {add = true} : memref<10240xf32, #tpu.memory_space<vmem>>[vector<16xi32>], vector<16xf32>,
        %get3A_68 = arith.index_cast %scan3A_46 : i32 to index
        %get3A_69 = arith.constant 112 : index
        %get3A_70 = tpu.vector_load %arg5[%get3A_68, %get3A_69] {strides = array<i32>} : memref<96x128xi32, #tpu.memory_space<vmem>>, vector<16xi32>,
        tpu.vector_store_idx %arg6[%get3A_70], %broadcast_in_dim3A_1 {add = true} : memref<10240xf32, #tpu.memory_space<vmem>>[vector<16xi32>], vector<16xf32>,
        %scan3A_71 = arith.constant 0 : i32
        scf.yield %scan3A_71 : i32
      }
      %scan3A_45 = arith.constant 64 : i32
    } else {
    }
    %run_scoped3A_34 = arith.constant 1 : i32
    "tpu.region"() ({
      %run_scoped3A_35 = tpu.sem_alloc : memref<!tpu.dma_semaphore, #tpu.memory_space<semaphore_mem>>
      %dma_start3A = arith.constant 0 : i32
      %dma_start3A_36 = tpu.memref_slice %arg4[%run_scoped3A_34, %add3A, %dma_start3A] : memref<2x32x10240xf32, #tpu.memory_space<hbm>> -> memref<1x1x10240xf32, #tpu.memory_space<hbm>>
      %dma_start3A_37 = tpu.memref_squeeze %dma_start3A_36 : memref<1x1x10240xf32, #tpu.memory_space<hbm>> -> memref<10240xf32, #tpu.memory_space<hbm>>
      %dma_start3A_38 = arith.constant 0 : i32
      %dma_start3A_39 = tpu.memref_slice %arg4[%run_scoped3A_34, %add3A, %dma_start3A_38] : memref<2x32x10240xf32, #tpu.memory_space<hbm>> -> memref<1x1x10240xf32, #tpu.memory_space<hbm>>
      %dma_start3A_40 = tpu.memref_squeeze %dma_start3A_39 : memref<1x1x10240xf32, #tpu.memory_space<hbm>> -> memref<10240xf32, #tpu.memory_space<hbm>>
      tpu.enqueue_dma source(%arg6 : memref<10240xf32, #tpu.memory_space<vmem>>) target(%dma_start3A_40 : memref<10240xf32, #tpu.memory_space<hbm>>) target_semaphore(%run_scoped3A_35 : memref<!tpu.dma_semaphore, #tpu.memory_space<semaphore_mem>>)
      %dma_wait3A = arith.constant 0 : i32
      %dma_wait3A_41 = tpu.memref_slice %arg4[%run_scoped3A_34, %add3A, %dma_wait3A] : memref<2x32x10240xf32, #tpu.memory_space<hbm>> -> memref<1x1x10240xf32, #tpu.memory_space<hbm>>
      %dma_wait3A_42 = tpu.memref_squeeze %dma_wait3A_41 : memref<1x1x10240xf32, #tpu.memory_space<hbm>> -> memref<10240xf32, #tpu.memory_space<hbm>>
      %dma_wait3A_43 = arith.constant 0 : i32
      %dma_wait3A_44 = tpu.memref_slice %arg4[%run_scoped3A_34, %add3A, %dma_wait3A_43] : memref<2x32x10240xf32, #tpu.memory_space<hbm>> -> memref<1x1x10240xf32, #tpu.memory_space<hbm>>
      %dma_wait3A_45 = tpu.memref_squeeze %dma_wait3A_44 : memref<1x1x10240xf32, #tpu.memory_space<hbm>> -> memref<10240xf32, #tpu.memory_space<hbm>>
      tpu.wait_dma2 semaphore(%run_scoped3A_35 : memref<!tpu.dma_semaphore, #tpu.memory_space<semaphore_mem>>) src(%arg6 : memref<10240xf32, #tpu.memory_space<vmem>>) dst(%dma_wait3A_45 : memref<10240xf32, #tpu.memory_space<hbm>>)
      tpu.yield
    }) : () -> ()
    return
  }
}

module attributes {stable_mosaic.version = 14 : i64} {
  func.func @_norm_body(%arg0: i32, %arg1: memref<64x1024xf32, #tpu.memory_space<vmem>>, %arg2: memref<2x1024xf32, #tpu.memory_space<vmem>>) attributes {dimension_semantics = [#tpu.dimension_semantics<arbitrary>], iteration_bounds = array<i64: 10>, scalar_prefetch = 0 : i64, scratch_operands = 0 : i64, tpu.core_type = #tpu.core_type<tc>, window_params = [{transform_indices = @transform_0, window_bounds = array<i64: 64, 1024>}, {transform_indices = @transform_1, window_bounds = array<i64: 2, 1024>}]} {
    %get3A = arith.constant 0 : index
    %get3A_0 = arith.constant 0 : index
    %get3A_1 = vector.load %arg1[%get3A, %get3A_0] : memref<64x1024xf32, #tpu.memory_space<vmem>>, vector<64x1024xf32>
    %slice3A = vector.extract_strided_slice %get3A_1 {offsets = [0, 0], sizes = [32, 1024], strides = [1, 1]} : vector<64x1024xf32> to vector<32x1024xf32>
    %reduce_sum3A = arith.constant dense<0.000000e+00> : vector<1024xf32>
    %reduce_sum3A_2 = vector.multi_reduction <add>, %slice3A, %reduce_sum3A [0] : vector<32x1024xf32> to vector<1024xf32>
    %broadcast_in_dim3A = vector.shape_cast %reduce_sum3A_2 : vector<1024xf32> to vector<1x1024xf32>
    %slice3A_3 = vector.extract_strided_slice %get3A_1 {offsets = [32, 0], sizes = [32, 1024], strides = [1, 1]} : vector<64x1024xf32> to vector<32x1024xf32>
    %reduce_sum3A_4 = arith.constant dense<0.000000e+00> : vector<1024xf32>
    %reduce_sum3A_5 = vector.multi_reduction <add>, %slice3A_3, %reduce_sum3A_4 [0] : vector<32x1024xf32> to vector<1024xf32>
    %broadcast_in_dim3A_6 = vector.shape_cast %reduce_sum3A_5 : vector<1024xf32> to vector<1x1024xf32>
    %concatenate3A = tpu.concatenate %broadcast_in_dim3A, %broadcast_in_dim3A_6 in 0 : vector<1x1024xf32>, vector<1x1024xf32> -> vector<2x1024xf32>
    %add3A = arith.constant 1.000000e+00 : f32
    %add3A_7 = vector.broadcast %add3A : f32 to vector<2x1024xf32>
    %add3A_8 = arith.addf %concatenate3A, %add3A_7 : vector<2x1024xf32>
    %max3A = arith.constant 1.000000e+00 : f32
    %max3A_9 = vector.broadcast %max3A : f32 to vector<2x1024xf32>
    %max3A_10 = arith.maximumf %add3A_8, %max3A_9 : vector<2x1024xf32>
    %rsqrt3A = math.rsqrt %max3A_10 : vector<2x1024xf32>
    %swap3A = arith.constant 0 : index
    %swap3A_11 = arith.constant 0 : index
    %swap3A_12 = vector.load %arg2[%swap3A, %swap3A_11] : memref<2x1024xf32, #tpu.memory_space<vmem>>, vector<2x1024xf32>
    tpu.vector_store %arg2[%swap3A, %swap3A_11], %rsqrt3A {strides = array<i32>} : memref<2x1024xf32, #tpu.memory_space<vmem>>, vector<2x1024xf32>,
    return
  }
  func.func @transform_0(%arg0: i32) -> (i32, i32) {
    %c0_i32 = arith.constant 0 : i32
    %c0_i32_0 = arith.constant 0 : i32
    return %c0_i32, %arg0 : i32, i32
  }
  func.func @transform_1(%arg0: i32) -> (i32, i32) {
    %c0_i32 = arith.constant 0 : i32
    %c0_i32_0 = arith.constant 0 : i32
    return %c0_i32, %arg0 : i32, i32
  }
}

module attributes {stable_mosaic.version = 14 : i64} {
  func.func @_scale_body(%arg0: i32, %arg1: memref<1024x128xf32, #tpu.memory_space<vmem>>, %arg2: memref<1024x1xf32, #tpu.memory_space<vmem>>, %arg3: memref<1024x128xf32, #tpu.memory_space<vmem>>) attributes {dimension_semantics = [#tpu.dimension_semantics<arbitrary>], iteration_bounds = array<i64: 10>, scalar_prefetch = 0 : i64, scratch_operands = 0 : i64, tpu.core_type = #tpu.core_type<tc>, window_params = [{transform_indices = @transform_0, window_bounds = array<i64: 1024, 128>}, {transform_indices = @transform_1, window_bounds = array<i64: 1024, 1>}, {transform_indices = @transform_2, window_bounds = array<i64: 1024, 128>}]} {
    %get3A = arith.constant 0 : index
    %get3A_0 = arith.constant 0 : index
    %get3A_1 = vector.load %arg1[%get3A, %get3A_0] : memref<1024x128xf32, #tpu.memory_space<vmem>>, vector<1024x128xf32>
    %get3A_2 = arith.constant 0 : index
    %get3A_3 = arith.constant 0 : index
    %get3A_4 = vector.load %arg2[%get3A_2, %get3A_3] : memref<1024x1xf32, #tpu.memory_space<vmem>>, vector<1024x1xf32>
    %mul3A = vector.broadcast %get3A_4 : vector<1024x1xf32> to vector<1024x128xf32>
    %mul3A_5 = arith.mulf %get3A_1, %mul3A : vector<1024x128xf32>
    %swap3A = arith.constant 0 : index
    %swap3A_6 = arith.constant 0 : index
    %swap3A_7 = vector.load %arg3[%swap3A, %swap3A_6] : memref<1024x128xf32, #tpu.memory_space<vmem>>, vector<1024x128xf32>
    tpu.vector_store %arg3[%swap3A, %swap3A_6], %mul3A_5 {strides = array<i32>} : memref<1024x128xf32, #tpu.memory_space<vmem>>, vector<1024x128xf32>,
    return
  }
  func.func @transform_0(%arg0: i32) -> (i32, i32) {
    %c0_i32 = arith.constant 0 : i32
    %c0_i32_0 = arith.constant 0 : i32
    return %arg0, %c0_i32 : i32, i32
  }
  func.func @transform_1(%arg0: i32) -> (i32, i32) {
    %c0_i32 = arith.constant 0 : i32
    %c0_i32_0 = arith.constant 0 : i32
    return %arg0, %c0_i32 : i32, i32
  }
  func.func @transform_2(%arg0: i32) -> (i32, i32) {
    %c0_i32 = arith.constant 0 : i32
    %c0_i32_0 = arith.constant 0 : i32
    return %arg0, %c0_i32 : i32, i32
  }
}

module attributes {stable_mosaic.version = 14 : i64} {
  func.func @_final_body(%arg0: i32, %arg1: memref<1024x128xf32, #tpu.memory_space<vmem>>, %arg2: memref<1024x128xf32, #tpu.memory_space<vmem>>, %arg3: memref<1024x128xf32, #tpu.memory_space<vmem>>, %arg4: memref<1024x1xf32, #tpu.memory_space<vmem>>, %arg5: memref<128x128xf32, #tpu.memory_space<vmem>>, %arg6: memref<1x128xf32, #tpu.memory_space<vmem>>, %arg7: memref<1024x128xf32, #tpu.memory_space<vmem>>) attributes {dimension_semantics = [#tpu.dimension_semantics<arbitrary>], iteration_bounds = array<i64: 10>, scalar_prefetch = 0 : i64, scratch_operands = 0 : i64, tpu.core_type = #tpu.core_type<tc>, window_params = [{transform_indices = @transform_0, window_bounds = array<i64: 1024, 128>}, {transform_indices = @transform_1, window_bounds = array<i64: 1024, 128>}, {transform_indices = @transform_2, window_bounds = array<i64: 1024, 128>}, {transform_indices = @transform_3, window_bounds = array<i64: 1024, 1>}, {pipeline_mode = #tpu.pipeline_mode<synchronous>, transform_indices = @transform_4, window_bounds = array<i64: 128, 128>}, {pipeline_mode = #tpu.pipeline_mode<synchronous>, transform_indices = @transform_5, window_bounds = array<i64: 1, 128>}, {transform_indices = @transform_6, window_bounds = array<i64: 1024, 128>}]} {
    %get3A = arith.constant 0 : index
    %get3A_0 = arith.constant 0 : index
    %get3A_1 = vector.load %arg1[%get3A, %get3A_0] : memref<1024x128xf32, #tpu.memory_space<vmem>>, vector<1024x128xf32>
    %get3A_2 = arith.constant 0 : index
    %get3A_3 = arith.constant 0 : index
    %get3A_4 = vector.load %arg2[%get3A_2, %get3A_3] : memref<1024x128xf32, #tpu.memory_space<vmem>>, vector<1024x128xf32>
    %add3A = arith.addf %get3A_1, %get3A_4 : vector<1024x128xf32>
    %get3A_5 = arith.constant 0 : index
    %get3A_6 = arith.constant 0 : index
    %get3A_7 = vector.load %arg3[%get3A_5, %get3A_6] : memref<1024x128xf32, #tpu.memory_space<vmem>>, vector<1024x128xf32>
    %add3A_8 = arith.addf %add3A, %get3A_7 : vector<1024x128xf32>
    %get3A_9 = arith.constant 0 : index
    %get3A_10 = arith.constant 0 : index
    %get3A_11 = vector.load %arg4[%get3A_9, %get3A_10] : memref<1024x1xf32, #tpu.memory_space<vmem>>, vector<1024x1xf32>
    %mul3A = vector.broadcast %get3A_11 : vector<1024x1xf32> to vector<1024x128xf32>
    %mul3A_12 = arith.mulf %add3A_8, %mul3A : vector<1024x128xf32>
    %get3A_13 = arith.constant 0 : index
    %get3A_14 = arith.constant 0 : index
    %get3A_15 = vector.load %arg5[%get3A_13, %get3A_14] : memref<128x128xf32, #tpu.memory_space<vmem>>, vector<128x128xf32>
    %dot_general3A = arith.constant dense<0.000000e+00> : vector<1024x128xf32>
    %dot_general3A_16 = tpu.matmul %mul3A_12, %get3A_15, %dot_general3A {dimension_numbers = #tpu.dot_dimension_numbers<[1], [0], [0], [1], [0, 0, 1, 1], [], []>, transpose_lhs_hint = false} : vector<1024x128xf32>, vector<128x128xf32>, vector<1024x128xf32> -> vector<1024x128xf32>
    %get3A_17 = arith.constant 0 : index
    %get3A_18 = arith.constant 0 : index
    %get3A_19 = vector.load %arg6[%get3A_17, %get3A_18] : memref<1x128xf32, #tpu.memory_space<vmem>>, vector<1x128xf32>
    %add3A_20 = vector.broadcast %get3A_19 : vector<1x128xf32> to vector<1024x128xf32>
    %add3A_21 = arith.addf %dot_general3A_16, %add3A_20 : vector<1024x128xf32>
    %swap3A = arith.constant 0 : index
    %swap3A_22 = arith.constant 0 : index
    %swap3A_23 = vector.load %arg7[%swap3A, %swap3A_22] : memref<1024x128xf32, #tpu.memory_space<vmem>>, vector<1024x128xf32>
    tpu.vector_store %arg7[%swap3A, %swap3A_22], %add3A_21 {strides = array<i32>} : memref<1024x128xf32, #tpu.memory_space<vmem>>, vector<1024x128xf32>,
    return
  }
  func.func @transform_0(%arg0: i32) -> (i32, i32) {
    %c0_i32 = arith.constant 0 : i32
    %c0_i32_0 = arith.constant 0 : i32
    return %arg0, %c0_i32 : i32, i32
  }
  func.func @transform_1(%arg0: i32) -> (i32, i32) {
    %add3A = arith.constant 10 : i32
    %add3A_0 = arith.addi %arg0, %add3A : i32
    %c0_i32 = arith.constant 0 : i32
    %c0_i32_1 = arith.constant 0 : i32
    return %add3A_0, %c0_i32 : i32, i32
  }
  func.func @transform_2(%arg0: i32) -> (i32, i32) {
    %c0_i32 = arith.constant 0 : i32
    %c0_i32_0 = arith.constant 0 : i32
    return %arg0, %c0_i32 : i32, i32
  }
  func.func @transform_3(%arg0: i32) -> (i32, i32) {
    %c0_i32 = arith.constant 0 : i32
    %c0_i32_0 = arith.constant 0 : i32
    return %arg0, %c0_i32 : i32, i32
  }
  func.func @transform_4(%arg0: i32) -> (i32, i32) {
    %c0_i32 = arith.constant 0 : i32
    %c0_i32_0 = arith.constant 0 : i32
    %c0_i32_1 = arith.constant 0 : i32
    return %c0_i32, %c0_i32_0 : i32, i32
  }
  func.func @transform_5(%arg0: i32) -> (i32, i32) {
    %c0_i32 = arith.constant 0 : i32
    %c0_i32_0 = arith.constant 0 : i32
    %c0_i32_1 = arith.constant 0 : i32
    return %c0_i32, %c0_i32_0 : i32, i32
  }
  func.func @transform_6(%arg0: i32) -> (i32, i32) {
    %c0_i32 = arith.constant 0 : i32
    %c0_i32_0 = arith.constant 0 : i32
    return %arg0, %c0_i32 : i32, i32
  }
}

</mosaic_0001>

<sc_bundles>
// kernel: kernel.10.cloned.1.call-start
scs
__scs_entry_jumppad:
0x0: {  	(pc) =	sbr.rel $0x88, $3  }
0x1: {  	(tag) =	ssettag $0x0;
	lr =	simm.s32 $0x1  }
0x2: {  	[smem:$0x3F9D] =	sst lr;
	_ =	strace $0xD0000000  }
0x3: {  	_ = 	snop  }
0x4: {  	_ = 	snop  }
0x5: {  	_ = 	snop  }
0x6: {  	_ = 	snop  }
0x7: {  	_ = 	snop  }
__scs_overlays_trampoline_lowered:
0x8: {  	[smem:$0x3FAC] =	sst s0  }
0x9: {  	[smem:$0x3FAD] =	sst s1  }
0xa: {  	[smem:$0x3FAE] =	sst s2  }
0xb: {  	[smem:$0x3FAF] =	sst s3  }
0xc: {  	[smem:$0x3FB0] =	sst s4  }
0xd: {  	[smem:$0x3FB1] =	sst s5  }
0xe: {  	[smem:$0x3FB2] =	sst s6  }
0xf: {  	[smem:$0x3FB3] =	sst s7  }
0x10: {  	[smem:$0x3FB4] =	sst s8  }
0x11: {  	[smem:$0x3FB5] =	sst s9;
	s0 =	simm.s32 @!p0 $0x0  }
0x12: {  	s1 =	sld [smem:$0x3F9B];
	s0 =	simm.s32 @p0 $0x1  }
0x13: {  	[smem:$0x3FB6] =	sst s0;
	s0 =	simm.s32 @!p1 $0x0  }
0x14: {  	s2 =	sld [smem:$0x3F9A];
	s0 =	simm.s32 @p1 $0x1  }
0x15: {  	[smem:$0x3FB7] =	sst s0;
	s0 =	simm.s32 @!p2 $0x0  }
0x16: {  	s3 =	sld [smem:$0x3FDB];
	s0 =	simm.s32 @p2 $0x1  }
0x17: {  	s4 =	simm.s32 $0x1BF5;
	[smem:$0x3FB9] =	sst s0  }
0x18: {  	s0 =	sld [smem:$0x3F9C];
	_ =	swait.ge [sflag:s4], $0x0  }
0x19: {  	s7 =	sld [smem:$0x3F9D]  }
0x1a: {  	s8 =	sadd.s32 $0xFFFFE003, lr  }
0x1b: {  	s9 =	sadd.s32 $0xFFFFFEF7, lr;
	s5 =	simm.s32 $0xFFFFFFFF;
	p2 =	slt.u32 s8, $0xFFFFF086  }
0x1c: {  	p1 =	slt.u32 s9, $0xF7A;
	s5 =	simm.s32 @!p2 $0x0  }
0x1d: {  	s5 =	simm.s32 @p1 $0x1;
	p0 =	seq.s32 s7, s2  }
0x1e: {  	s7 =	smul.u32 @!p0 $0xF7A, s2;
	p2 =	seq.s32 @!p0 s5, $0x0  }
0x1f: {  	s9 =	smul.u32 $0xF7A, s1;
	s8 =	simm.s32 @!p0 $0x1BF5;
	p2 =	por !p2, p0  }
0x20: {  	[sflag:s8] =	ssyncset.s32 @!p0 $0xFFFFF086;
	s6 =	sadd.s32 @!p0 s3, s7;
	s7 =	simm.s32 @!p0 $0x108  }
0x21: {  	s3 =	sadd.s32 s3, s9;
	s6 =	sadd.s32 @!p0 $0x88, s6;
	s7 =	simm.s32 @p2 $0x1082  }
0x22: {  	[simem:s7], [sflag:s8] =	dma.local @!p0 [hbm:s6], $0xF7A  }
0x23: {  	s9 =	sor.u32 $0xD0000000, s2;
	s6 =	simm.s32 $0x108;
	_ =	swait.ge @!p0 [sflag:s8], $0x0  }
0x24: {  	s3 =	sadd.s32 $0x88, s3;
	s6 =	simm.s32 @!p1 $0x1082;
	[sflag:s4] =	ssyncset.s32 $0xFFFFF086  }
0x25: {  	[simem:s6], [sflag:s4] =	dma.local [hbm:s3], $0xF7A  }
0x26: {  	[smem:$0x3F9D] =	sst s1;
	(tag) =	ssettag s2;
	_ =	strace s9  }
0x27: {  	s1 =	sld [smem:$0x3FAD]  }
0x28: {  	s2 =	sld [smem:$0x3FAE]  }
0x29: {  	s4 =	sld [smem:$0x3FB0]  }
0x2a: {  	p0 =	seq.s32 s5, $0x0;
	s5 =	sld [smem:$0x3FB1]  }
0x2b: {  	s6 =	sld [smem:$0x3FB2]  }
0x2c: {  	s7 =	sld [smem:$0x3FB3]  }
0x2d: {  	s3 =	simm.s32 $0x108;
	s8 =	sld [smem:$0x3FB4]  }
0x2e: {  	s3 =	simm.s32 @!p0 $0x1082;
	s9 =	sld [smem:$0x3FB5]  }
0x2f: {  	lr =	sadd.s32 s0, s3;
	s0 =	sld [smem:$0x3FAC]  }
0x30: {  	s3 =	sld [smem:$0x3FAF]  }
0x31: {  	[smem:$0x3FB8] =	sst s10  }
0x32: {  	s10 =	sld [smem:$0x3FB6];
	_ =	sdelay $0x3  }
0x33: {  	p0 =	seq.s32 s10, $0x1;
	s10 =	sld [smem:$0x3FB8];
	_ =	sdelay $0x3  }
0x34: {  	[smem:$0x3FB8] =	sst s10  }
0x35: {  	s10 =	sld [smem:$0x3FB7];
	_ =	sdelay $0x3  }
0x36: {  	p1 =	seq.s32 s10, $0x1;
	s10 =	sld [smem:$0x3FB8];
	_ =	sdelay $0x3  }
0x37: {  	[smem:$0x3FB8] =	sst s10  }
0x38: {  	s10 =	sld [smem:$0x3FB9]  }
0x39: {  	_ = 	snop;
	(pc) =	sbr.ind lr, $3  }
0x3a: {  	_ = 	snop  }
0x3b: {  	_ = 	snop  }
0x3c: {  	p2 =	seq.s32 s10, $0x1;
	s10 =	sld [smem:$0x3FB8]  }
0x3d: {  	_ =	shalt  }
0x3e: {  	_ =	shalt  }
0x3f: {  	_ =	shalt  }
0x40: {  	_ =	shalt  }
0x41: {  	_ =	shalt  }
0x42: {  	_ =	shalt  }
0x43: {  	_ =	shalt  }
0x44: {  	_ =	shalt  }
0x45: {  	_ =	shalt  }
0x46: {  	_ =	shalt  }
0x47: {  	_ =	shalt  }
0x48: {  	_ =	shalt  }
0x49: {  	_ =	shalt  }
0x4a: {  	_ =	shalt  }
0x4b: {  	_ =	shalt  }
0x4c: {  	_ =	shalt  }
0x4d: {  	_ =	shalt  }
0x4e: {  	_ =	shalt  }
0x4f: {  	_ =	shalt  }
0x50: {  	_ =	shalt  }
0x51: {  	_ =	shalt  }
0x52: {  	_ =	shalt  }
0x53: {  	_ =	shalt  }
0x54: {  	_ =	shalt  }
0x55: {  	_ =	shalt  }
0x56: {  	_ =	shalt  }
0x57: {  	_ =	shalt  }
0x58: {  	_ =	shalt  }
0x59: {  	_ =	shalt  }
0x5a: {  	_ =	shalt  }
0x5b: {  	_ =	shalt  }
0x5c: {  	_ =	shalt  }
0x5d: {  	_ =	shalt  }
0x5e: {  	_ =	shalt  }
0x5f: {  	_ =	shalt  }
0x60: {  	_ =	shalt  }
0x61: {  	_ =	shalt  }
0x62: {  	_ =	shalt  }
0x63: {  	_ =	shalt  }
0x64: {  	_ =	shalt  }
0x65: {  	_ =	shalt  }
0x66: {  	_ =	shalt  }
0x67: {  	_ =	shalt  }
0x68: {  	_ =	shalt  }
0x69: {  	_ =	shalt  }
0x6a: {  	_ =	shalt  }
0x6b: {  	_ =	shalt  }
0x6c: {  	_ =	shalt  }
0x6d: {  	_ =	shalt  }
0x6e: {  	_ =	shalt  }
0x6f: {  	_ =	shalt  }
0x70: {  	_ =	shalt  }
0x71: {  	_ =	shalt  }
0x72: {  	_ =	shalt  }
0x73: {  	_ =	shalt  }
0x74: {  	_ =	shalt  }
0x75: {  	_ =	shalt  }
0x76: {  	_ =	shalt  }
0x77: {  	_ =	shalt  }
0x78: {  	_ =	shalt  }
0x79: {  	_ =	shalt  }
0x7a: {  	_ =	shalt  }
0x7b: {  	_ =	shalt  }
0x7c: {  	_ =	shalt  }
0x7d: {  	_ =	shalt  }
0x7e: {  	_ =	shalt  }
0x7f: {  	_ =	shalt  }
0x80: {  	_ =	shalt  }
0x81: {  	_ =	shalt  }
0x82: {  	_ =	shalt  }
0x83: {  	_ =	shalt  }
0x84: {  	_ =	shalt  }
0x85: {  	_ =	shalt  }
0x86: {  	_ =	shalt  }
0x87: {  	_ =	shalt  }
.Lfunc_end0:
.L_simem_size_0:
called_computation.1_lowered:
.L_overlay_start_0:
0x88: {  	s2 =	sld [smem:$0x3FD9]  }
0x89: {  	s3 =	sld [smem:$0x3FFE];
	_ =	sdelay $0x1  }
0x8a: {  	s1 =	srdreg.scid  }
0x8b: {  	s0 =	sand.u32 $0x1, s1  }
0x8c: {  	s16 =	sshll.u32 s0, $0xA;
	s2 =	sadd.s32 s3, s2  }
0x8d: {  	s2 =	sadd.s32 s2, s16  }
0x8e: {  	[smem:$0x3FC4] =	sst s2  }
0x8f: {  	_ = 	snop  }
0x90: {  	(tm) =	ssettm $0x1  }
0x91: {  	s17 =	sld [smem:$0x3FFB];
	_ =	sdelay $0x3  }
0x92: {  	_ =	strace s17  }
0x93: {  	s2 =	sld [smem:$0x3FFC];
	_ =	sdelay $0x3  }
0x94: {  	_ =	strace s2  }
0x95: {  	s2 =	sld [smem:$0x3FFD];
	_ =	sdelay $0x3  }
0x96: {  	_ =	strace s2  }
0x97: {  	_ =	strace $0x8FFFFFFF  }
0x98: {  	s18 =	sld [smem:$0x3FDB];
	_ =	sdelay $0x1  }
0x99: {  	s19 =	simm.s32 $_scs_section_size  }
0x9a: {  	s4 =	simm.s32 $_size__tile_overlayer_lowered;
	s5 =	simm.s32 $_tile_overlayer_lowered  }
0x9b: {  	s22 =	simm.s32 $0x1BFF;
	s21 =	sshll.u32 s5, $0x1;
	s2 =	sadd.s32 s19, s18  }
0x9c: {  	s6 =	simm.s32 $0x0;
	s20 =	sshll.u32 s4, $0x1;
	s4 =	sadd.s32 s21, s2  }
0x9d: {  	[timem:s6], [sflag:s22] =	dma.local [hbm:s4], s20  }
0x9e: {  	_ =	swait.ge [sflag:s22], s20  }
0x9f: {  	s3 =	ssub.s32 $0x0, s20;
	[sflag:s22] =	ssyncset.done $0x0  }
0xa0: {  	[sflag:s22] =	ssyncadd.s32 s3;
	_ =	sdelay $0x1  }
0xa1: {  	s23 =	simm.s32 $0x1B8B  }
0xa2: {  	_ =	swait.ge [sflag:s23], $0x1  }
0xa3: {  	[sflag:s23] =	ssyncset.done $0x0  }
0xa4: {  	s25 =	simm.s32 $0x1B8E;
	s24 =	sld [smem:$0x3FFE];
	[sflag:s23] =	ssyncadd.s32 $0xFFFFFFFF  }
0xa5: {  	s26 =	simm.s32 $execute0_lowered;
	[smem:$0x3FD2] =	sst s25  }
0xa6: {  	s4 =	sshll.u32 s26, $0x1;
	_ =	strace $0x80000049;
	[dreg:$0x1] =	wrdreg $0xFFFFFFFF  }
0xa7: {  	s28 =	simm.s32 $_size_execute0_lowered;
	s2 =	sadd.s32 s2, s4;
	[dreg:$0x0] =	wrdreg $0x0  }
0xa8: {  	s4 =	sshll.u32 s28, $0x1;
	[dreg:$0x2] =	wrdreg s2  }
0xa9: {  	[dreg:$0x3] =	wrdreg s4  }
0xaa: {  	[dreg:$0x4] =	wrdreg $0xC0  }
0xab: {  	_ =	task [dreg:s6], $0x5FFFF  }
0xac: {  	[dreg:$0x1] =	wrdreg $0xFFFFFFFF  }
0xad: {  	[dreg:$0x0] =	wrdreg $0x60  }
0xae: {  	[dreg:$0x2] =	wrdreg s24  }
0xaf: {  	[dreg:$0x3] =	wrdreg $0xA8000  }
0xb0: {  	[dreg:$0x4] =	wrdreg $0x9  }
0xb1: {  	_ =	task.clear_ibuf [dreg:s6], $0x5FFFF;
	_ =	strace $0x90000049  }
0xb2: {  	s29 =	simm.s32 $0x9;
	_ =	strace $0x8000004B  }
0xb3: {  	_ =	swait.ge [sflag:s29], $0x1  }
0xb4: {  	[sflag:s29] =	ssyncadd.s32 $0xFFFFFFFF  }
0xb5: {  	_ =	strace $0x9000004B  }
0xb6: {  	_ =	sfence  }
0xb7: {  	s30 =	sld [smem:$0x0];
	_ =	sdelay $0x2  }
0xb8: {  	s31 =	sshll.u32 s1, $0xD;
	s1 =	sshrl.u32 s1, $0x2  }
0xb9: {  	s3 =	sand.u32 $0x4000, s31;
	s1 =	sadd.s32 s1, s30  }
0xba: {  	s0 =	sor.u32 s3, s0;
	s1 =	sshll.u32 s1, $0x11  }
0xbb: {  	s0 =	sor.u32 s1, s0  }
0xbc: {  	s0 =	sadd.s32 $0x8F2B, s0  }
0xbd: {  	[sflag:s0] =	ssyncadd.remote.s32 $0x1  }
0xbe: {  	_ =	sfence.sel $0xFFFF  }
0xbf: {  	[dreg:$0x0] =	wrdreg $0xFFFFFFFF;
	(pc) =	sbr.abs _section_cstart, $3  }
0xc0: {  	[dreg:$0x1] =	wrdreg $0xFFFFFFFF  }
0xc1: {  	_ =	task.clear_ibuf [dreg:s6], $0x2FFFF;
	_ =	strace $0x9FFFFFFF  }
0xc2: {  	(tm) =	ssettm $0x7FFFFFFF  }
0xc3: {  	_ =	shalt  }
tec
execute0_lowered:
.L_overlay_start_1:
0x0: {  	(tag) =	ssettag $0x1  }
0x1: {  	s0 =	rddreg [dreg:$0x0]  }
0x2: {  	s1 =	rddreg [dreg:$0x1];
	s2 =	srdreg.scid;
	s3 =	simm.s32 $0x0  }
0x3: {  	s28 =	simm.s32 $0x1;
	s30 =	simm.s32 $0x2;
	s10 =	sand.u32 $0x1, s2  }
0x4: {  	s29 =	simm.s32 $0x2700;
	s2 =	stileid.u32;
	s5 =	smul.u32 $0x140000, s10  }
0x5: {  	s31 =	simm.s32 $0x2780;
	[smem:$0x7FF] =	sst s3;
	s6 =	smul.u32 $0x14000, s2  }
0x6: {  	s4 =	sadd.s32 $0x15800, s0;
	s11 =	sadd.s32 $0xB800, s0;
	s7 =	smul.u32 $0x50000, s2  }
0x7: {  	s19 =	sadd.s32 $0x1800, s0;
	_ =	strace $0x8000004A;
	s12 =	smul.u32 $0x4800, s2  }
0x8: {  	s21 =	ssub.s32 $0x2, s10;
	s13 =	smul.u32 $0x900, s2;
	s17 =	sshll.u32 s2, $0x8  }
0x9: {  	p0 =	seq.s32 s10, $0x1;
	s8 =	sshrl.u32 s21, $0x1;
	s20 =	sor.u32 $0x9000, s17  }
0xa: {  	s5 =	sadd.s32 s6, s5;
	s7 =	sshrl.u32 s7, $0x2;
	s21 =	ssub.s32 s21, s8  }
0xb: {  	s22 =	sshrl.u32 s12, $0x3;
	s23 =	sadd.s32 s11, s13;
	s24 =	sadd.s32 s19, s13  }
0xc: {  	s18 =	sadd.s32 s11, s20;
	s5 =	sshrl.u32 s5, $0x3;
	[dreg:$0x3] =	wrdreg s23  }
0xd: {  	[dreg:$0x4] =	wrdreg s24;
	s25 =	sadd.s32 $0x280, s22;
	s15 =	sadd.s32 $0x500, s22  }
0xe: {  	s10 =	sadd.s32 $0x780, s22;
	s21 =	smax.u32 s21, $0x1;
	s22 =	simm.s32 $0x2800  }
0xf: {  	s23 =	simm.s32 $0x3;
	s24 =	simm.s32 $0x1400;
	s0 =	sadd.s32 s5, s0  }
0x10: {  	s5 =	sadd.s32 s7, s1;
	s26 =	sadd.s32 s11, s25;
	s13 =	sadd.s32 s19, s25  }
.Ltmp0:
0x11: {  	s14 =	sadd.s32 s11, s15;
	s15 =	sadd.s32 s19, s15;
	(pc) =	sbr.rel .LBB2_1-.Ltmp0, $4  }
0x12: {  	s16 =	sadd.s32 s11, s10;
	s17 =	sadd.s32 s19, s10;
	s19 =	sadd.s32 s19, s20  }
0x13: {  	s25 =	simm.s32 $0x80;
	s6 =	sadd.s32 $0x4000, s5;
	s7 =	sadd.s32 $0x8000, s5  }
0x14: {  	s8 =	sadd.s32 $0xC000, s5;
	s9 =	sadd.s32 $0x10000, s5;
	[dreg:$0x5] =	wrdreg s26  }
0x15: {  	v0 =	vimm.f32 $0.0e+00;
	s20 =	sadd.s32 $0x3D800, s0;
	s26 =	simm.s32 $0x6800;
	s0 =	simm.s32 $0x0  }
.LBB2_13:
0x16: {  	[tilespmem:s3], [sflag:$0x3] =	stream.linear.gather [hbm4b:s18+s3], $0x800, $0x38;
	[tilespmem:$0x1E800] =	vst v63  }
0x17: {  	_ =	swait.ge [sflag:s23], $0x800  }
0x18: {  	[sflag:s23] =	ssyncset.done $0x0  }
0x19: {  	[sflag:s23] =	ssyncadd.s32 $0xFFFFF800  }
0x1a: {  	[tilespmem:s24], [sflag:$0x3] =	stream.linear.gather [hbm4b:s19+s3], $0x800, $0x38;
	[tilespmem:$0x1E800] =	vst v63  }
0x1b: {  	_ =	swait.ge [sflag:s23], $0x800  }
0x1c: {  	[sflag:s23] =	ssyncset.done $0x0  }
0x1d: {  	[sflag:s23] =	ssyncadd.s32 $0xFFFFF800  }
0x1e: {  	[tilespmem:s22], [sflag:$0x1] =	stream.indirect.gather [hbm4b:s4+s25], $0x80, s3, s25, $0xb8;
	[tilespmem:$0x1E800] =	vst v63  }
0x1f: {  	_ = 	snop  }
0x20: {  	[tilespmem:s26], [sflag:$0x2] =	stream.indirect.gather [hbm4b:s4+s25], $0x80, s25, s25, $0xb8;
	[tilespmem:$0x1E800] =	vst v63  }
0x21: {  	_ =	swait.ge [sflag:s28], $0x4000  }
0x22: {  	[sflag:s28] =	ssyncset.done $0x0  }
0x23: {  	[sflag:s28] =	ssyncadd.s32 $0xFFFFC000  }
0x24: {  	[spmem:s1] =	stream.indirect.scatter.add.f32 [tilespmem:s22], [sflag:$0x3], $0x80, s24, s25, $0xb8;
	[tilespmem:$0x1E800] =	vst v63  }
0x25: {  	_ =	swait.ge [sflag:s23], $0x4000  }
0x26: {  	[sflag:s23] =	ssyncset.done $0x0  }
0x27: {  	s10 =	simm.s32 $0x100;
	[sflag:s23] =	ssyncadd.s32 $0xFFFFC000  }
0x28: {  	[tilespmem:s22], [sflag:$0x1] =	stream.indirect.gather [hbm4b:s4+s25], $0x80, s10, s25, $0xb8;
	[tilespmem:$0x1E800] =	vst v63  }
0x29: {  	_ =	swait.ge [sflag:s30], $0x4000  }
0x2a: {  	[sflag:s30] =	ssyncset.done $0x0  }
0x2b: {  	s11 =	simm.s32 $0x1480;
	[sflag:s30] =	ssyncadd.s32 $0xFFFFC000  }
0x2c: {  	[spmem:s1] =	stream.indirect.scatter.add.f32 [tilespmem:s26], [sflag:$0x3], $0x80, s11, s25, $0xb8;
	[tilespmem:$0x1E800] =	vst v63  }
0x2d: {  	_ =	swait.ge [sflag:s23], $0x4000  }
0x2e: {  	[sflag:s23] =	ssyncset.done $0x0  }
0x2f: {  	s12 =	simm.s32 $0x180;
	[sflag:s23] =	ssyncadd.s32 $0xFFFFC000  }
0x30: {  	[tilespmem:s26], [sflag:$0x2] =	stream.indirect.gather [hbm4b:s4+s25], $0x80, s12, s25, $0xb8;
	[tilespmem:$0x1E800] =	vst v63  }
0x31: {  	_ =	swait.ge [sflag:s28], $0x4000  }
0x32: {  	[sflag:s28] =	ssyncset.done $0x0  }
0x33: {  	s11 =	simm.s32 $0x1500;
	[sflag:s28] =	ssyncadd.s32 $0xFFFFC000  }
0x34: {  	[spmem:s1] =	stream.indirect.scatter.add.f32 [tilespmem:s22], [sflag:$0x3], $0x80, s11, s25, $0xb8;
	[tilespmem:$0x1E800] =	vst v63  }
0x35: {  	_ =	swait.ge [sflag:s23], $0x4000  }
0x36: {  	[sflag:s23] =	ssyncset.done $0x0  }
0x37: {  	s12 =	simm.s32 $0x200;
	[sflag:s23] =	ssyncadd.s32 $0xFFFFC000  }
0x38: {  	[tilespmem:s22], [sflag:$0x1] =	stream.indirect.gather [hbm4b:s4+s25], $0x80, s12, s25, $0xb8;
	[tilespmem:$0x1E800] =	vst v63  }
0x39: {  	_ =	swait.ge [sflag:s30], $0x4000  }
0x3a: {  	[sflag:s30] =	ssyncset.done $0x0  }
0x3b: {  	s11 =	simm.s32 $0x1580;
	[sflag:s30] =	ssyncadd.s32 $0xFFFFC000  }
0x3c: {  	[spmem:s1] =	stream.indirect.scatter.add.f32 [tilespmem:s26], [sflag:$0x3], $0x80, s11, s25, $0xb8;
	[tilespmem:$0x1E800] =	vst v63  }
0x3d: {  	_ =	swait.ge [sflag:s23], $0x4000  }
0x3e: {  	[sflag:s23] =	ssyncset.done $0x0  }
0x3f: {  	s12 =	simm.s32 $0x280;
	[sflag:s23] =	ssyncadd.s32 $0xFFFFC000  }
0x40: {  	[tilespmem:s26], [sflag:$0x2] =	stream.indirect.gather [hbm4b:s4+s25], $0x80, s12, s25, $0xb8;
	[tilespmem:$0x1E800] =	vst v63  }
0x41: {  	_ =	swait.ge [sflag:s28], $0x4000  }
0x42: {  	[sflag:s28] =	ssyncset.done $0x0  }
0x43: {  	s11 =	simm.s32 $0x1600;
	[sflag:s28] =	ssyncadd.s32 $0xFFFFC000  }
0x44: {  	[spmem:s1] =	stream.indirect.scatter.add.f32 [tilespmem:s22], [sflag:$0x3], $0x80, s11, s25, $0xb8;
	[tilespmem:$0x1E800] =	vst v63  }
0x45: {  	_ =	swait.ge [sflag:s23], $0x4000  }
0x46: {  	[sflag:s23] =	ssyncset.done $0x0  }
0x47: {  	s12 =	simm.s32 $0x300;
	[sflag:s23] =	ssyncadd.s32 $0xFFFFC000  }
0x48: {  	[tilespmem:s22], [sflag:$0x1] =	stream.indirect.gather [hbm4b:s4+s25], $0x80, s12, s25, $0xb8;
	[tilespmem:$0x1E800] =	vst v63  }
0x49: {  	_ =	swait.ge [sflag:s30], $0x4000  }
0x4a: {  	[sflag:s30] =	ssyncset.done $0x0  }
0x4b: {  	s11 =	simm.s32 $0x1680;
	[sflag:s30] =	ssyncadd.s32 $0xFFFFC000  }
0x4c: {  	[spmem:s1] =	stream.indirect.scatter.add.f32 [tilespmem:s26], [sflag:$0x3], $0x80, s11, s25, $0xb8;
	[tilespmem:$0x1E800] =	vst v63  }
0x4d: {  	_ =	swait.ge [sflag:s23], $0x4000  }
0x4e: {  	[sflag:s23] =	ssyncset.done $0x0  }
0x4f: {  	s12 =	simm.s32 $0x380;
	[sflag:s23] =	ssyncadd.s32 $0xFFFFC000  }
0x50: {  	[tilespmem:s26], [sflag:$0x2] =	stream.indirect.gather [hbm4b:s4+s25], $0x80, s12, s25, $0xb8;
	[tilespmem:$0x1E800] =	vst v63  }
0x51: {  	_ =	swait.ge [sflag:s28], $0x4000  }
0x52: {  	[sflag:s28] =	ssyncset.done $0x0  }
0x53: {  	s11 =	simm.s32 $0x1700;
	[sflag:s28] =	ssyncadd.s32 $0xFFFFC000  }
0x54: {  	[spmem:s1] =	stream.indirect.scatter.add.f32 [tilespmem:s22], [sflag:$0x3], $0x80, s11, s25, $0xb8;
	[tilespmem:$0x1E800] =	vst v63  }
0x55: {  	_ =	swait.ge [sflag:s23], $0x4000  }
0x56: {  	[sflag:s23] =	ssyncset.done $0x0  }
0x57: {  	s12 =	simm.s32 $0x400;
	[sflag:s23] =	ssyncadd.s32 $0xFFFFC000  }
0x58: {  	[tilespmem:s22], [sflag:$0x1] =	stream.indirect.gather [hbm4b:s4+s25], $0x80, s12, s25, $0xb8;
	[tilespmem:$0x1E800] =	vst v63  }
0x59: {  	_ =	swait.ge [sflag:s30], $0x4000  }
0x5a: {  	[sflag:s30] =	ssyncset.done $0x0  }
0x5b: {  	s11 =	simm.s32 $0x1780;
	[sflag:s30] =	ssyncadd.s32 $0xFFFFC000  }
0x5c: {  	[spmem:s1] =	stream.indirect.scatter.add.f32 [tilespmem:s26], [sflag:$0x3], $0x80, s11, s25, $0xb8;
	[tilespmem:$0x1E800] =	vst v63  }
0x5d: {  	_ =	swait.ge [sflag:s23], $0x4000  }
0x5e: {  	[sflag:s23] =	ssyncset.done $0x0  }
0x5f: {  	s12 =	simm.s32 $0x480;
	[sflag:s23] =	ssyncadd.s32 $0xFFFFC000  }
0x60: {  	[tilespmem:s26], [sflag:$0x2] =	stream.indirect.gather [hbm4b:s4+s25], $0x80, s12, s25, $0xb8;
	[tilespmem:$0x1E800] =	vst v63  }
0x61: {  	_ =	swait.ge [sflag:s28], $0x4000  }
0x62: {  	[sflag:s28] =	ssyncset.done $0x0  }
0x63: {  	s11 =	simm.s32 $0x1800;
	[sflag:s28] =	ssyncadd.s32 $0xFFFFC000  }
0x64: {  	[spmem:s1] =	stream.indirect.scatter.add.f32 [tilespmem:s22], [sflag:$0x3], $0x80, s11, s25, $0xb8;
	[tilespmem:$0x1E800] =	vst v63  }
0x65: {  	_ =	swait.ge [sflag:s23], $0x4000  }
0x66: {  	[sflag:s23] =	ssyncset.done $0x0  }
0x67: {  	s12 =	simm.s32 $0x500;
	[sflag:s23] =	ssyncadd.s32 $0xFFFFC000  }
0x68: {  	[tilespmem:s22], [sflag:$0x1] =	stream.indirect.gather [hbm4b:s4+s25], $0x80, s12, s25, $0xb8;
	[tilespmem:$0x1E800] =	vst v63  }
0x69: {  	_ =	swait.ge [sflag:s30], $0x4000  }
0x6a: {  	[sflag:s30] =	ssyncset.done $0x0  }
0x6b: {  	s11 =	simm.s32 $0x1880;
	[sflag:s30] =	ssyncadd.s32 $0xFFFFC000  }
0x6c: {  	[spmem:s1] =	stream.indirect.scatter.add.f32 [tilespmem:s26], [sflag:$0x3], $0x80, s11, s25, $0xb8;
	[tilespmem:$0x1E800] =	vst v63  }
0x6d: {  	_ =	swait.ge [sflag:s23], $0x4000  }
0x6e: {  	[sflag:s23] =	ssyncset.done $0x0  }
0x6f: {  	s12 =	simm.s32 $0x580;
	[sflag:s23] =	ssyncadd.s32 $0xFFFFC000  }
0x70: {  	[tilespmem:s26], [sflag:$0x2] =	stream.indirect.gather [hbm4b:s4+s25], $0x80, s12, s25, $0xb8;
	[tilespmem:$0x1E800] =	vst v63  }
0x71: {  	_ =	swait.ge [sflag:s28], $0x4000  }
0x72: {  	[sflag:s28] =	ssyncset.done $0x0  }
0x73: {  	s11 =	simm.s32 $0x1900;
	[sflag:s28] =	ssyncadd.s32 $0xFFFFC000  }
0x74: {  	[spmem:s1] =	stream.indirect.scatter.add.f32 [tilespmem:s22], [sflag:$0x3], $0x80, s11, s25, $0xb8;
	[tilespmem:$0x1E800] =	vst v63  }
0x75: {  	_ =	swait.ge [sflag:s23], $0x4000  }
0x76: {  	[sflag:s23] =	ssyncset.done $0x0  }
0x77: {  	s12 =	simm.s32 $0x600;
	[sflag:s23] =	ssyncadd.s32 $0xFFFFC000  }
0x78: {  	[tilespmem:s22], [sflag:$0x1] =	stream.indirect.gather [hbm4b:s4+s25], $0x80, s12, s25, $0xb8;
	[tilespmem:$0x1E800] =	vst v63  }
0x79: {  	_ =	swait.ge [sflag:s30], $0x4000  }
0x7a: {  	[sflag:s30] =	ssyncset.done $0x0  }
0x7b: {  	s11 =	simm.s32 $0x1980;
	[sflag:s30] =	ssyncadd.s32 $0xFFFFC000  }
0x7c: {  	[spmem:s1] =	stream.indirect.scatter.add.f32 [tilespmem:s26], [sflag:$0x3], $0x80, s11, s25, $0xb8;
	[tilespmem:$0x1E800] =	vst v63  }
0x7d: {  	_ =	swait.ge [sflag:s23], $0x4000  }
0x7e: {  	[sflag:s23] =	ssyncset.done $0x0  }
0x7f: {  	s12 =	simm.s32 $0x680;
	[sflag:s23] =	ssyncadd.s32 $0xFFFFC000  }
0x80: {  	[tilespmem:s26], [sflag:$0x2] =	stream.indirect.gather [hbm4b:s4+s25], $0x80, s12, s25, $0xb8;
	[tilespmem:$0x1E800] =	vst v63  }
0x81: {  	_ =	swait.ge [sflag:s28], $0x4000  }
0x82: {  	[sflag:s28] =	ssyncset.done $0x0  }
0x83: {  	s11 =	simm.s32 $0x1A00;
	[sflag:s28] =	ssyncadd.s32 $0xFFFFC000  }
0x84: {  	[spmem:s1] =	stream.indirect.scatter.add.f32 [tilespmem:s22], [sflag:$0x3], $0x80, s11, s25, $0xb8;
	[tilespmem:$0x1E800] =	vst v63  }
0x85: {  	_ =	swait.ge [sflag:s23], $0x4000  }
0x86: {  	[sflag:s23] =	ssyncset.done $0x0  }
0x87: {  	s12 =	simm.s32 $0x700;
	[sflag:s23] =	ssyncadd.s32 $0xFFFFC000  }
0x88: {  	[tilespmem:s22], [sflag:$0x1] =	stream.indirect.gather [hbm4b:s4+s25], $0x80, s12, s25, $0xb8;
	[tilespmem:$0x1E800] =	vst v63  }
0x89: {  	_ =	swait.ge [sflag:s30], $0x4000  }
0x8a: {  	[sflag:s30] =	ssyncset.done $0x0  }
0x8b: {  	s11 =	simm.s32 $0x1A80;
	[sflag:s30] =	ssyncadd.s32 $0xFFFFC000  }
0x8c: {  	[spmem:s1] =	stream.indirect.scatter.add.f32 [tilespmem:s26], [sflag:$0x3], $0x80, s11, s25, $0xb8;
	[tilespmem:$0x1E800] =	vst v63  }
0x8d: {  	_ =	swait.ge [sflag:s23], $0x4000  }
0x8e: {  	s10 =	simm.s32 $0x1B80;
	[sflag:s23] =	ssyncset.done $0x0  }
0x8f: {  	s12 =	simm.s32 $0x780;
	s11 =	simm.s32 $0x1B00;
	[sflag:s23] =	ssyncadd.s32 $0xFFFFC000  }
0x90: {  	[tilespmem:s26], [sflag:$0x2] =	stream.indirect.gather [hbm4b:s4+s25], $0x80, s12, s25, $0xb8;
	[tilespmem:$0x1E800] =	vst v63  }
.LBB2_14:
0x91: {  	_ =	swait.ge [sflag:s28], $0x4000  }
0x92: {  	[sflag:s28] =	ssyncset.done $0x0  }
0x93: {  	[sflag:s28] =	ssyncadd.s32 $0xFFFFC000  }
0x94: {  	[spmem:s1] =	stream.indirect.scatter.add.f32 [tilespmem:s22], [sflag:$0x3], $0x80, s11, s25, $0xb8;
	[tilespmem:$0x1E800] =	vst v63  }
0x95: {  	_ =	swait.ge [sflag:s23], $0x4000  }
0x96: {  	[sflag:s23] =	ssyncset.done $0x0  }
0x97: {  	[sflag:s23] =	ssyncadd.s32 $0xFFFFC000  }
0x98: {  	_ =	swait.ge [sflag:s30], $0x4000  }
0x99: {  	[sflag:s30] =	ssyncset.done $0x0  }
0x9a: {  	[sflag:s30] =	ssyncadd.s32 $0xFFFFC000  }
0x9b: {  	[spmem:s1] =	stream.indirect.scatter.add.f32 [tilespmem:s26], [sflag:$0x3], $0x80, s10, s25, $0xb8;
	[tilespmem:$0x1E800] =	vst v63  }
0x9c: {  	_ =	swait.ge [sflag:s23], $0x4000  }
0x9d: {  	s12 =	sshrl.u32 s5, $0x3;
	s0 =	sadd.s32 $0x1, s0;
	[sflag:s23] =	ssyncset.done $0x0  }
0x9e: {  	p1 =	sne.s32 s0, s21;
	s11 =	sshll.u32 s2, $0x6;
	[sflag:s23] =	ssyncadd.s32 $0xFFFFC000  }
.Ltmp1:
0x9f: {  	s10 =	sor.u32 $0x1C03, s11;
	[bflag:$0x0] =	sbarrier.arrive $0xFFFF;
	(pc) =	sbr.rel @!p1 .LBB2_15-.Ltmp1, $4  }
0xa0: {  	[hbm:s20], [sflag:s10] =	dma.local [spmem:s12], $0x2800  }
0xa1: {  	_ =	swait.ge [sflag:s23], $0x2800  }
0xa2: {  	[sflag:s23] =	ssyncset.done $0x0  }
0xa3: {  	[sflag:s23] =	ssyncadd.s32 $0xFFFFD800  }
.LBB2_1:
0xa4: {  	s10 =	simm.s32 $0x0;
	s11 =	simm.s32 $0x200  }
.LBB2_2:
0xa5: {  	p1 =	sne.s32 s11, $0xFE00;
	[tilespmem:s10+$0x2870] =	vst v0  }
0xa6: {  	[tilespmem:s10+$0x2800] =	vst v0  }
0xa7: {  	[tilespmem:s10+$0x2810] =	vst v0  }
.Ltmp2:
0xa8: {  	[tilespmem:s10+$0x2820] =	vst v0;
	(pc) =	sbr.rel @p1 .LBB2_2-.Ltmp2, $4  }
0xa9: {  	[tilespmem:s10+$0x2830] =	vst v0  }
0xaa: {  	[tilespmem:s10+$0x2840] =	vst v0  }
0xab: {  	[tilespmem:s10+$0x2850] =	vst v0  }
0xac: {  	[tilespmem:s10+$0x2860] =	vst v0;
	s10 =	sshra.s32 s11, $0x2;
	s11 =	sadd.s32 $0x200, s11  }
0xad: {  	[tilespmem:s10+$0x2870] =	vst v0  }
0xae: {  	[tilespmem:s10+$0x2800] =	vst v0  }
0xaf: {  	[tilespmem:s10+$0x2810] =	vst v0  }
0xb0: {  	[tilespmem:s10+$0x2820] =	vst v0  }
0xb1: {  	[tilespmem:s10+$0x2830] =	vst v0  }
0xb2: {  	[tilespmem:s10+$0x2840] =	vst v0  }
0xb3: {  	[tilespmem:s10+$0x2850] =	vst v0  }
0xb4: {  	[tilespmem:s10+$0x2860] =	vst v0  }
0xb5: {  	[spmem:s5] =	stream.linear.scatter [tilespmem:s22], [sflag:$0x3], $0x4000, $0x38;
	[tilespmem:$0x1E800] =	vst v63  }
0xb6: {  	_ =	swait.ge [sflag:s23], $0x4000  }
0xb7: {  	[sflag:s23] =	ssyncset.done $0x0  }
0xb8: {  	[sflag:s23] =	ssyncadd.s32 $0xFFFFC000  }
0xb9: {  	[spmem:s6] =	stream.linear.scatter [tilespmem:s22], [sflag:$0x3], $0x4000, $0x38;
	[tilespmem:$0x1E800] =	vst v63  }
0xba: {  	_ =	swait.ge [sflag:s23], $0x4000  }
0xbb: {  	[sflag:s23] =	ssyncset.done $0x0  }
0xbc: {  	[sflag:s23] =	ssyncadd.s32 $0xFFFFC000  }
0xbd: {  	[spmem:s7] =	stream.linear.scatter [tilespmem:s22], [sflag:$0x3], $0x4000, $0x38;
	[tilespmem:$0x1E800] =	vst v63  }
0xbe: {  	_ =	swait.ge [sflag:s23], $0x4000  }
0xbf: {  	[sflag:s23] =	ssyncset.done $0x0  }
0xc0: {  	[sflag:s23] =	ssyncadd.s32 $0xFFFFC000  }
0xc1: {  	[spmem:s8] =	stream.linear.scatter [tilespmem:s22], [sflag:$0x3], $0x4000, $0x38;
	[tilespmem:$0x1E800] =	vst v63  }
0xc2: {  	_ =	swait.ge [sflag:s23], $0x4000  }
0xc3: {  	[sflag:s23] =	ssyncset.done $0x0  }
0xc4: {  	[sflag:s23] =	ssyncadd.s32 $0xFFFFC000  }
0xc5: {  	[spmem:s9] =	stream.linear.scatter [tilespmem:s22], [sflag:$0x3], $0x4000, $0x38;
	[tilespmem:$0x1E800] =	vst v63  }
.Ltmp3:
0xc6: {  	_ =	swait.ge [sflag:s23], $0x4000;
	(pc) =	sbr.rel @p0 .LBB2_13-.Ltmp3, $3  }
0xc7: {  	[sflag:s23] =	ssyncset.done $0x0  }
0xc8: {  	[sflag:s23] =	ssyncadd.s32 $0xFFFFC000  }
0xc9: {  	[bflag:$0x0] =	sbarrier.arrive $0xFFFF;
	_ =	sdelay $0x1  }
0xca: {  	s10 =	simm.s32 $0x0;
	s11 =	rddreg [dreg:$0x3]  }
0xcb: {  	[tilespmem:s10], [sflag:$0x3] =	stream.linear.gather [hbm4b:s11+s10], $0x1400, $0x38;
	[tilespmem:$0x1E800] =	vst v63  }
0xcc: {  	_ =	swait.ge [sflag:s23], $0x1400  }
0xcd: {  	[sflag:s23] =	ssyncset.done $0x0  }
0xce: {  	s12 =	rddreg [dreg:$0x4];
	[sflag:s23] =	ssyncadd.s32 $0xFFFFEC00  }
0xcf: {  	[tilespmem:s24], [sflag:$0x3] =	stream.linear.gather [hbm4b:s12+s10], $0x1400, $0x38;
	[tilespmem:$0x1E800] =	vst v63  }
0xd0: {  	_ =	swait.ge [sflag:s23], $0x1400  }
0xd1: {  	[sflag:s23] =	ssyncset.done $0x0  }
0xd2: {  	[sflag:s23] =	ssyncadd.s32 $0xFFFFEC00  }
0xd3: {  	[tilespmem:s22], [sflag:$0x1] =	stream.indirect.gather [hbm4b:s4+s25], $0x80, s10, s25, $0xb8;
	[tilespmem:$0x1E800] =	vst v63  }
0xd4: {  	_ = 	snop  }
0xd5: {  	[tilespmem:s26], [sflag:$0x2] =	stream.indirect.gather [hbm4b:s4+s25], $0x80, s25, s25, $0xb8;
	[tilespmem:$0x1E800] =	vst v63  }
0xd6: {  	_ =	swait.ge [sflag:s28], $0x4000  }
0xd7: {  	[sflag:s28] =	ssyncset.done $0x0  }
0xd8: {  	s12 =	simm.s32 $0x1400;
	[sflag:s28] =	ssyncadd.s32 $0xFFFFC000  }
0xd9: {  	[spmem:s1] =	stream.indirect.scatter.add.f32 [tilespmem:s22], [sflag:$0x3], $0x80, s12, s25, $0xb8;
	[tilespmem:$0x1E800] =	vst v63  }
0xda: {  	_ =	swait.ge [sflag:s23], $0x4000  }
0xdb: {  	[sflag:s23] =	ssyncset.done $0x0  }
0xdc: {  	s11 =	simm.s32 $0x100;
	[sflag:s23] =	ssyncadd.s32 $0xFFFFC000  }
0xdd: {  	[tilespmem:s22], [sflag:$0x1] =	stream.indirect.gather [hbm4b:s4+s25], $0x80, s11, s25, $0xb8;
	[tilespmem:$0x1E800] =	vst v63  }
0xde: {  	_ =	swait.ge [sflag:s30], $0x4000  }
0xdf: {  	[sflag:s30] =	ssyncset.done $0x0  }
0xe0: {  	s12 =	simm.s32 $0x1480;
	[sflag:s30] =	ssyncadd.s32 $0xFFFFC000  }
0xe1: {  	[spmem:s1] =	stream.indirect.scatter.add.f32 [tilespmem:s26], [sflag:$0x3], $0x80, s12, s25, $0xb8;
	[tilespmem:$0x1E800] =	vst v63  }
0xe2: {  	_ =	swait.ge [sflag:s23], $0x4000  }
0xe3: {  	[sflag:s23] =	ssyncset.done $0x0  }
0xe4: {  	s10 =	simm.s32 $0x400;
	s11 =	simm.s32 $0x180;
	[sflag:s23] =	ssyncadd.s32 $0xFFFFC000  }
.LBB2_5:
0xe5: {  	[tilespmem:s26], [sflag:$0x2] =	stream.indirect.gather [hbm4b:s4+s25], $0x80, s11, s25, $0xb8;
	[tilespmem:$0x1E800] =	vst v63  }
0xe6: {  	s11 =	smov.u32 s10  }
0xe7: {  	p1 =	sne.s32 s10, $0x4800;
	s10 =	sadd.s32 $0x400, s10;
	_ =	swait.ge [sflag:s28], $0x4000  }
0xe8: {  	s11 =	sshra.s32 s11, $0x2;
	[sflag:s28] =	ssyncset.done $0x0  }
0xe9: {  	s12 =	sadd.s32 $0x1400, s11;
	[sflag:s28] =	ssyncadd.s32 $0xFFFFC000  }
0xea: {  	[spmem:s1] =	stream.indirect.scatter.add.f32 [tilespmem:s22], [sflag:$0x3], $0x80, s12, s25, $0xb8;
	[tilespmem:$0x1E800] =	vst v63  }
0xeb: {  	_ =	swait.ge [sflag:s23], $0x4000  }
0xec: {  	[sflag:s23] =	ssyncset.done $0x0  }
0xed: {  	s12 =	sadd.s32 $0x100, s11;
	[sflag:s23] =	ssyncadd.s32 $0xFFFFC000  }
0xee: {  	[tilespmem:s22], [sflag:$0x1] =	stream.indirect.gather [hbm4b:s4+s25], $0x80, s12, s25, $0xb8;
	[tilespmem:$0x1E800] =	vst v63  }
0xef: {  	_ =	swait.ge [sflag:s30], $0x4000  }
0xf0: {  	[sflag:s30] =	ssyncset.done $0x0  }
.Ltmp4:
0xf1: {  	s12 =	sadd.s32 $0x1480, s11;
	[sflag:s30] =	ssyncadd.s32 $0xFFFFC000;
	(pc) =	sbr.rel @p1 .LBB2_5-.Ltmp4, $4  }
0xf2: {  	[spmem:s1] =	stream.indirect.scatter.add.f32 [tilespmem:s26], [sflag:$0x3], $0x80, s12, s25, $0xb8;
	[tilespmem:$0x1E800] =	vst v63  }
0xf3: {  	_ =	swait.ge [sflag:s23], $0x4000  }
0xf4: {  	[sflag:s23] =	ssyncset.done $0x0  }
0xf5: {  	s11 =	sadd.s32 $0x180, s11;
	[sflag:s23] =	ssyncadd.s32 $0xFFFFC000  }
0xf6: {  	[tilespmem:s26], [sflag:$0x2] =	stream.indirect.gather [hbm4b:s4+s25], $0x80, s11, s25, $0xb8;
	[tilespmem:$0x1E800] =	vst v63  }
0xf7: {  	_ =	swait.ge [sflag:s28], $0x4000  }
0xf8: {  	[sflag:s28] =	ssyncset.done $0x0  }
0xf9: {  	[sflag:s28] =	ssyncadd.s32 $0xFFFFC000  }
0xfa: {  	[spmem:s1] =	stream.indirect.scatter.add.f32 [tilespmem:s22], [sflag:$0x3], $0x80, s29, s25, $0xb8;
	[tilespmem:$0x1E800] =	vst v63  }
0xfb: {  	_ =	swait.ge [sflag:s23], $0x4000  }
0xfc: {  	[sflag:s23] =	ssyncset.done $0x0  }
0xfd: {  	[sflag:s23] =	ssyncadd.s32 $0xFFFFC000  }
0xfe: {  	_ =	swait.ge [sflag:s30], $0x4000  }
0xff: {  	[sflag:s30] =	ssyncset.done $0x0  }
0x100: {  	[sflag:s30] =	ssyncadd.s32 $0xFFFFC000  }
0x101: {  	[spmem:s1] =	stream.indirect.scatter.add.f32 [tilespmem:s26], [sflag:$0x3], $0x80, s31, s25, $0xb8;
	[tilespmem:$0x1E800] =	vst v63  }
0x102: {  	_ =	swait.ge [sflag:s23], $0x4000  }
0x103: {  	[sflag:s23] =	ssyncset.done $0x0  }
0x104: {  	s10 =	simm.s32 $0x0;
	s12 =	rddreg [dreg:$0x5];
	[sflag:s23] =	ssyncadd.s32 $0xFFFFC000  }
0x105: {  	[tilespmem:s10], [sflag:$0x3] =	stream.linear.gather [hbm4b:s12+s10], $0x1400, $0x38;
	[tilespmem:$0x1E800] =	vst v63  }
0x106: {  	_ =	swait.ge [sflag:s23], $0x1400  }
0x107: {  	[sflag:s23] =	ssyncset.done $0x0  }
0x108: {  	[sflag:s23] =	ssyncadd.s32 $0xFFFFEC00  }
0x109: {  	[tilespmem:s24], [sflag:$0x3] =	stream.linear.gather [hbm4b:s13+s10], $0x1400, $0x38;
	[tilespmem:$0x1E800] =	vst v63  }
0x10a: {  	_ =	swait.ge [sflag:s23], $0x1400  }
0x10b: {  	[sflag:s23] =	ssyncset.done $0x0  }
0x10c: {  	[sflag:s23] =	ssyncadd.s32 $0xFFFFEC00  }
0x10d: {  	[tilespmem:s22], [sflag:$0x1] =	stream.indirect.gather [hbm4b:s4+s25], $0x80, s10, s25, $0xb8;
	[tilespmem:$0x1E800] =	vst v63  }
0x10e: {  	_ = 	snop  }
0x10f: {  	[tilespmem:s26], [sflag:$0x2] =	stream.indirect.gather [hbm4b:s4+s25], $0x80, s25, s25, $0xb8;
	[tilespmem:$0x1E800] =	vst v63  }
0x110: {  	_ =	swait.ge [sflag:s28], $0x4000  }
0x111: {  	[sflag:s28] =	ssyncset.done $0x0  }
0x112: {  	s12 =	simm.s32 $0x1400;
	[sflag:s28] =	ssyncadd.s32 $0xFFFFC000  }
0x113: {  	[spmem:s1] =	stream.indirect.scatter.add.f32 [tilespmem:s22], [sflag:$0x3], $0x80, s12, s25, $0xb8;
	[tilespmem:$0x1E800] =	vst v63  }
0x114: {  	_ =	swait.ge [sflag:s23], $0x4000  }
0x115: {  	[sflag:s23] =	ssyncset.done $0x0  }
0x116: {  	s11 =	simm.s32 $0x100;
	[sflag:s23] =	ssyncadd.s32 $0xFFFFC000  }
0x117: {  	[tilespmem:s22], [sflag:$0x1] =	stream.indirect.gather [hbm4b:s4+s25], $0x80, s11, s25, $0xb8;
	[tilespmem:$0x1E800] =	vst v63  }
0x118: {  	_ =	swait.ge [sflag:s30], $0x4000  }
0x119: {  	[sflag:s30] =	ssyncset.done $0x0  }
0x11a: {  	s12 =	simm.s32 $0x1480;
	[sflag:s30] =	ssyncadd.s32 $0xFFFFC000  }
0x11b: {  	[spmem:s1] =	stream.indirect.scatter.add.f32 [tilespmem:s26], [sflag:$0x3], $0x80, s12, s25, $0xb8;
	[tilespmem:$0x1E800] =	vst v63  }
0x11c: {  	_ =	swait.ge [sflag:s23], $0x4000  }
0x11d: {  	[sflag:s23] =	ssyncset.done $0x0  }
0x11e: {  	s10 =	simm.s32 $0x400;
	s11 =	simm.s32 $0x180;
	[sflag:s23] =	ssyncadd.s32 $0xFFFFC000  }
.LBB2_7:
0x11f: {  	[tilespmem:s26], [sflag:$0x2] =	stream.indirect.gather [hbm4b:s4+s25], $0x80, s11, s25, $0xb8;
	[tilespmem:$0x1E800] =	vst v63  }
0x120: {  	s11 =	smov.u32 s10  }
0x121: {  	p1 =	sne.s32 s10, $0x4800;
	s10 =	sadd.s32 $0x400, s10;
	_ =	swait.ge [sflag:s28], $0x4000  }
0x122: {  	s11 =	sshra.s32 s11, $0x2;
	[sflag:s28] =	ssyncset.done $0x0  }
0x123: {  	s12 =	sadd.s32 $0x1400, s11;
	[sflag:s28] =	ssyncadd.s32 $0xFFFFC000  }
0x124: {  	[spmem:s1] =	stream.indirect.scatter.add.f32 [tilespmem:s22], [sflag:$0x3], $0x80, s12, s25, $0xb8;
	[tilespmem:$0x1E800] =	vst v63  }
0x125: {  	_ =	swait.ge [sflag:s23], $0x4000  }
0x126: {  	[sflag:s23] =	ssyncset.done $0x0  }
0x127: {  	s12 =	sadd.s32 $0x100, s11;
	[sflag:s23] =	ssyncadd.s32 $0xFFFFC000  }
0x128: {  	[tilespmem:s22], [sflag:$0x1] =	stream.indirect.gather [hbm4b:s4+s25], $0x80, s12, s25, $0xb8;
	[tilespmem:$0x1E800] =	vst v63  }
0x129: {  	_ =	swait.ge [sflag:s30], $0x4000  }
0x12a: {  	[sflag:s30] =	ssyncset.done $0x0  }
.Ltmp5:
0x12b: {  	s12 =	sadd.s32 $0x1480, s11;
	[sflag:s30] =	ssyncadd.s32 $0xFFFFC000;
	(pc) =	sbr.rel @p1 .LBB2_7-.Ltmp5, $4  }
0x12c: {  	[spmem:s1] =	stream.indirect.scatter.add.f32 [tilespmem:s26], [sflag:$0x3], $0x80, s12, s25, $0xb8;
	[tilespmem:$0x1E800] =	vst v63  }
0x12d: {  	_ =	swait.ge [sflag:s23], $0x4000  }
0x12e: {  	[sflag:s23] =	ssyncset.done $0x0  }
0x12f: {  	s11 =	sadd.s32 $0x180, s11;
	[sflag:s23] =	ssyncadd.s32 $0xFFFFC000  }
0x130: {  	[tilespmem:s26], [sflag:$0x2] =	stream.indirect.gather [hbm4b:s4+s25], $0x80, s11, s25, $0xb8;
	[tilespmem:$0x1E800] =	vst v63  }
0x131: {  	_ =	swait.ge [sflag:s28], $0x4000  }
0x132: {  	[sflag:s28] =	ssyncset.done $0x0  }
0x133: {  	[sflag:s28] =	ssyncadd.s32 $0xFFFFC000  }
0x134: {  	[spmem:s1] =	stream.indirect.scatter.add.f32 [tilespmem:s22], [sflag:$0x3], $0x80, s29, s25, $0xb8;
	[tilespmem:$0x1E800] =	vst v63  }
0x135: {  	_ =	swait.ge [sflag:s23], $0x4000  }
0x136: {  	[sflag:s23] =	ssyncset.done $0x0  }
0x137: {  	[sflag:s23] =	ssyncadd.s32 $0xFFFFC000  }
0x138: {  	_ =	swait.ge [sflag:s30], $0x4000  }
0x139: {  	[sflag:s30] =	ssyncset.done $0x0  }
0x13a: {  	[sflag:s30] =	ssyncadd.s32 $0xFFFFC000  }
0x13b: {  	[spmem:s1] =	stream.indirect.scatter.add.f32 [tilespmem:s26], [sflag:$0x3], $0x80, s31, s25, $0xb8;
	[tilespmem:$0x1E800] =	vst v63  }
0x13c: {  	_ =	swait.ge [sflag:s23], $0x4000  }
0x13d: {  	[sflag:s23] =	ssyncset.done $0x0  }
0x13e: {  	s10 =	simm.s32 $0x0;
	[sflag:s23] =	ssyncadd.s32 $0xFFFFC000  }
0x13f: {  	[tilespmem:s10], [sflag:$0x3] =	stream.linear.gather [hbm4b:s14+s10], $0x1400, $0x38;
	[tilespmem:$0x1E800] =	vst v63  }
0x140: {  	_ =	swait.ge [sflag:s23], $0x1400  }
0x141: {  	[sflag:s23] =	ssyncset.done $0x0  }
0x142: {  	[sflag:s23] =	ssyncadd.s32 $0xFFFFEC00  }
0x143: {  	[tilespmem:s24], [sflag:$0x3] =	stream.linear.gather [hbm4b:s15+s10], $0x1400, $0x38;
	[tilespmem:$0x1E800] =	vst v63  }
0x144: {  	_ =	swait.ge [sflag:s23], $0x1400  }
0x145: {  	[sflag:s23] =	ssyncset.done $0x0  }
0x146: {  	[sflag:s23] =	ssyncadd.s32 $0xFFFFEC00  }
0x147: {  	[tilespmem:s22], [sflag:$0x1] =	stream.indirect.gather [hbm4b:s4+s25], $0x80, s10, s25, $0xb8;
	[tilespmem:$0x1E800] =	vst v63  }
0x148: {  	_ = 	snop  }
0x149: {  	[tilespmem:s26], [sflag:$0x2] =	stream.indirect.gather [hbm4b:s4+s25], $0x80, s25, s25, $0xb8;
	[tilespmem:$0x1E800] =	vst v63  }
0x14a: {  	_ =	swait.ge [sflag:s28], $0x4000  }
0x14b: {  	[sflag:s28] =	ssyncset.done $0x0  }
0x14c: {  	s12 =	simm.s32 $0x1400;
	[sflag:s28] =	ssyncadd.s32 $0xFFFFC000  }
0x14d: {  	[spmem:s1] =	stream.indirect.scatter.add.f32 [tilespmem:s22], [sflag:$0x3], $0x80, s12, s25, $0xb8;
	[tilespmem:$0x1E800] =	vst v63  }
0x14e: {  	_ =	swait.ge [sflag:s23], $0x4000  }
0x14f: {  	[sflag:s23] =	ssyncset.done $0x0  }
0x150: {  	s11 =	simm.s32 $0x100;
	[sflag:s23] =	ssyncadd.s32 $0xFFFFC000  }
0x151: {  	[tilespmem:s22], [sflag:$0x1] =	stream.indirect.gather [hbm4b:s4+s25], $0x80, s11, s25, $0xb8;
	[tilespmem:$0x1E800] =	vst v63  }
0x152: {  	_ =	swait.ge [sflag:s30], $0x4000  }
0x153: {  	[sflag:s30] =	ssyncset.done $0x0  }
0x154: {  	s12 =	simm.s32 $0x1480;
	[sflag:s30] =	ssyncadd.s32 $0xFFFFC000  }
0x155: {  	[spmem:s1] =	stream.indirect.scatter.add.f32 [tilespmem:s26], [sflag:$0x3], $0x80, s12, s25, $0xb8;
	[tilespmem:$0x1E800] =	vst v63  }
0x156: {  	_ =	swait.ge [sflag:s23], $0x4000  }
0x157: {  	[sflag:s23] =	ssyncset.done $0x0  }
0x158: {  	s10 =	simm.s32 $0x400;
	s11 =	simm.s32 $0x180;
	[sflag:s23] =	ssyncadd.s32 $0xFFFFC000  }
.LBB2_9:
0x159: {  	[tilespmem:s26], [sflag:$0x2] =	stream.indirect.gather [hbm4b:s4+s25], $0x80, s11, s25, $0xb8;
	[tilespmem:$0x1E800] =	vst v63  }
0x15a: {  	s11 =	smov.u32 s10  }
0x15b: {  	p1 =	sne.s32 s10, $0x4800;
	s10 =	sadd.s32 $0x400, s10;
	_ =	swait.ge [sflag:s28], $0x4000  }
0x15c: {  	s11 =	sshra.s32 s11, $0x2;
	[sflag:s28] =	ssyncset.done $0x0  }
0x15d: {  	s12 =	sadd.s32 $0x1400, s11;
	[sflag:s28] =	ssyncadd.s32 $0xFFFFC000  }
0x15e: {  	[spmem:s1] =	stream.indirect.scatter.add.f32 [tilespmem:s22], [sflag:$0x3], $0x80, s12, s25, $0xb8;
	[tilespmem:$0x1E800] =	vst v63  }
0x15f: {  	_ =	swait.ge [sflag:s23], $0x4000  }
0x160: {  	[sflag:s23] =	ssyncset.done $0x0  }
0x161: {  	s12 =	sadd.s32 $0x100, s11;
	[sflag:s23] =	ssyncadd.s32 $0xFFFFC000  }
0x162: {  	[tilespmem:s22], [sflag:$0x1] =	stream.indirect.gather [hbm4b:s4+s25], $0x80, s12, s25, $0xb8;
	[tilespmem:$0x1E800] =	vst v63  }
0x163: {  	_ =	swait.ge [sflag:s30], $0x4000  }
0x164: {  	[sflag:s30] =	ssyncset.done $0x0  }
.Ltmp6:
0x165: {  	s12 =	sadd.s32 $0x1480, s11;
	[sflag:s30] =	ssyncadd.s32 $0xFFFFC000;
	(pc) =	sbr.rel @p1 .LBB2_9-.Ltmp6, $4  }
0x166: {  	[spmem:s1] =	stream.indirect.scatter.add.f32 [tilespmem:s26], [sflag:$0x3], $0x80, s12, s25, $0xb8;
	[tilespmem:$0x1E800] =	vst v63  }
0x167: {  	_ =	swait.ge [sflag:s23], $0x4000  }
0x168: {  	[sflag:s23] =	ssyncset.done $0x0  }
0x169: {  	s11 =	sadd.s32 $0x180, s11;
	[sflag:s23] =	ssyncadd.s32 $0xFFFFC000  }
0x16a: {  	[tilespmem:s26], [sflag:$0x2] =	stream.indirect.gather [hbm4b:s4+s25], $0x80, s11, s25, $0xb8;
	[tilespmem:$0x1E800] =	vst v63  }
0x16b: {  	_ =	swait.ge [sflag:s28], $0x4000  }
0x16c: {  	[sflag:s28] =	ssyncset.done $0x0  }
0x16d: {  	[sflag:s28] =	ssyncadd.s32 $0xFFFFC000  }
0x16e: {  	[spmem:s1] =	stream.indirect.scatter.add.f32 [tilespmem:s22], [sflag:$0x3], $0x80, s29, s25, $0xb8;
	[tilespmem:$0x1E800] =	vst v63  }
0x16f: {  	_ =	swait.ge [sflag:s23], $0x4000  }
0x170: {  	[sflag:s23] =	ssyncset.done $0x0  }
0x171: {  	[sflag:s23] =	ssyncadd.s32 $0xFFFFC000  }
0x172: {  	_ =	swait.ge [sflag:s30], $0x4000  }
0x173: {  	[sflag:s30] =	ssyncset.done $0x0  }
0x174: {  	[sflag:s30] =	ssyncadd.s32 $0xFFFFC000  }
0x175: {  	[spmem:s1] =	stream.indirect.scatter.add.f32 [tilespmem:s26], [sflag:$0x3], $0x80, s31, s25, $0xb8;
	[tilespmem:$0x1E800] =	vst v63  }
0x176: {  	_ =	swait.ge [sflag:s23], $0x4000  }
0x177: {  	[sflag:s23] =	ssyncset.done $0x0  }
0x178: {  	s10 =	simm.s32 $0x0;
	[sflag:s23] =	ssyncadd.s32 $0xFFFFC000  }
0x179: {  	[tilespmem:s10], [sflag:$0x3] =	stream.linear.gather [hbm4b:s16+s10], $0xC00, $0x38;
	[tilespmem:$0x1E800] =	vst v63  }
0x17a: {  	_ =	swait.ge [sflag:s23], $0xC00  }
0x17b: {  	[sflag:s23] =	ssyncset.done $0x0  }
0x17c: {  	[sflag:s23] =	ssyncadd.s32 $0xFFFFF400  }
0x17d: {  	[tilespmem:s24], [sflag:$0x3] =	stream.linear.gather [hbm4b:s17+s10], $0xC00, $0x38;
	[tilespmem:$0x1E800] =	vst v63  }
0x17e: {  	_ =	swait.ge [sflag:s23], $0xC00  }
0x17f: {  	[sflag:s23] =	ssyncset.done $0x0  }
0x180: {  	[sflag:s23] =	ssyncadd.s32 $0xFFFFF400  }
0x181: {  	[tilespmem:s22], [sflag:$0x1] =	stream.indirect.gather [hbm4b:s4+s25], $0x80, s10, s25, $0xb8;
	[tilespmem:$0x1E800] =	vst v63  }
0x182: {  	_ = 	snop  }
0x183: {  	[tilespmem:s26], [sflag:$0x2] =	stream.indirect.gather [hbm4b:s4+s25], $0x80, s25, s25, $0xb8;
	[tilespmem:$0x1E800] =	vst v63  }
0x184: {  	_ =	swait.ge [sflag:s28], $0x4000  }
0x185: {  	[sflag:s28] =	ssyncset.done $0x0  }
0x186: {  	s12 =	simm.s32 $0x1400;
	[sflag:s28] =	ssyncadd.s32 $0xFFFFC000  }
0x187: {  	[spmem:s1] =	stream.indirect.scatter.add.f32 [tilespmem:s22], [sflag:$0x3], $0x80, s12, s25, $0xb8;
	[tilespmem:$0x1E800] =	vst v63  }
0x188: {  	_ =	swait.ge [sflag:s23], $0x4000  }
0x189: {  	[sflag:s23] =	ssyncset.done $0x0  }
0x18a: {  	s11 =	simm.s32 $0x100;
	[sflag:s23] =	ssyncadd.s32 $0xFFFFC000  }
0x18b: {  	[tilespmem:s22], [sflag:$0x1] =	stream.indirect.gather [hbm4b:s4+s25], $0x80, s11, s25, $0xb8;
	[tilespmem:$0x1E800] =	vst v63  }
0x18c: {  	_ =	swait.ge [sflag:s30], $0x4000  }
0x18d: {  	p1 =	por $0x0, $0x0;
	[sflag:s30] =	ssyncset.done $0x0  }
.Ltmp7:
0x18e: {  	s12 =	simm.s32 $0x1480;
	[sflag:s30] =	ssyncadd.s32 $0xFFFFC000;
	(pc) =	sbr.rel @p1 .LBB2_12-.Ltmp7, $4  }
0x18f: {  	[spmem:s1] =	stream.indirect.scatter.add.f32 [tilespmem:s26], [sflag:$0x3], $0x80, s12, s25, $0xb8;
	[tilespmem:$0x1E800] =	vst v63  }
0x190: {  	_ =	swait.ge [sflag:s23], $0x4000  }
0x191: {  	[sflag:s23] =	ssyncset.done $0x0  }
0x192: {  	s10 =	simm.s32 $0x400;
	s11 =	simm.s32 $0x180;
	[sflag:s23] =	ssyncadd.s32 $0xFFFFC000  }
.LBB2_11:
0x193: {  	[tilespmem:s26], [sflag:$0x2] =	stream.indirect.gather [hbm4b:s4+s25], $0x80, s11, s25, $0xb8;
	[tilespmem:$0x1E800] =	vst v63  }
0x194: {  	s11 =	smov.u32 s10  }
0x195: {  	p1 =	seq.s32 s10, $0x2800;
	s10 =	sadd.s32 $0x400, s10;
	_ =	swait.ge [sflag:s28], $0x4000  }
0x196: {  	s11 =	sshra.s32 s11, $0x2;
	[sflag:s28] =	ssyncset.done $0x0  }
0x197: {  	s12 =	sadd.s32 $0x1400, s11;
	[sflag:s28] =	ssyncadd.s32 $0xFFFFC000  }
0x198: {  	[spmem:s1] =	stream.indirect.scatter.add.f32 [tilespmem:s22], [sflag:$0x3], $0x80, s12, s25, $0xb8;
	[tilespmem:$0x1E800] =	vst v63  }
0x199: {  	_ =	swait.ge [sflag:s23], $0x4000  }
0x19a: {  	[sflag:s23] =	ssyncset.done $0x0  }
0x19b: {  	s12 =	sadd.s32 $0x100, s11;
	[sflag:s23] =	ssyncadd.s32 $0xFFFFC000  }
0x19c: {  	[tilespmem:s22], [sflag:$0x1] =	stream.indirect.gather [hbm4b:s4+s25], $0x80, s12, s25, $0xb8;
	[tilespmem:$0x1E800] =	vst v63  }
0x19d: {  	_ =	swait.ge [sflag:s30], $0x4000  }
0x19e: {  	[sflag:s30] =	ssyncset.done $0x0  }
.Ltmp8:
0x19f: {  	s12 =	sadd.s32 $0x1480, s11;
	[sflag:s30] =	ssyncadd.s32 $0xFFFFC000;
	(pc) =	sbr.rel @!p1 .LBB2_11-.Ltmp8, $4  }
0x1a0: {  	[spmem:s1] =	stream.indirect.scatter.add.f32 [tilespmem:s26], [sflag:$0x3], $0x80, s12, s25, $0xb8;
	[tilespmem:$0x1E800] =	vst v63  }
0x1a1: {  	_ =	swait.ge [sflag:s23], $0x4000  }
0x1a2: {  	[sflag:s23] =	ssyncset.done $0x0  }
0x1a3: {  	s11 =	sadd.s32 $0x180, s11;
	[sflag:s23] =	ssyncadd.s32 $0xFFFFC000  }
.LBB2_12:
.Ltmp9:
0x1a4: {  	(pc) =	sbr.rel .LBB2_14-.Ltmp9, $3  }
0x1a5: {  	_ =	sdelay $0x1  }
0x1a6: {  	[tilespmem:s26], [sflag:$0x2] =	stream.indirect.gather [hbm4b:s4+s25], $0x80, s11, s25, $0xb8;
	[tilespmem:$0x1E800] =	vst v63  }
0x1a7: {  	s10 =	simm.s32 $0x1F80;
	s11 =	simm.s32 $0x1F00  }
.LBB2_15:
0x1a8: {  	_ =	sfence.sel $0x180000  }
0x1a9: {  	[bflag:$0x0] =	sbarrier.arrive $0xFFFF  }
0x1aa: {  	_ =	strace $0x9000004A  }
0x1ab: {  	[bflag:$0x2] =	sbarrier.arrive $0xFFFF  }
0x1ac: {  	p0 =	sne.s32 s2, $0x0;
	s0 =	rddreg [dreg:$0x2]  }
0x1ad: {  	s0 =	sadd.s32 @!p0 $0x100000, s0  }
0x1ae: {  	[sflag:s0] =	ssyncadd.tile.s32 @!p0 $0x1;
	_ =	shalt  }
.Lfunc_end2:
_tile_overlayer_lowered:
.L_overlay_start_2:
0x1af: {  	(tag) =	ssettag $0x2  }
0x1b0: {  	s0 =	rddreg [dreg:$0x0];
	s2 =	stileid.u32  }
0x1b1: {  	s1 =	rddreg [dreg:$0x1];
	p0 =	sne.s32 s2, $0x0  }
0x1b2: {  	s3 =	rddreg [dreg:$0x2];
	[bflag:$0x3] =	sbarrier.arrive $0xFFFF;
	s2 =	simm.s32 @!p0 $0x1C03  }
0x1b3: {  	[timem:s3], [sflag:s2] =	dma.local @!p0 [hbm:s0], s1  }
0x1b4: {  	s0 =	simm.s32 @!p0 $0x3  }
0x1b5: {  	_ =	swait.ge @!p0 [sflag:s0], s1  }
0x1b6: {  	s1 =	ssub.s32 @!p0 $0x0, s1;
	[sflag:s0] =	ssyncset.done @!p0 $0x0  }
0x1b7: {  	[sflag:s0] =	ssyncadd.s32 @!p0 s1  }
0x1b8: {  	[bflag:$0x3] =	sbarrier.arrive $0xFFFF  }
0x1b9: {  	_ =	shalt  }

// kernel: kernel.7.cloned.1.call-start
scs
__scs_entry_jumppad:
0x0: {  	(pc) =	sbr.rel $0x88, $3  }
0x1: {  	(tag) =	ssettag $0x0;
	lr =	simm.s32 $0x1  }
0x2: {  	[smem:$0x3F9D] =	sst lr;
	_ =	strace $0xD0000000  }
0x3: {  	_ = 	snop  }
0x4: {  	_ = 	snop  }
0x5: {  	_ = 	snop  }
0x6: {  	_ = 	snop  }
0x7: {  	_ = 	snop  }
__scs_overlays_trampoline_lowered:
0x8: {  	[smem:$0x3FAC] =	sst s0  }
0x9: {  	[smem:$0x3FAD] =	sst s1  }
0xa: {  	[smem:$0x3FAE] =	sst s2  }
0xb: {  	[smem:$0x3FAF] =	sst s3  }
0xc: {  	[smem:$0x3FB0] =	sst s4  }
0xd: {  	[smem:$0x3FB1] =	sst s5  }
0xe: {  	[smem:$0x3FB2] =	sst s6  }
0xf: {  	[smem:$0x3FB3] =	sst s7  }
0x10: {  	[smem:$0x3FB4] =	sst s8  }
0x11: {  	[smem:$0x3FB5] =	sst s9;
	s0 =	simm.s32 @!p0 $0x0  }
0x12: {  	s1 =	sld [smem:$0x3F9B];
	s0 =	simm.s32 @p0 $0x1  }
0x13: {  	[smem:$0x3FB6] =	sst s0;
	s0 =	simm.s32 @!p1 $0x0  }
0x14: {  	s2 =	sld [smem:$0x3F9A];
	s0 =	simm.s32 @p1 $0x1  }
0x15: {  	[smem:$0x3FB7] =	sst s0;
	s0 =	simm.s32 @!p2 $0x0  }
0x16: {  	s3 =	sld [smem:$0x3FDB];
	s0 =	simm.s32 @p2 $0x1  }
0x17: {  	s4 =	simm.s32 $0x1BF5;
	[smem:$0x3FB9] =	sst s0  }
0x18: {  	s0 =	sld [smem:$0x3F9C];
	_ =	swait.ge [sflag:s4], $0x0  }
0x19: {  	s7 =	sld [smem:$0x3F9D]  }
0x1a: {  	s8 =	sadd.s32 $0xFFFFE003, lr  }
0x1b: {  	s9 =	sadd.s32 $0xFFFFFEF7, lr;
	s5 =	simm.s32 $0xFFFFFFFF;
	p2 =	slt.u32 s8, $0xFFFFF086  }
0x1c: {  	p1 =	slt.u32 s9, $0xF7A;
	s5 =	simm.s32 @!p2 $0x0  }
0x1d: {  	s5 =	simm.s32 @p1 $0x1;
	p0 =	seq.s32 s7, s2  }
0x1e: {  	s7 =	smul.u32 @!p0 $0xF7A, s2;
	p2 =	seq.s32 @!p0 s5, $0x0  }
0x1f: {  	s9 =	smul.u32 $0xF7A, s1;
	s8 =	simm.s32 @!p0 $0x1BF5;
	p2 =	por !p2, p0  }
0x20: {  	[sflag:s8] =	ssyncset.s32 @!p0 $0xFFFFF086;
	s6 =	sadd.s32 @!p0 s3, s7;
	s7 =	simm.s32 @!p0 $0x108  }
0x21: {  	s3 =	sadd.s32 s3, s9;
	s6 =	sadd.s32 @!p0 $0x88, s6;
	s7 =	simm.s32 @p2 $0x1082  }
0x22: {  	[simem:s7], [sflag:s8] =	dma.local @!p0 [hbm:s6], $0xF7A  }
0x23: {  	s9 =	sor.u32 $0xD0000000, s2;
	s6 =	simm.s32 $0x108;
	_ =	swait.ge @!p0 [sflag:s8], $0x0  }
0x24: {  	s3 =	sadd.s32 $0x88, s3;
	s6 =	simm.s32 @!p1 $0x1082;
	[sflag:s4] =	ssyncset.s32 $0xFFFFF086  }
0x25: {  	[simem:s6], [sflag:s4] =	dma.local [hbm:s3], $0xF7A  }
0x26: {  	[smem:$0x3F9D] =	sst s1;
	(tag) =	ssettag s2;
	_ =	strace s9  }
0x27: {  	s1 =	sld [smem:$0x3FAD]  }
0x28: {  	s2 =	sld [smem:$0x3FAE]  }
0x29: {  	s4 =	sld [smem:$0x3FB0]  }
0x2a: {  	p0 =	seq.s32 s5, $0x0;
	s5 =	sld [smem:$0x3FB1]  }
0x2b: {  	s6 =	sld [smem:$0x3FB2]  }
0x2c: {  	s7 =	sld [smem:$0x3FB3]  }
0x2d: {  	s3 =	simm.s32 $0x108;
	s8 =	sld [smem:$0x3FB4]  }
0x2e: {  	s3 =	simm.s32 @!p0 $0x1082;
	s9 =	sld [smem:$0x3FB5]  }
0x2f: {  	lr =	sadd.s32 s0, s3;
	s0 =	sld [smem:$0x3FAC]  }
0x30: {  	s3 =	sld [smem:$0x3FAF]  }
0x31: {  	[smem:$0x3FB8] =	sst s10  }
0x32: {  	s10 =	sld [smem:$0x3FB6];
	_ =	sdelay $0x3  }
0x33: {  	p0 =	seq.s32 s10, $0x1;
	s10 =	sld [smem:$0x3FB8];
	_ =	sdelay $0x3  }
0x34: {  	[smem:$0x3FB8] =	sst s10  }
0x35: {  	s10 =	sld [smem:$0x3FB7];
	_ =	sdelay $0x3  }
0x36: {  	p1 =	seq.s32 s10, $0x1;
	s10 =	sld [smem:$0x3FB8];
	_ =	sdelay $0x3  }
0x37: {  	[smem:$0x3FB8] =	sst s10  }
0x38: {  	s10 =	sld [smem:$0x3FB9]  }
0x39: {  	_ = 	snop;
	(pc) =	sbr.ind lr, $3  }
0x3a: {  	_ = 	snop  }
0x3b: {  	_ = 	snop  }
0x3c: {  	p2 =	seq.s32 s10, $0x1;
	s10 =	sld [smem:$0x3FB8]  }
0x3d: {  	_ =	shalt  }
0x3e: {  	_ =	shalt  }
0x3f: {  	_ =	shalt  }
0x40: {  	_ =	shalt  }
0x41: {  	_ =	shalt  }
0x42: {  	_ =	shalt  }
0x43: {  	_ =	shalt  }
0x44: {  	_ =	shalt  }
0x45: {  	_ =	shalt  }
0x46: {  	_ =	shalt  }
0x47: {  	_ =	shalt  }
0x48: {  	_ =	shalt  }
0x49: {  	_ =	shalt  }
0x4a: {  	_ =	shalt  }
0x4b: {  	_ =	shalt  }
0x4c: {  	_ =	shalt  }
0x4d: {  	_ =	shalt  }
0x4e: {  	_ =	shalt  }
0x4f: {  	_ =	shalt  }
0x50: {  	_ =	shalt  }
0x51: {  	_ =	shalt  }
0x52: {  	_ =	shalt  }
0x53: {  	_ =	shalt  }
0x54: {  	_ =	shalt  }
0x55: {  	_ =	shalt  }
0x56: {  	_ =	shalt  }
0x57: {  	_ =	shalt  }
0x58: {  	_ =	shalt  }
0x59: {  	_ =	shalt  }
0x5a: {  	_ =	shalt  }
0x5b: {  	_ =	shalt  }
0x5c: {  	_ =	shalt  }
0x5d: {  	_ =	shalt  }
0x5e: {  	_ =	shalt  }
0x5f: {  	_ =	shalt  }
0x60: {  	_ =	shalt  }
0x61: {  	_ =	shalt  }
0x62: {  	_ =	shalt  }
0x63: {  	_ =	shalt  }
0x64: {  	_ =	shalt  }
0x65: {  	_ =	shalt  }
0x66: {  	_ =	shalt  }
0x67: {  	_ =	shalt  }
0x68: {  	_ =	shalt  }
0x69: {  	_ =	shalt  }
0x6a: {  	_ =	shalt  }
0x6b: {  	_ =	shalt  }
0x6c: {  	_ =	shalt  }
0x6d: {  	_ =	shalt  }
0x6e: {  	_ =	shalt  }
0x6f: {  	_ =	shalt  }
0x70: {  	_ =	shalt  }
0x71: {  	_ =	shalt  }
0x72: {  	_ =	shalt  }
0x73: {  	_ =	shalt  }
0x74: {  	_ =	shalt  }
0x75: {  	_ =	shalt  }
0x76: {  	_ =	shalt  }
0x77: {  	_ =	shalt  }
0x78: {  	_ =	shalt  }
0x79: {  	_ =	shalt  }
0x7a: {  	_ =	shalt  }
0x7b: {  	_ =	shalt  }
0x7c: {  	_ =	shalt  }
0x7d: {  	_ =	shalt  }
0x7e: {  	_ =	shalt  }
0x7f: {  	_ =	shalt  }
0x80: {  	_ =	shalt  }
0x81: {  	_ =	shalt  }
0x82: {  	_ =	shalt  }
0x83: {  	_ =	shalt  }
0x84: {  	_ =	shalt  }
0x85: {  	_ =	shalt  }
0x86: {  	_ =	shalt  }
0x87: {  	_ =	shalt  }
.Lfunc_end0:
.L_simem_size_0:
called_computation_lowered:
.L_overlay_start_0:
0x88: {  	s2 =	sld [smem:$0x3FD9]  }
0x89: {  	s3 =	sld [smem:$0x3FFE];
	_ =	sdelay $0x1  }
0x8a: {  	s1 =	srdreg.scid  }
0x8b: {  	s0 =	sand.u32 $0x1, s1  }
0x8c: {  	s17 =	sshll.u32 s0, $0xA;
	s2 =	sadd.s32 s3, s2  }
0x8d: {  	s2 =	sadd.s32 s2, s17  }
0x8e: {  	[smem:$0x3FC4] =	sst s2  }
0x8f: {  	_ = 	snop  }
0x90: {  	s2 =	sld [smem:$0x3FD0];
	(tm) =	ssettm $0x1  }
0x91: {  	s18 =	sld [smem:$0x3FFB];
	_ =	sdelay $0x3  }
0x92: {  	_ =	strace s18  }
0x93: {  	s3 =	sld [smem:$0x3FFC];
	_ =	sdelay $0x3  }
0x94: {  	_ =	strace s3  }
0x95: {  	s3 =	sld [smem:$0x3FFD];
	_ =	sdelay $0x3  }
0x96: {  	_ =	strace s3  }
0x97: {  	_ =	strace $0x8FFFFFFF  }
0x98: {  	s19 =	sld [smem:$0x3FDB];
	_ =	sdelay $0x1  }
0x99: {  	s4 =	simm.s32 $_scs_section_size  }
0x9a: {  	s5 =	simm.s32 $_size__tile_overlayer_lowered;
	s6 =	simm.s32 $_tile_overlayer_lowered  }
0x9b: {  	s22 =	simm.s32 $0x1BFF;
	s21 =	sshll.u32 s6, $0x1;
	s3 =	sadd.s32 s4, s19  }
0x9c: {  	s7 =	simm.s32 $0x0;
	s20 =	sshll.u32 s5, $0x1;
	s5 =	sadd.s32 s21, s3  }
0x9d: {  	[timem:s7], [sflag:s22] =	dma.local [hbm:s5], s20  }
0x9e: {  	_ =	swait.ge [sflag:s22], s20  }
0x9f: {  	s4 =	ssub.s32 $0x0, s20;
	[sflag:s22] =	ssyncset.done $0x0  }
0xa0: {  	[sflag:s22] =	ssyncadd.s32 s4;
	_ =	sdelay $0x1  }
0xa1: {  	s23 =	simm.s32 $0x1B8B  }
0xa2: {  	_ =	swait.ge [sflag:s23], $0x1  }
0xa3: {  	[sflag:s23] =	ssyncset.done $0x0  }
0xa4: {  	s25 =	simm.s32 $0x1B8E;
	s24 =	sld [smem:$0x3FFE];
	[sflag:s23] =	ssyncadd.s32 $0xFFFFFFFF  }
0xa5: {  	s26 =	simm.s32 $execute0_lowered;
	[smem:$0x3FD2] =	sst s25  }
0xa6: {  	s5 =	sshll.u32 s26, $0x1;
	_ =	strace $0x80000046;
	[dreg:$0x1] =	wrdreg $0xFFFFFFFF  }
0xa7: {  	s28 =	simm.s32 $_size_execute0_lowered;
	s3 =	sadd.s32 s3, s5;
	[dreg:$0x0] =	wrdreg $0x0  }
0xa8: {  	s5 =	sshll.u32 s28, $0x1;
	[dreg:$0x2] =	wrdreg s3  }
0xa9: {  	[dreg:$0x3] =	wrdreg s5  }
0xaa: {  	[dreg:$0x4] =	wrdreg $0xC0  }
0xab: {  	_ =	task [dreg:s7], $0x5FFFF  }
0xac: {  	[dreg:$0x1] =	wrdreg $0xFFFFFFFF  }
0xad: {  	[dreg:$0x0] =	wrdreg $0x60  }
0xae: {  	[dreg:$0x2] =	wrdreg s24  }
0xaf: {  	[dreg:$0x3] =	wrdreg s2  }
0xb0: {  	[dreg:$0x4] =	wrdreg $0x9  }
0xb1: {  	_ =	task.clear_ibuf [dreg:s7], $0x5FFFF;
	_ =	strace $0x90000046  }
0xb2: {  	s29 =	simm.s32 $0x9;
	_ =	strace $0x80000048  }
0xb3: {  	_ =	swait.ge [sflag:s29], $0x1  }
0xb4: {  	[sflag:s29] =	ssyncadd.s32 $0xFFFFFFFF  }
0xb5: {  	_ =	strace $0x90000048  }
0xb6: {  	_ =	sfence  }
0xb7: {  	s30 =	sld [smem:$0x0];
	_ =	sdelay $0x2  }
0xb8: {  	s31 =	sshll.u32 s1, $0xD;
	s1 =	sshrl.u32 s1, $0x2  }
0xb9: {  	s3 =	sand.u32 $0x4000, s31;
	s1 =	sadd.s32 s1, s30  }
0xba: {  	s0 =	sor.u32 s3, s0;
	s1 =	sshll.u32 s1, $0x11  }
0xbb: {  	s0 =	sor.u32 s1, s0  }
0xbc: {  	s0 =	sadd.s32 $0x8F2B, s0  }
0xbd: {  	[sflag:s0] =	ssyncadd.remote.s32 $0x1  }
0xbe: {  	_ =	sfence.sel $0xFFFF  }
0xbf: {  	[dreg:$0x0] =	wrdreg $0xFFFFFFFF;
	(pc) =	sbr.abs _section_cstart, $3  }
0xc0: {  	[dreg:$0x1] =	wrdreg $0xFFFFFFFF  }
0xc1: {  	_ =	task.clear_ibuf [dreg:s7], $0x2FFFF;
	_ =	strace $0x9FFFFFFF  }
0xc2: {  	(tm) =	ssettm $0x7FFFFFFF  }
0xc3: {  	_ =	shalt  }
tec
execute0_lowered:
.L_overlay_start_1:
0x0: {  	(tag) =	ssettag $0x1  }
0x1: {  	s3 =	rddreg [dreg:$0x0]  }
0x2: {  	s8 =	rddreg [dreg:$0x1]  }
0x3: {  	s0 =	rddreg [dreg:$0x2];
	s1 =	simm.s32 $0x0;
	s2 =	srdreg.scid  }
0x4: {  	[smem:$0x7FF] =	sst s1;
	s10 =	sand.u32 $0x1, s2;
	s2 =	stileid.u32  }
0x5: {  	s5 =	sadd.s32 $0xB800, s3;
	s7 =	sadd.s32 $0x1800, s3;
	_ =	strace $0x80000047  }
0x6: {  	s4 =	sshll.u32 s10, $0x4;
	s6 =	ssub.s32 $0x2, s10;
	s9 =	sshll.u32 s2, $0xA  }
0x7: {  	s11 =	sshll.u32 s2, $0x7;
	s13 =	smul.u32 $0x600, s2;
	p0 =	sne.s32 s10, $0x0  }
0x8: {  	s10 =	simm.s32 $0x1;
	s4 =	sor.u32 s2, s4;
	s28 =	sshrl.u32 s6, $0x1  }
0x9: {  	s12 =	sadd.s32 s9, s5;
	s11 =	sand.u32 $0x380, s11;
	s4 =	sshrl.u32 s4, $0x3  }
0xa: {  	s9 =	sadd.s32 s9, s7;
	s14 =	ssub.s32 s6, s28;
	s4 =	smul.u32 $0x14000, s4  }
.Ltmp0:
0xb: {  	s3 =	sadd.s32 $0x6000, s12;
	s7 =	sadd.s32 s7, s13;
	(pc) =	sbr.rel .LBB2_1-.Ltmp0, $4  }
0xc: {  	s12 =	simm.s32 $0x80;
	s29 =	sor.u32 s11, s4;
	s4 =	sadd.s32 s5, s13  }
0xd: {  	s11 =	simm.s32 $0x3000;
	s30 =	sshrl.u32 s29, $0x3;
	s6 =	sadd.s32 $0x50000, s29  }
0xe: {  	s13 =	simm.s32 $0x400;
	s5 =	sadd.s32 s8, s30;
	s31 =	sshrl.u32 s6, $0x3  }
0xf: {  	v0 =	vimm.f32 $0.0e+00;
	v1 =	vimm.f32 $1.000000000e+00;
	s6 =	sadd.s32 $0x6000, s9;
	s9 =	smax.u32 s14, $0x1;
	s8 =	sadd.s32 s8, s31  }
.LBB2_15:
0x10: {  	s1 =	sadd.s32 $0x1, s1  }
0x11: {  	p1 =	sne.s32 s1, s9  }
.Ltmp1:
0x12: {  	_ = 	snop;
	(pc) =	sbr.rel @!p1 .LBB2_16-.Ltmp1, $4  }
0x13: {  	[hbm4b:s8+s12] =	stream.strided.scatter [tilespmem:s11], [sflag:$0x1], $0x2800, s13, s12, $0x38;
	[tilespmem:$0x5800] =	vst v63  }
0x14: {  	_ =	swait.ge [sflag:s10], $0x2800  }
0x15: {  	[sflag:s10] =	ssyncset.done $0x0  }
0x16: {  	[sflag:s10] =	ssyncadd.s32 $0xFFFFD800  }
.LBB2_1:
0x17: {  	s14 =	simm.s32 $0x0;
	s15 =	simm.s32 $0x200  }
.LBB2_2:
0x18: {  	p1 =	sne.s32 s15, $0x9E00;
	[tilespmem:s14+$0x3070] =	vst v0  }
0x19: {  	[tilespmem:s14+$0x3000] =	vst v0  }
0x1a: {  	[tilespmem:s14+$0x3010] =	vst v0  }
.Ltmp2:
0x1b: {  	[tilespmem:s14+$0x3020] =	vst v0;
	(pc) =	sbr.rel @p1 .LBB2_2-.Ltmp2, $4  }
0x1c: {  	[tilespmem:s14+$0x3030] =	vst v0  }
0x1d: {  	[tilespmem:s14+$0x3040] =	vst v0  }
0x1e: {  	[tilespmem:s14+$0x3050] =	vst v0  }
0x1f: {  	[tilespmem:s14+$0x3060] =	vst v0;
	s14 =	sshra.s32 s15, $0x2;
	s15 =	sadd.s32 $0x200, s15  }
0x20: {  	[tilespmem:s14+$0x3070] =	vst v0  }
0x21: {  	[tilespmem:s14+$0x3000] =	vst v0  }
0x22: {  	[tilespmem:s14+$0x3010] =	vst v0  }
.Ltmp3:
0x23: {  	[tilespmem:s14+$0x3020] =	vst v0;
	(pc) =	sbr.rel @p0 .LBB2_6-.Ltmp3, $4  }
0x24: {  	[tilespmem:s14+$0x3030] =	vst v0  }
0x25: {  	[tilespmem:s14+$0x3040] =	vst v0  }
0x26: {  	[tilespmem:s14+$0x3050] =	vst v0  }
0x27: {  	[tilespmem:s14+$0x3060] =	vst v0;
	s14 =	simm.s32 $0x0  }
0x28: {  	[tilespmem:s14], [sflag:$0x1] =	stream.linear.gather [hbm4b:s4+s14], $0x3000, $0x38;
	[tilespmem:$0x5800] =	vst v63  }
0x29: {  	_ =	swait.ge [sflag:s10], $0x3000  }
0x2a: {  	[sflag:s10] =	ssyncset.done $0x0  }
0x2b: {  	[sflag:s10] =	ssyncadd.s32 $0xFFFFD000  }
.LBB2_5:
0x2c: {  	s15 =	sshra.s32 s14, $0x2  }
0x2d: {  	v2 =	vld [tilespmem:s15+$0x0];
	_ =	sdelay $0x7  }
0x2e: {  	[tilespmem:v2+s11+$0x0] =	vst.idx.add.f32.msk $0xffff, v1  }
0x2f: {  	v2 =	vld [tilespmem:s15+$0x10];
	_ =	sdelay $0x7  }
0x30: {  	[tilespmem:v2+s11+$0x0] =	vst.idx.add.f32.msk $0xffff, v1  }
0x31: {  	v2 =	vld [tilespmem:s15+$0x20];
	_ =	sdelay $0x7  }
0x32: {  	[tilespmem:v2+s11+$0x0] =	vst.idx.add.f32.msk $0xffff, v1  }
0x33: {  	v2 =	vld [tilespmem:s15+$0x30];
	_ =	sdelay $0x7  }
0x34: {  	[tilespmem:v2+s11+$0x0] =	vst.idx.add.f32.msk $0xffff, v1  }
0x35: {  	v2 =	vld [tilespmem:s15+$0x40];
	_ =	sdelay $0x7  }
0x36: {  	[tilespmem:v2+s11+$0x0] =	vst.idx.add.f32.msk $0xffff, v1  }
0x37: {  	v2 =	vld [tilespmem:s15+$0x50];
	_ =	sdelay $0x7  }
0x38: {  	[tilespmem:v2+s11+$0x0] =	vst.idx.add.f32.msk $0xffff, v1  }
0x39: {  	v2 =	vld [tilespmem:s15+$0x60];
	_ =	sdelay $0x7  }
0x3a: {  	[tilespmem:v2+s11+$0x0] =	vst.idx.add.f32.msk $0xffff, v1  }
0x3b: {  	v2 =	vld [tilespmem:s15+$0x70];
	_ =	sdelay $0x2  }
0x3c: {  	p1 =	seq.s32 s14, $0xBE00  }
.Ltmp4:
0x3d: {  	_ = 	snop;
	(pc) =	sbr.rel @!p1 .LBB2_5-.Ltmp4, $2  }
0x3e: {  	_ =	sdelay $0x2  }
0x3f: {  	s14 =	sadd.s32 $0x200, s14;
	[tilespmem:v2+s11+$0x0] =	vst.idx.add.f32.msk $0xffff, v1  }
.Ltmp5:
0x40: {  	_ = 	snop;
	(pc) =	sbr.rel .LBB2_8-.Ltmp5, $1  }
0x41: {  	_ =	sdelay $0x3  }
.LBB2_6:
0x42: {  	[tilespmem:s14], [sflag:$0x1] =	stream.linear.gather [hbm4b:s3+s14], $0x2000, $0x38;
	[tilespmem:$0x5800] =	vst v63  }
0x43: {  	_ =	swait.ge [sflag:s10], $0x2000  }
0x44: {  	[sflag:s10] =	ssyncset.done $0x0  }
0x45: {  	[sflag:s10] =	ssyncadd.s32 $0xFFFFE000  }
.LBB2_7:
0x46: {  	s15 =	sshra.s32 s14, $0x2  }
0x47: {  	v2 =	vld [tilespmem:s15+$0x0];
	_ =	sdelay $0x7  }
0x48: {  	[tilespmem:v2+s11+$0x0] =	vst.idx.add.f32.msk $0xffff, v1  }
0x49: {  	v2 =	vld [tilespmem:s15+$0x10];
	_ =	sdelay $0x7  }
0x4a: {  	[tilespmem:v2+s11+$0x0] =	vst.idx.add.f32.msk $0xffff, v1  }
0x4b: {  	v2 =	vld [tilespmem:s15+$0x20];
	_ =	sdelay $0x7  }
0x4c: {  	[tilespmem:v2+s11+$0x0] =	vst.idx.add.f32.msk $0xffff, v1  }
0x4d: {  	v2 =	vld [tilespmem:s15+$0x30];
	_ =	sdelay $0x7  }
0x4e: {  	[tilespmem:v2+s11+$0x0] =	vst.idx.add.f32.msk $0xffff, v1  }
0x4f: {  	v2 =	vld [tilespmem:s15+$0x40];
	_ =	sdelay $0x7  }
0x50: {  	[tilespmem:v2+s11+$0x0] =	vst.idx.add.f32.msk $0xffff, v1  }
0x51: {  	v2 =	vld [tilespmem:s15+$0x50];
	_ =	sdelay $0x7  }
0x52: {  	[tilespmem:v2+s11+$0x0] =	vst.idx.add.f32.msk $0xffff, v1  }
0x53: {  	v2 =	vld [tilespmem:s15+$0x60];
	_ =	sdelay $0x7  }
0x54: {  	[tilespmem:v2+s11+$0x0] =	vst.idx.add.f32.msk $0xffff, v1  }
0x55: {  	v2 =	vld [tilespmem:s15+$0x70];
	_ =	sdelay $0x2  }
0x56: {  	p1 =	sne.s32 s14, $0x7E00  }
.Ltmp6:
0x57: {  	_ = 	snop;
	(pc) =	sbr.rel @p1 .LBB2_7-.Ltmp6, $2  }
0x58: {  	_ =	sdelay $0x2  }
0x59: {  	s14 =	sadd.s32 $0x200, s14;
	[tilespmem:v2+s11+$0x0] =	vst.idx.add.f32.msk $0xffff, v1  }
.LBB2_8:
0x5a: {  	[hbm4b:s5+s12] =	stream.strided.scatter [tilespmem:s11], [sflag:$0x1], $0x2800, s13, s12, $0x38;
	[tilespmem:$0x5800] =	vst v63  }
0x5b: {  	_ =	swait.ge [sflag:s10], $0x2800  }
0x5c: {  	[sflag:s10] =	ssyncset.done $0x0  }
0x5d: {  	s14 =	simm.s32 $0x0;
	s15 =	simm.s32 $0x200;
	[sflag:s10] =	ssyncadd.s32 $0xFFFFD800  }
.LBB2_9:
0x5e: {  	p1 =	sne.s32 s15, $0x9E00;
	[tilespmem:s14+$0x3070] =	vst v0  }
0x5f: {  	[tilespmem:s14+$0x3000] =	vst v0  }
0x60: {  	[tilespmem:s14+$0x3010] =	vst v0  }
.Ltmp7:
0x61: {  	[tilespmem:s14+$0x3020] =	vst v0;
	(pc) =	sbr.rel @p1 .LBB2_9-.Ltmp7, $4  }
0x62: {  	[tilespmem:s14+$0x3030] =	vst v0  }
0x63: {  	[tilespmem:s14+$0x3040] =	vst v0  }
0x64: {  	[tilespmem:s14+$0x3050] =	vst v0  }
0x65: {  	[tilespmem:s14+$0x3060] =	vst v0;
	s14 =	sshra.s32 s15, $0x2;
	s15 =	sadd.s32 $0x200, s15  }
0x66: {  	[tilespmem:s14+$0x3070] =	vst v0  }
0x67: {  	[tilespmem:s14+$0x3000] =	vst v0  }
0x68: {  	[tilespmem:s14+$0x3010] =	vst v0  }
.Ltmp8:
0x69: {  	[tilespmem:s14+$0x3020] =	vst v0;
	(pc) =	sbr.rel @p0 .LBB2_13-.Ltmp8, $4  }
0x6a: {  	[tilespmem:s14+$0x3030] =	vst v0  }
0x6b: {  	[tilespmem:s14+$0x3040] =	vst v0  }
0x6c: {  	[tilespmem:s14+$0x3050] =	vst v0  }
0x6d: {  	[tilespmem:s14+$0x3060] =	vst v0;
	s14 =	simm.s32 $0x0  }
0x6e: {  	[tilespmem:s14], [sflag:$0x1] =	stream.linear.gather [hbm4b:s7+s14], $0x3000, $0x38;
	[tilespmem:$0x5800] =	vst v63  }
0x6f: {  	_ =	swait.ge [sflag:s10], $0x3000  }
0x70: {  	[sflag:s10] =	ssyncset.done $0x0  }
0x71: {  	[sflag:s10] =	ssyncadd.s32 $0xFFFFD000  }
.LBB2_12:
0x72: {  	s15 =	sshra.s32 s14, $0x2  }
0x73: {  	v2 =	vld [tilespmem:s15+$0x0];
	_ =	sdelay $0x7  }
0x74: {  	[tilespmem:v2+s11+$0x0] =	vst.idx.add.f32.msk $0xffff, v1  }
0x75: {  	v2 =	vld [tilespmem:s15+$0x10];
	_ =	sdelay $0x7  }
0x76: {  	[tilespmem:v2+s11+$0x0] =	vst.idx.add.f32.msk $0xffff, v1  }
0x77: {  	v2 =	vld [tilespmem:s15+$0x20];
	_ =	sdelay $0x7  }
0x78: {  	[tilespmem:v2+s11+$0x0] =	vst.idx.add.f32.msk $0xffff, v1  }
0x79: {  	v2 =	vld [tilespmem:s15+$0x30];
	_ =	sdelay $0x7  }
0x7a: {  	[tilespmem:v2+s11+$0x0] =	vst.idx.add.f32.msk $0xffff, v1  }
0x7b: {  	v2 =	vld [tilespmem:s15+$0x40];
	_ =	sdelay $0x7  }
0x7c: {  	[tilespmem:v2+s11+$0x0] =	vst.idx.add.f32.msk $0xffff, v1  }
0x7d: {  	v2 =	vld [tilespmem:s15+$0x50];
	_ =	sdelay $0x7  }
0x7e: {  	[tilespmem:v2+s11+$0x0] =	vst.idx.add.f32.msk $0xffff, v1  }
0x7f: {  	v2 =	vld [tilespmem:s15+$0x60];
	_ =	sdelay $0x7  }
0x80: {  	[tilespmem:v2+s11+$0x0] =	vst.idx.add.f32.msk $0xffff, v1  }
0x81: {  	v2 =	vld [tilespmem:s15+$0x70];
	_ =	sdelay $0x2  }
0x82: {  	p1 =	seq.s32 s14, $0xBE00  }
.Ltmp9:
0x83: {  	_ = 	snop;
	(pc) =	sbr.rel @!p1 .LBB2_12-.Ltmp9, $2  }
0x84: {  	_ =	sdelay $0x2  }
0x85: {  	s14 =	sadd.s32 $0x200, s14;
	[tilespmem:v2+s11+$0x0] =	vst.idx.add.f32.msk $0xffff, v1  }
.Ltmp10:
0x86: {  	_ = 	snop;
	(pc) =	sbr.rel .LBB2_15-.Ltmp10, $1  }
0x87: {  	_ =	sdelay $0x3  }
.LBB2_13:
0x88: {  	[tilespmem:s14], [sflag:$0x1] =	stream.linear.gather [hbm4b:s6+s14], $0x2000, $0x38;
	[tilespmem:$0x5800] =	vst v63  }
0x89: {  	_ =	swait.ge [sflag:s10], $0x2000  }
0x8a: {  	[sflag:s10] =	ssyncset.done $0x0  }
0x8b: {  	[sflag:s10] =	ssyncadd.s32 $0xFFFFE000  }
.LBB2_14:
0x8c: {  	s15 =	sshra.s32 s14, $0x2  }
0x8d: {  	v2 =	vld [tilespmem:s15+$0x0];
	_ =	sdelay $0x7  }
0x8e: {  	[tilespmem:v2+s11+$0x0] =	vst.idx.add.f32.msk $0xffff, v1  }
0x8f: {  	v2 =	vld [tilespmem:s15+$0x10];
	_ =	sdelay $0x7  }
0x90: {  	[tilespmem:v2+s11+$0x0] =	vst.idx.add.f32.msk $0xffff, v1  }
0x91: {  	v2 =	vld [tilespmem:s15+$0x20];
	_ =	sdelay $0x7  }
0x92: {  	[tilespmem:v2+s11+$0x0] =	vst.idx.add.f32.msk $0xffff, v1  }
0x93: {  	v2 =	vld [tilespmem:s15+$0x30];
	_ =	sdelay $0x7  }
0x94: {  	[tilespmem:v2+s11+$0x0] =	vst.idx.add.f32.msk $0xffff, v1  }
0x95: {  	v2 =	vld [tilespmem:s15+$0x40];
	_ =	sdelay $0x7  }
0x96: {  	[tilespmem:v2+s11+$0x0] =	vst.idx.add.f32.msk $0xffff, v1  }
0x97: {  	v2 =	vld [tilespmem:s15+$0x50];
	_ =	sdelay $0x7  }
0x98: {  	[tilespmem:v2+s11+$0x0] =	vst.idx.add.f32.msk $0xffff, v1  }
0x99: {  	v2 =	vld [tilespmem:s15+$0x60];
	_ =	sdelay $0x7  }
0x9a: {  	[tilespmem:v2+s11+$0x0] =	vst.idx.add.f32.msk $0xffff, v1  }
0x9b: {  	v2 =	vld [tilespmem:s15+$0x70];
	_ =	sdelay $0x2  }
0x9c: {  	p1 =	sne.s32 s14, $0x7E00  }
.Ltmp11:
0x9d: {  	_ = 	snop;
	(pc) =	sbr.rel @p1 .LBB2_14-.Ltmp11, $2  }
0x9e: {  	_ =	sdelay $0x2  }
0x9f: {  	s14 =	sadd.s32 $0x200, s14;
	[tilespmem:v2+s11+$0x0] =	vst.idx.add.f32.msk $0xffff, v1  }
.Ltmp12:
0xa0: {  	_ = 	snop;
	(pc) =	sbr.rel .LBB2_15-.Ltmp12, $1  }
0xa1: {  	_ =	sdelay $0x3  }
.LBB2_16:
0xa2: {  	_ =	sfence.sel $0x180000  }
0xa3: {  	[bflag:$0x0] =	sbarrier.arrive $0xFFFF  }
0xa4: {  	p0 =	sne.s32 s2, $0x0;
	_ =	strace $0x90000047  }
0xa5: {  	s0 =	sadd.s32 @!p0 $0x100000, s0;
	[bflag:$0x2] =	sbarrier.arrive $0xFFFF  }
0xa6: {  	[sflag:s0] =	ssyncadd.tile.s32 @!p0 $0x1;
	_ =	shalt  }
.Lfunc_end2:
_tile_overlayer_lowered:
.L_overlay_start_2:
0xa7: {  	(tag) =	ssettag $0x2  }
0xa8: {  	s0 =	rddreg [dreg:$0x0];
	s2 =	stileid.u32  }
0xa9: {  	s1 =	rddreg [dreg:$0x1];
	p0 =	sne.s32 s2, $0x0  }
0xaa: {  	s3 =	rddreg [dreg:$0x2];
	[bflag:$0x3] =	sbarrier.arrive $0xFFFF;
	s2 =	simm.s32 @!p0 $0x1C01  }
0xab: {  	[timem:s3], [sflag:s2] =	dma.local @!p0 [hbm:s0], s1  }
0xac: {  	s0 =	simm.s32 @!p0 $0x1  }
0xad: {  	_ =	swait.ge @!p0 [sflag:s0], s1  }
0xae: {  	s1 =	ssub.s32 @!p0 $0x0, s1;
	[sflag:s0] =	ssyncset.done @!p0 $0x0  }
0xaf: {  	[sflag:s0] =	ssyncadd.s32 @!p0 s1  }
0xb0: {  	[bflag:$0x3] =	sbarrier.arrive $0xFFFF  }
0xb1: {  	_ =	shalt  }

</sc_bundles>
